<compile_context>
chip_gen: v7x
topology: tpu7x:2x2x1
jax: 0.10.2.dev20260603
libtpu: 0.0.44.dev20260713+nightly
codegen_flags: <defaults>
</compile_context>

<pallas_src>
import functools

import jax
import jax.numpy as jnp
from jax import lax
from jax.experimental import pallas as pl
from jax.experimental.pallas import tpu as pltpu
from jax.experimental.pallas import tpu_sc as plsc

N = 10000
E = 320000
NP = 10240
G = 64
NC = 2
NS = 16
NW = NC * NS
EPT = E // NW
CH = 128
NCHK = E // CH
CPW = NCHK // NW
CREM = NCHK - CPW * NW
RPT = NP // NS

_mesh = functools.partial(
    plsc.VectorSubcoreMesh, core_axis_name="c", subcore_axis_name="s"
)


def _deg_body(dst_hbm, out_hbm, idx_v, deg_v):
    c = lax.axis_index("c")
    s = lax.axis_index("s")
    wid = c * NS + s

    def zero(i, _):
        deg_v[pl.ds(i * 16, 16)] = jnp.zeros((16,), jnp.float32)
        return 0

    lax.fori_loop(0, NP // 16, zero, 0)

    pltpu.sync_copy(dst_hbm.at[pl.ds(wid * EPT, EPT)], idx_v)
    ones = jnp.ones((16,), jnp.float32)

    def body(j, _):
        idx = idx_v[pl.ds(j * 16, 16)]
        plsc.addupdate_scatter(deg_v, [idx], ones)
        return 0

    lax.fori_loop(0, EPT // 16, body, 0)
    pltpu.sync_copy(deg_v, out_hbm.at[wid])


def _deg_call(dst):
    return pl.kernel(
        _deg_body,
        out_type=jax.ShapeDtypeStruct((NW, NP), jnp.float32),
        mesh=_mesh(),
        scratch_types=[
            pltpu.VMEM((EPT,), jnp.int32),
            pltpu.VMEM((NP,), jnp.float32),
        ],
        compiler_params=pltpu.CompilerParams(needs_layout_passes=False),
    )(dst)


def _spmm_body(F, wide_scat, gs_hbm, src_hbm, dst1_hbm, out_hbm, sidx, didx, rows, acc, sem):
    c = lax.axis_index("c")
    s = lax.axis_index("s")
    wid = c * NS + s

    def zr(r, _):
        def zc(k, _):
            rows[0][r, pl.ds(k * 16, 16)] = jnp.zeros((16,), jnp.float32)
            return 0

        lax.fori_loop(0, F // 16, zc, 0)
        return 0

    lax.fori_loop(0, CH, zr, 0)
    for j in range(RPT // CH):
        pltpu.sync_copy(rows[0], acc.at[pl.ds(s * RPT + j * CH, CH)])
    plsc.subcore_barrier()

    base = wid * CPW + jnp.minimum(wid, CREM)
    n = jnp.where(wid < CREM, CPW + 1, CPW)
    pltpu.sync_copy(src_hbm.at[pl.ds(base, CPW + 1)], sidx)
    if not wide_scat:
        pltpu.sync_copy(dst1_hbm.at[pl.ds(base, CPW + 1)], didx)

    NB = len(rows)

    def gstart(i, k):
        pltpu.async_copy(gs_hbm.at[sidx.at[i]], rows[k], sem.at[k])

    def gwait(k):
        pltpu.make_async_copy(gs_hbm.at[sidx.at[0]], rows[k], sem.at[k]).wait()

    def scat(i, k):
        if wide_scat:
            pltpu.sync_copy(dst1_hbm.at[pl.ds((base + i) * CH, CH)], didx)
            gwait(k)
            pltpu.sync_copy(rows[k], acc.at[didx], add=True)
        else:
            gwait(k)
            pltpu.sync_copy(rows[k], acc.at[didx.at[i]], add=True)

    for b in range(NB - 1):
        gstart(b, b)

    def edge(j, _):
        i0 = NB * j

        for b in range(NB):
            i = i0 + b
            gstart(i + NB - 1, (b + NB - 1) % NB)
            scat(i, b)
        return 0

    NGRP = (CPW - NB + 1) // NB
    lax.fori_loop(0, NGRP, edge, 0)
    for t in range(NGRP * NB, CPW):
        b = t % NB

        @pl.when(t + NB - 1 < n)
        def _(t=t, b=(t + NB - 1) % NB):
            gstart(t + NB - 1, b)

        scat(t, b)

    @pl.when(CPW < n)
    def _():
        scat(CPW, CPW % NB)

    plsc.subcore_barrier()
    pltpu.sync_copy(
        acc.at[pl.ds(s * RPT, RPT)], out_hbm.at[c, pl.ds(s * RPT, RPT)]
    )


def _spmm_call(F, NB, wide_scat, tbl, src2d, dst):
    return pl.kernel(
        functools.partial(_spmm_body, F, wide_scat),
        out_type=jax.ShapeDtypeStruct((NC, NP, F), jnp.float32),
        mesh=_mesh(),
        scratch_types=[
            pltpu.VMEM((CPW + 1, CH), jnp.int32),
            pltpu.VMEM((CH,), jnp.int32)
            if wide_scat
            else pltpu.VMEM((CPW + 1, CH), jnp.int32),
            tuple(pltpu.VMEM((CH, F), jnp.float32) for _ in range(NB)),
            pltpu.VMEM_SHARED((NP, F), jnp.float32),
            pltpu.SemaphoreType.DMA((NB,)),
        ],
        compiler_params=pltpu.CompilerParams(use_tc_tiling_on_sc=False),
    )(tbl, src2d, dst)


def _prep_body(degp_ref, x_ref, xs_ref, dc_ref):
    deg = 1.0 + jnp.sum(degp_ref[...], axis=0, keepdims=True)
    dinv = lax.rsqrt(jnp.maximum(deg, 1e-12))
    dc = jnp.reshape(dinv, (NP, 1))
    dc_ref[...] = dc
    xs_ref[pl.ds(0, N), :] = x_ref[...] * dc[:N, :]
    xs_ref[pl.ds(N, NP - N), :] = jnp.zeros((NP - N, 128), jnp.float32)


def _mid_body(p0, p1, xs, d, w1, b1, w2, o):
    agg = d[...] * (p0[...] + p1[...] + xs[...])
    h1 = jnp.maximum(
        jnp.dot(agg, w1[...], preferred_element_type=jnp.float32) + b1[...], 0.0
    )
    g = jnp.dot(h1, w2[...], preferred_element_type=jnp.float32)
    o[...] = g * d[...]


def _head_body(q0, q1, gs, d, b2, bt, fc1w, fc1b, fc2w, fc2b, o):
    h2 = jnp.maximum(d[...] * (q0[...] + q1[...] + gs[...]) + b2[...], 0.0)
    gid = lax.broadcasted_iota(jnp.int32, (G, NP), 0)
    oh = (gid == bt[...]).astype(jnp.float32)
    psum = jnp.dot(oh, h2, preferred_element_type=jnp.float32)
    cnt = jnp.sum(oh, axis=1, keepdims=True)
    pooled = psum / jnp.maximum(cnt, 1.0)
    z = jnp.tanh(jnp.dot(pooled, fc1w[...], preferred_element_type=jnp.float32) + fc1b[...])
    zz = jnp.dot(z, fc2w[...], preferred_element_type=jnp.float32) + fc2b[...]
    o[...] = jax.nn.sigmoid(zz)


def kernel(x, edge_index, batch, W1, b1, W2, b2, fc1_w, fc1_b, fc2_w, fc2_b):
    f32 = jnp.float32
    src = edge_index[0].astype(jnp.int32)
    dst = edge_index[1].astype(jnp.int32)
    npad = (NCHK + CREM) * CH - E
    src2d = jnp.pad(src, (0, npad), constant_values=N).reshape(NCHK + CREM, CH)
    dst2d = jnp.pad(dst, (0, npad), constant_values=N).reshape(NCHK + CREM, CH)
    batch_pad = jnp.pad(
        batch.astype(jnp.int32), (0, NP - N), constant_values=2**20
    ).reshape(1, NP)

    degp = _deg_call(dst)

    RB = 1280
    xs, dinv_col = pl.pallas_call(
        _prep_body,
        out_shape=(
            jax.ShapeDtypeStruct((NP, 128), f32),
            jax.ShapeDtypeStruct((NP, 1), f32),
        ),
    )(degp, x.astype(f32))

    P = _spmm_call(128, 2, True, xs, src2d, dst)

    gs = pl.pallas_call(
        _mid_body,
        grid=(NP // RB,),
        in_specs=[
            pl.BlockSpec((RB, 128), lambda i: (i, 0)),
            pl.BlockSpec((RB, 128), lambda i: (i, 0)),
            pl.BlockSpec((RB, 128), lambda i: (i, 0)),
            pl.BlockSpec((RB, 1), lambda i: (i, 0)),
            pl.BlockSpec((128, 128), lambda i: (0, 0)),
            pl.BlockSpec((1, 128), lambda i: (0, 0)),
            pl.BlockSpec((128, 32), lambda i: (0, 0)),
        ],
        out_specs=pl.BlockSpec((RB, 32), lambda i: (i, 0)),
        out_shape=jax.ShapeDtypeStruct((NP, 32), f32),
    )(P[0], P[1], xs, dinv_col, W1, b1.reshape(1, 128), W2)

    Q = _spmm_call(32, 8, False, gs, src2d, dst2d)

    out = pl.pallas_call(
        _head_body,
        out_shape=jax.ShapeDtypeStruct((G, 1), f32),
    )(
        Q[0],
        Q[1],
        gs,
        dinv_col,
        b2.reshape(1, 32),
        batch_pad,
        fc1_w,
        fc1_b.reshape(1, 16),
        fc2_w,
        fc2_b.reshape(1, 1),
    )
    return out

# --- scband reference (transcript-rebuilt; emitter-appended) ---
"""Pipeline reference for scband-gcn-10033043603648 (READ-ONLY COPY).

The authoritative reference and input builder live on the scoring server;
editing this copy changes nothing except your own understanding.
"""

import jax, jax.numpy as jnp
import numpy as np

N_NODES = 10000
N_EDGES = 320000
NUM_GRAPHS = 64
D_IN = 128


def gcn_conv(x, src, dst, W, b):
    n = x.shape[0]
    loop = jnp.arange(n, dtype=src.dtype)
    s = jnp.concatenate([src, loop])
    d = jnp.concatenate([dst, loop])
    deg = jax.ops.segment_sum(jnp.ones(s.shape[0], dtype=x.dtype), d, num_segments=n)
    dinv = jax.lax.rsqrt(jnp.maximum(deg, 1e-12))
    norm = dinv[s] * dinv[d]
    msg = x[s] * norm[:, None]
    agg = jax.ops.segment_sum(msg, d, num_segments=n)
    return agg @ W + b


def setup_inputs(seed: int = 0):
    key = jax.random.key(seed)
    ks = jax.random.split(key, 12)
    x = jax.random.normal(ks[0], (N_NODES, D_IN), dtype=jnp.float32)
    edge_index = jax.random.randint(ks[1], (2, N_EDGES), 0, N_NODES)
    batch = jnp.sort(jax.random.randint(ks[2], (N_NODES,), 0, NUM_GRAPHS))
    W1 = jax.random.uniform(ks[3], (D_IN, 128), minval=-1.0, maxval=1.0, dtype=jnp.float32)
    b1 = jax.random.uniform(ks[4], (128,), minval=-1.0, maxval=1.0, dtype=jnp.float32)
    W2 = jax.random.uniform(ks[5], (128, 32), minval=-1.0, maxval=1.0, dtype=jnp.float32)
    b2 = jax.random.uniform(ks[6], (32,), minval=-1.0, maxval=1.0, dtype=jnp.float32)
    fc1_w = jax.random.normal(ks[7], (32, 16), dtype=jnp.float32) * 0.1
    fc1_b = jnp.zeros((16,), dtype=jnp.float32)
    fc2_w = jax.random.normal(ks[8], (16, 1), dtype=jnp.float32) * 0.1
    fc2_b = jnp.zeros((1,), dtype=jnp.float32)
    return {"x": x, "edge_index": edge_index, "batch": batch, "W1": W1, "b1": b1, "W2": W2, "b2": b2, "fc1_w": fc1_w, "fc1_b": fc1_b, "fc2_w": fc2_w, "fc2_b": fc2_b}


def reference(x, edge_index, batch, W1, b1, W2, b2, fc1_w, fc1_b, fc2_w, fc2_b):
    src, dst = edge_index[0], edge_index[1]
    h = jax.nn.relu(gcn_conv(x, src, dst, W1, b1))
    h = jax.nn.relu(gcn_conv(h, src, dst, W2, b2))
    sums = jax.ops.segment_sum(h, batch, num_segments=NUM_GRAPHS)
    counts = jax.ops.segment_sum(jnp.ones((h.shape[0],), dtype=h.dtype), batch, num_segments=NUM_GRAPHS)
    pooled = sums / jnp.maximum(counts, 1.0)[:, None]
    z = jnp.tanh(pooled @ fc1_w + fc1_b)
    z = z @ fc2_w + fc2_b
    return jax.nn.sigmoid(z)

if __name__ == "__main__":
    import jax
    _d = setup_inputs()
    print(jax.jit(kernel)(*tuple(_d.values())))

</pallas_src>

<mosaic_0001>
#map = affine_map<(d0, d1) -> (0)>
#map1 = affine_map<(d0, d1) -> (0, 0)>
module attributes {stable_mosaic.version = 14 : i64} {
  func.func @_deg_body(%arg0: i32, %arg1: i32, %arg2: memref<320000xi32, #tpu.memory_space<hbm>>, %arg3: memref<32x10240xf32, #tpu.memory_space<hbm>>, %arg4: memref<10000xi32, #tpu.memory_space<vmem>>, %arg5: memref<10240xf32, #tpu.memory_space<vmem>>) attributes {dimension_semantics = [#tpu.dimension_semantics<core_parallel>, #tpu.dimension_semantics<subcore_parallel>], iteration_bounds = array<i64: 2, 16>, scalar_prefetch = 0 : i64, scratch_operands = 2 : i64, tpu.core_type = #tpu.core_type<sc_vector_subcore>, window_params = [{transform_indices = #map}, {transform_indices = #map1}]} {
    %mul3A = arith.constant 16 : i32
    %mul3A_0 = arith.muli %arg0, %mul3A : i32
    %add3A = arith.addi %mul3A_0, %arg1 : i32
    %scan3A = arith.constant 0 : i32
    %scan3A_1 = arith.constant 0 : i32
    %scan3A_2 = arith.constant 640 : i32
    %scan3A_3 = arith.addi %scan3A_1, %scan3A_2 : i32
    %scan3A_4 = arith.constant 1 : i32
    %scan3A_5 = scf.for %scan3A_17 = %scan3A_1 to %scan3A_3 step %scan3A_4 iter_args(%scan3A_18 = %scan3A) -> (i32)  : i32 {
      %broadcast_in_dim3A_19 = arith.constant 0.000000e+00 : f32
      %broadcast_in_dim3A_20 = vector.broadcast %broadcast_in_dim3A_19 : f32 to vector<16xf32>
      %mul3A_21 = arith.constant 16 : i32
      %mul3A_22 = arith.muli %scan3A_17, %mul3A_21 : i32
      %swap3A = arith.index_cast %mul3A_22 : i32 to index
      %swap3A_23 = tpu.vector_load %arg5[%swap3A] {strides = array<i32>} : memref<10240xf32, #tpu.memory_space<vmem>>, vector<16xf32>,
      tpu.vector_store %arg5[%swap3A], %broadcast_in_dim3A_20 {strides = array<i32>} : memref<10240xf32, #tpu.memory_space<vmem>>, vector<16xf32>,
      %scan3A_24 = arith.constant 0 : i32
      scf.yield %scan3A_24 : i32
    }
    %scan3A_6 = arith.constant 640 : i32
    %mul3A_7 = arith.constant 10000 : i32
    %mul3A_8 = arith.muli %add3A, %mul3A_7 : i32
    "tpu.region"() ({
      %run_scoped3A = tpu.sem_alloc : memref<!tpu.dma_semaphore, #tpu.memory_space<semaphore_mem>>
      %dma_start3A = tpu.memref_slice %arg2[%mul3A_8] : memref<320000xi32, #tpu.memory_space<hbm>> -> memref<10000xi32, #tpu.memory_space<hbm>>
      %dma_start3A_17 = tpu.memref_slice %arg2[%mul3A_8] : memref<320000xi32, #tpu.memory_space<hbm>> -> memref<10000xi32, #tpu.memory_space<hbm>>
      tpu.enqueue_dma source(%dma_start3A_17 : memref<10000xi32, #tpu.memory_space<hbm>>) target(%arg4 : memref<10000xi32, #tpu.memory_space<vmem>>) target_semaphore(%run_scoped3A : memref<!tpu.dma_semaphore, #tpu.memory_space<semaphore_mem>>)
      %dma_wait3A = tpu.memref_slice %arg2[%mul3A_8] : memref<320000xi32, #tpu.memory_space<hbm>> -> memref<10000xi32, #tpu.memory_space<hbm>>
      %dma_wait3A_18 = tpu.memref_slice %arg2[%mul3A_8] : memref<320000xi32, #tpu.memory_space<hbm>> -> memref<10000xi32, #tpu.memory_space<hbm>>
      tpu.wait_dma2 semaphore(%run_scoped3A : memref<!tpu.dma_semaphore, #tpu.memory_space<semaphore_mem>>) src(%dma_wait3A_18 : memref<10000xi32, #tpu.memory_space<hbm>>) dst(%arg4 : memref<10000xi32, #tpu.memory_space<vmem>>)
      tpu.yield
    }) : () -> ()
    %broadcast_in_dim3A = arith.constant 1.000000e+00 : f32
    %broadcast_in_dim3A_9 = vector.broadcast %broadcast_in_dim3A : f32 to vector<16xf32>
    %scan3A_10 = arith.constant 0 : i32
    %scan3A_11 = arith.constant 0 : i32
    %scan3A_12 = arith.constant 625 : i32
    %scan3A_13 = arith.addi %scan3A_11, %scan3A_12 : i32
    %scan3A_14 = arith.constant 1 : i32
    %scan3A_15 = scf.for %scan3A_17 = %scan3A_11 to %scan3A_13 step %scan3A_14 iter_args(%scan3A_18 = %scan3A_10) -> (i32)  : i32 {
      %mul3A_19 = arith.constant 16 : i32
      %mul3A_20 = arith.muli %scan3A_17, %mul3A_19 : i32
      %get3A = arith.index_cast %mul3A_20 : i32 to index
      %get3A_21 = tpu.vector_load %arg4[%get3A] {strides = array<i32>} : memref<10000xi32, #tpu.memory_space<vmem>>, vector<16xi32>,
      tpu.vector_store_idx %arg5[%get3A_21], %broadcast_in_dim3A_9 {add = true} : memref<10240xf32, #tpu.memory_space<vmem>>[vector<16xi32>], vector<16xf32>,
      %scan3A_22 = arith.constant 0 : i32
      scf.yield %scan3A_22 : i32
    }
    %scan3A_16 = arith.constant 625 : i32
    "tpu.region"() ({
      %run_scoped3A = tpu.sem_alloc : memref<!tpu.dma_semaphore, #tpu.memory_space<semaphore_mem>>
      %dma_start3A = arith.constant 0 : i32
      %dma_start3A_17 = tpu.memref_slice %arg3[%add3A, %dma_start3A] : memref<32x10240xf32, #tpu.memory_space<hbm>> -> memref<1x10240xf32, #tpu.memory_space<hbm>>
      %dma_start3A_18 = tpu.memref_squeeze %dma_start3A_17 : memref<1x10240xf32, #tpu.memory_space<hbm>> -> memref<10240xf32, #tpu.memory_space<hbm>>
      %dma_start3A_19 = arith.constant 0 : i32
      %dma_start3A_20 = tpu.memref_slice %arg3[%add3A, %dma_start3A_19] : memref<32x10240xf32, #tpu.memory_space<hbm>> -> memref<1x10240xf32, #tpu.memory_space<hbm>>
      %dma_start3A_21 = tpu.memref_squeeze %dma_start3A_20 : memref<1x10240xf32, #tpu.memory_space<hbm>> -> memref<10240xf32, #tpu.memory_space<hbm>>
      tpu.enqueue_dma source(%arg5 : memref<10240xf32, #tpu.memory_space<vmem>>) target(%dma_start3A_21 : memref<10240xf32, #tpu.memory_space<hbm>>) target_semaphore(%run_scoped3A : memref<!tpu.dma_semaphore, #tpu.memory_space<semaphore_mem>>)
      %dma_wait3A = arith.constant 0 : i32
      %dma_wait3A_22 = tpu.memref_slice %arg3[%add3A, %dma_wait3A] : memref<32x10240xf32, #tpu.memory_space<hbm>> -> memref<1x10240xf32, #tpu.memory_space<hbm>>
      %dma_wait3A_23 = tpu.memref_squeeze %dma_wait3A_22 : memref<1x10240xf32, #tpu.memory_space<hbm>> -> memref<10240xf32, #tpu.memory_space<hbm>>
      %dma_wait3A_24 = arith.constant 0 : i32
      %dma_wait3A_25 = tpu.memref_slice %arg3[%add3A, %dma_wait3A_24] : memref<32x10240xf32, #tpu.memory_space<hbm>> -> memref<1x10240xf32, #tpu.memory_space<hbm>>
      %dma_wait3A_26 = tpu.memref_squeeze %dma_wait3A_25 : memref<1x10240xf32, #tpu.memory_space<hbm>> -> memref<10240xf32, #tpu.memory_space<hbm>>
      tpu.wait_dma2 semaphore(%run_scoped3A : memref<!tpu.dma_semaphore, #tpu.memory_space<semaphore_mem>>) src(%arg5 : memref<10240xf32, #tpu.memory_space<vmem>>) dst(%dma_wait3A_26 : memref<10240xf32, #tpu.memory_space<hbm>>)
      tpu.yield
    }) : () -> ()
    return
  }
}

#map = affine_map<(d0, d1) -> (0, 0)>
#map1 = affine_map<(d0, d1) -> (0, 0, 0)>
module attributes {stable_mosaic.version = 14 : i64} {
  func.func @_spmm_body(%arg0: i32, %arg1: i32, %arg2: memref<10240x32xf32, #tpu.memory_space<hbm>>, %arg3: memref<2504x128xi32, #tpu.memory_space<hbm>>, %arg4: memref<2504x128xi32, #tpu.memory_space<hbm>>, %arg5: memref<2x10240x32xf32, #tpu.memory_space<hbm>>, %arg6: memref<79x128xi32, #tpu.memory_space<vmem>>, %arg7: memref<79x128xi32, #tpu.memory_space<vmem>>, %arg8: memref<128x32xf32, #tpu.memory_space<vmem>>, %arg9: memref<128x32xf32, #tpu.memory_space<vmem>>, %arg10: memref<128x32xf32, #tpu.memory_space<vmem>>, %arg11: memref<128x32xf32, #tpu.memory_space<vmem>>, %arg12: memref<128x32xf32, #tpu.memory_space<vmem>>, %arg13: memref<128x32xf32, #tpu.memory_space<vmem>>, %arg14: memref<128x32xf32, #tpu.memory_space<vmem>>, %arg15: memref<128x32xf32, #tpu.memory_space<vmem>>, %arg16: memref<10240x32xf32, #tpu.memory_space<vmem_shared>>, %arg17: memref<8x!tpu.dma_semaphore, #tpu.memory_space<semaphore_mem>>) attributes {dimension_semantics = [#tpu.dimension_semantics<core_parallel>, #tpu.dimension_semantics<subcore_parallel>], iteration_bounds = array<i64: 2, 16>, scalar_prefetch = 0 : i64, scratch_operands = 12 : i64, tpu.core_type = #tpu.core_type<sc_vector_subcore>, window_params = [{transform_indices = #map}, {transform_indices = #map}, {transform_indices = #map}, {transform_indices = #map1}]} {
    %mul3A = arith.constant 16 : i32
    %mul3A_0 = arith.muli %arg0, %mul3A : i32
    %add3A = arith.addi %mul3A_0, %arg1 : i32
    %scan3A = arith.constant 0 : i32
    %scan3A_1 = arith.constant 0 : i32
    %scan3A_2 = arith.constant 128 : i32
    %scan3A_3 = arith.addi %scan3A_1, %scan3A_2 : i32
    %scan3A_4 = arith.constant 1 : i32
    %scan3A_5 = scf.for %scan3A_338 = %scan3A_1 to %scan3A_3 step %scan3A_4 iter_args(%scan3A_339 = %scan3A) -> (i32)  : i32 {
      %scan3A_340 = arith.constant 0 : i32
      %scan3A_341 = arith.constant 0 : i32
      %scan3A_342 = arith.constant 2 : i32
      %scan3A_343 = arith.addi %scan3A_341, %scan3A_342 : i32
      %scan3A_344 = arith.constant 1 : i32
      %scan3A_345 = scf.for %scan3A_348 = %scan3A_341 to %scan3A_343 step %scan3A_344 iter_args(%scan3A_349 = %scan3A_340) -> (i32)  : i32 {
        %broadcast_in_dim3A = arith.constant 0.000000e+00 : f32
        %broadcast_in_dim3A_350 = vector.broadcast %broadcast_in_dim3A : f32 to vector<16xf32>
        %mul3A_351 = arith.constant 16 : i32
        %mul3A_352 = arith.muli %scan3A_348, %mul3A_351 : i32
        %swap3A = arith.index_cast %scan3A_338 : i32 to index
        %swap3A_353 = arith.index_cast %mul3A_352 : i32 to index
        %swap3A_354 = tpu.vector_load %arg8[%swap3A, %swap3A_353] {strides = array<i32>} : memref<128x32xf32, #tpu.memory_space<vmem>>, vector<1x16xf32>,
        %swap3A_355 = vector.shape_cast %swap3A_354 : vector<1x16xf32> to vector<16xf32>
        %swap3A_356 = vector.shape_cast %broadcast_in_dim3A_350 : vector<16xf32> to vector<1x16xf32>
        tpu.vector_store %arg8[%swap3A, %swap3A_353], %swap3A_356 {strides = array<i32>} : memref<128x32xf32, #tpu.memory_space<vmem>>, vector<1x16xf32>,
        %scan3A_357 = arith.constant 0 : i32
        scf.yield %scan3A_357 : i32
      }
      %scan3A_346 = arith.constant 2 : i32
      %scan3A_347 = arith.constant 0 : i32
      scf.yield %scan3A_347 : i32
    }
    %scan3A_6 = arith.constant 128 : i32
    %mul3A_7 = arith.constant 640 : i32
    %mul3A_8 = arith.muli %arg1, %mul3A_7 : i32
    %add3A_9 = arith.constant 0 : i32
    %add3A_10 = arith.addi %mul3A_8, %add3A_9 : i32
    "tpu.region"() ({
      %run_scoped3A_338 = tpu.sem_alloc : memref<!tpu.dma_semaphore, #tpu.memory_space<semaphore_mem>>
      %dma_start3A_339 = arith.constant 0 : i32
      %dma_start3A_340 = tpu.memref_slice %arg16[%add3A_10, %dma_start3A_339] : memref<10240x32xf32, #tpu.memory_space<vmem_shared>> -> memref<128x32xf32, #tpu.memory_space<vmem_shared>>
      %dma_start3A_341 = arith.constant 0 : i32
      %dma_start3A_342 = tpu.memref_slice %arg16[%add3A_10, %dma_start3A_341] : memref<10240x32xf32, #tpu.memory_space<vmem_shared>> -> memref<128x32xf32, #tpu.memory_space<vmem_shared>>
      tpu.enqueue_dma source(%arg8 : memref<128x32xf32, #tpu.memory_space<vmem>>) target(%dma_start3A_342 : memref<128x32xf32, #tpu.memory_space<vmem_shared>>) target_semaphore(%run_scoped3A_338 : memref<!tpu.dma_semaphore, #tpu.memory_space<semaphore_mem>>)
      %dma_wait3A_343 = arith.constant 0 : i32
      %dma_wait3A_344 = tpu.memref_slice %arg16[%add3A_10, %dma_wait3A_343] : memref<10240x32xf32, #tpu.memory_space<vmem_shared>> -> memref<128x32xf32, #tpu.memory_space<vmem_shared>>
      %dma_wait3A_345 = arith.constant 0 : i32
      %dma_wait3A_346 = tpu.memref_slice %arg16[%add3A_10, %dma_wait3A_345] : memref<10240x32xf32, #tpu.memory_space<vmem_shared>> -> memref<128x32xf32, #tpu.memory_space<vmem_shared>>
      tpu.wait_dma2 semaphore(%run_scoped3A_338 : memref<!tpu.dma_semaphore, #tpu.memory_space<semaphore_mem>>) src(%arg8 : memref<128x32xf32, #tpu.memory_space<vmem>>) dst(%dma_wait3A_346 : memref<128x32xf32, #tpu.memory_space<vmem_shared>>)
      tpu.yield
    }) : () -> ()
    %mul3A_11 = arith.constant 640 : i32
    %mul3A_12 = arith.muli %arg1, %mul3A_11 : i32
    %add3A_13 = arith.constant 128 : i32
    %add3A_14 = arith.addi %mul3A_12, %add3A_13 : i32
    "tpu.region"() ({
      %run_scoped3A_338 = tpu.sem_alloc : memref<!tpu.dma_semaphore, #tpu.memory_space<semaphore_mem>>
      %dma_start3A_339 = arith.constant 0 : i32
      %dma_start3A_340 = tpu.memref_slice %arg16[%add3A_14, %dma_start3A_339] : memref<10240x32xf32, #tpu.memory_space<vmem_shared>> -> memref<128x32xf32, #tpu.memory_space<vmem_shared>>
      %dma_start3A_341 = arith.constant 0 : i32
      %dma_start3A_342 = tpu.memref_slice %arg16[%add3A_14, %dma_start3A_341] : memref<10240x32xf32, #tpu.memory_space<vmem_shared>> -> memref<128x32xf32, #tpu.memory_space<vmem_shared>>
      tpu.enqueue_dma source(%arg8 : memref<128x32xf32, #tpu.memory_space<vmem>>) target(%dma_start3A_342 : memref<128x32xf32, #tpu.memory_space<vmem_shared>>) target_semaphore(%run_scoped3A_338 : memref<!tpu.dma_semaphore, #tpu.memory_space<semaphore_mem>>)
      %dma_wait3A_343 = arith.constant 0 : i32
      %dma_wait3A_344 = tpu.memref_slice %arg16[%add3A_14, %dma_wait3A_343] : memref<10240x32xf32, #tpu.memory_space<vmem_shared>> -> memref<128x32xf32, #tpu.memory_space<vmem_shared>>
      %dma_wait3A_345 = arith.constant 0 : i32
      %dma_wait3A_346 = tpu.memref_slice %arg16[%add3A_14, %dma_wait3A_345] : memref<10240x32xf32, #tpu.memory_space<vmem_shared>> -> memref<128x32xf32, #tpu.memory_space<vmem_shared>>
      tpu.wait_dma2 semaphore(%run_scoped3A_338 : memref<!tpu.dma_semaphore, #tpu.memory_space<semaphore_mem>>) src(%arg8 : memref<128x32xf32, #tpu.memory_space<vmem>>) dst(%dma_wait3A_346 : memref<128x32xf32, #tpu.memory_space<vmem_shared>>)
      tpu.yield
    }) : () -> ()
    %mul3A_15 = arith.constant 640 : i32
    %mul3A_16 = arith.muli %arg1, %mul3A_15 : i32
    %add3A_17 = arith.constant 256 : i32
    %add3A_18 = arith.addi %mul3A_16, %add3A_17 : i32
    "tpu.region"() ({
      %run_scoped3A_338 = tpu.sem_alloc : memref<!tpu.dma_semaphore, #tpu.memory_space<semaphore_mem>>
      %dma_start3A_339 = arith.constant 0 : i32
      %dma_start3A_340 = tpu.memref_slice %arg16[%add3A_18, %dma_start3A_339] : memref<10240x32xf32, #tpu.memory_space<vmem_shared>> -> memref<128x32xf32, #tpu.memory_space<vmem_shared>>
      %dma_start3A_341 = arith.constant 0 : i32
      %dma_start3A_342 = tpu.memref_slice %arg16[%add3A_18, %dma_start3A_341] : memref<10240x32xf32, #tpu.memory_space<vmem_shared>> -> memref<128x32xf32, #tpu.memory_space<vmem_shared>>
      tpu.enqueue_dma source(%arg8 : memref<128x32xf32, #tpu.memory_space<vmem>>) target(%dma_start3A_342 : memref<128x32xf32, #tpu.memory_space<vmem_shared>>) target_semaphore(%run_scoped3A_338 : memref<!tpu.dma_semaphore, #tpu.memory_space<semaphore_mem>>)
      %dma_wait3A_343 = arith.constant 0 : i32
      %dma_wait3A_344 = tpu.memref_slice %arg16[%add3A_18, %dma_wait3A_343] : memref<10240x32xf32, #tpu.memory_space<vmem_shared>> -> memref<128x32xf32, #tpu.memory_space<vmem_shared>>
      %dma_wait3A_345 = arith.constant 0 : i32
      %dma_wait3A_346 = tpu.memref_slice %arg16[%add3A_18, %dma_wait3A_345] : memref<10240x32xf32, #tpu.memory_space<vmem_shared>> -> memref<128x32xf32, #tpu.memory_space<vmem_shared>>
      tpu.wait_dma2 semaphore(%run_scoped3A_338 : memref<!tpu.dma_semaphore, #tpu.memory_space<semaphore_mem>>) src(%arg8 : memref<128x32xf32, #tpu.memory_space<vmem>>) dst(%dma_wait3A_346 : memref<128x32xf32, #tpu.memory_space<vmem_shared>>)
      tpu.yield
    }) : () -> ()
    %mul3A_19 = arith.constant 640 : i32
    %mul3A_20 = arith.muli %arg1, %mul3A_19 : i32
    %add3A_21 = arith.constant 384 : i32
    %add3A_22 = arith.addi %mul3A_20, %add3A_21 : i32
    "tpu.region"() ({
      %run_scoped3A_338 = tpu.sem_alloc : memref<!tpu.dma_semaphore, #tpu.memory_space<semaphore_mem>>
      %dma_start3A_339 = arith.constant 0 : i32
      %dma_start3A_340 = tpu.memref_slice %arg16[%add3A_22, %dma_start3A_339] : memref<10240x32xf32, #tpu.memory_space<vmem_shared>> -> memref<128x32xf32, #tpu.memory_space<vmem_shared>>
      %dma_start3A_341 = arith.constant 0 : i32
      %dma_start3A_342 = tpu.memref_slice %arg16[%add3A_22, %dma_start3A_341] : memref<10240x32xf32, #tpu.memory_space<vmem_shared>> -> memref<128x32xf32, #tpu.memory_space<vmem_shared>>
      tpu.enqueue_dma source(%arg8 : memref<128x32xf32, #tpu.memory_space<vmem>>) target(%dma_start3A_342 : memref<128x32xf32, #tpu.memory_space<vmem_shared>>) target_semaphore(%run_scoped3A_338 : memref<!tpu.dma_semaphore, #tpu.memory_space<semaphore_mem>>)
      %dma_wait3A_343 = arith.constant 0 : i32
      %dma_wait3A_344 = tpu.memref_slice %arg16[%add3A_22, %dma_wait3A_343] : memref<10240x32xf32, #tpu.memory_space<vmem_shared>> -> memref<128x32xf32, #tpu.memory_space<vmem_shared>>
      %dma_wait3A_345 = arith.constant 0 : i32
      %dma_wait3A_346 = tpu.memref_slice %arg16[%add3A_22, %dma_wait3A_345] : memref<10240x32xf32, #tpu.memory_space<vmem_shared>> -> memref<128x32xf32, #tpu.memory_space<vmem_shared>>
      tpu.wait_dma2 semaphore(%run_scoped3A_338 : memref<!tpu.dma_semaphore, #tpu.memory_space<semaphore_mem>>) src(%arg8 : memref<128x32xf32, #tpu.memory_space<vmem>>) dst(%dma_wait3A_346 : memref<128x32xf32, #tpu.memory_space<vmem_shared>>)
      tpu.yield
    }) : () -> ()
    %mul3A_23 = arith.constant 640 : i32
    %mul3A_24 = arith.muli %arg1, %mul3A_23 : i32
    %add3A_25 = arith.constant 512 : i32
    %add3A_26 = arith.addi %mul3A_24, %add3A_25 : i32
    "tpu.region"() ({
      %run_scoped3A_338 = tpu.sem_alloc : memref<!tpu.dma_semaphore, #tpu.memory_space<semaphore_mem>>
      %dma_start3A_339 = arith.constant 0 : i32
      %dma_start3A_340 = tpu.memref_slice %arg16[%add3A_26, %dma_start3A_339] : memref<10240x32xf32, #tpu.memory_space<vmem_shared>> -> memref<128x32xf32, #tpu.memory_space<vmem_shared>>
      %dma_start3A_341 = arith.constant 0 : i32
      %dma_start3A_342 = tpu.memref_slice %arg16[%add3A_26, %dma_start3A_341] : memref<10240x32xf32, #tpu.memory_space<vmem_shared>> -> memref<128x32xf32, #tpu.memory_space<vmem_shared>>
      tpu.enqueue_dma source(%arg8 : memref<128x32xf32, #tpu.memory_space<vmem>>) target(%dma_start3A_342 : memref<128x32xf32, #tpu.memory_space<vmem_shared>>) target_semaphore(%run_scoped3A_338 : memref<!tpu.dma_semaphore, #tpu.memory_space<semaphore_mem>>)
      %dma_wait3A_343 = arith.constant 0 : i32
      %dma_wait3A_344 = tpu.memref_slice %arg16[%add3A_26, %dma_wait3A_343] : memref<10240x32xf32, #tpu.memory_space<vmem_shared>> -> memref<128x32xf32, #tpu.memory_space<vmem_shared>>
      %dma_wait3A_345 = arith.constant 0 : i32
      %dma_wait3A_346 = tpu.memref_slice %arg16[%add3A_26, %dma_wait3A_345] : memref<10240x32xf32, #tpu.memory_space<vmem_shared>> -> memref<128x32xf32, #tpu.memory_space<vmem_shared>>
      tpu.wait_dma2 semaphore(%run_scoped3A_338 : memref<!tpu.dma_semaphore, #tpu.memory_space<semaphore_mem>>) src(%arg8 : memref<128x32xf32, #tpu.memory_space<vmem>>) dst(%dma_wait3A_346 : memref<128x32xf32, #tpu.memory_space<vmem_shared>>)
      tpu.yield
    }) : () -> ()
    %barrier3A = arith.constant 0 : index
    tpu.barrier barrier_id(%barrier3A)
    %mul3A_27 = arith.constant 78 : i32
    %mul3A_28 = arith.muli %add3A, %mul3A_27 : i32
    %min3A = arith.constant 4 : i32
    %min3A_29 = arith.minsi %add3A, %min3A : i32
    %add3A_30 = arith.addi %mul3A_28, %min3A_29 : i32
    %lt3A = arith.constant 4 : i32
    %lt3A_31 = arith.cmpi slt, %add3A, %lt3A : i32
    %jit3A = arith.constant 79 : i32
    %jit3A_32 = arith.constant 78 : i32
    %select_n3A = arith.select %lt3A_31, %jit3A, %jit3A_32 : i32
    "tpu.region"() ({
      %run_scoped3A_338 = tpu.sem_alloc : memref<!tpu.dma_semaphore, #tpu.memory_space<semaphore_mem>>
      %dma_start3A_339 = arith.constant 0 : i32
      %dma_start3A_340 = tpu.memref_slice %arg3[%add3A_30, %dma_start3A_339] : memref<2504x128xi32, #tpu.memory_space<hbm>> -> memref<79x128xi32, #tpu.memory_space<hbm>>
      %dma_start3A_341 = arith.constant 0 : i32
      %dma_start3A_342 = tpu.memref_slice %arg3[%add3A_30, %dma_start3A_341] : memref<2504x128xi32, #tpu.memory_space<hbm>> -> memref<79x128xi32, #tpu.memory_space<hbm>>
      tpu.enqueue_dma source(%dma_start3A_342 : memref<79x128xi32, #tpu.memory_space<hbm>>) target(%arg6 : memref<79x128xi32, #tpu.memory_space<vmem>>) target_semaphore(%run_scoped3A_338 : memref<!tpu.dma_semaphore, #tpu.memory_space<semaphore_mem>>)
      %dma_wait3A_343 = arith.constant 0 : i32
      %dma_wait3A_344 = tpu.memref_slice %arg3[%add3A_30, %dma_wait3A_343] : memref<2504x128xi32, #tpu.memory_space<hbm>> -> memref<79x128xi32, #tpu.memory_space<hbm>>
      %dma_wait3A_345 = arith.constant 0 : i32
      %dma_wait3A_346 = tpu.memref_slice %arg3[%add3A_30, %dma_wait3A_345] : memref<2504x128xi32, #tpu.memory_space<hbm>> -> memref<79x128xi32, #tpu.memory_space<hbm>>
      tpu.wait_dma2 semaphore(%run_scoped3A_338 : memref<!tpu.dma_semaphore, #tpu.memory_space<semaphore_mem>>) src(%dma_wait3A_346 : memref<79x128xi32, #tpu.memory_space<hbm>>) dst(%arg6 : memref<79x128xi32, #tpu.memory_space<vmem>>)
      tpu.yield
    }) : () -> ()
    "tpu.region"() ({
      %run_scoped3A_338 = tpu.sem_alloc : memref<!tpu.dma_semaphore, #tpu.memory_space<semaphore_mem>>
      %dma_start3A_339 = arith.constant 0 : i32
      %dma_start3A_340 = tpu.memref_slice %arg4[%add3A_30, %dma_start3A_339] : memref<2504x128xi32, #tpu.memory_space<hbm>> -> memref<79x128xi32, #tpu.memory_space<hbm>>
      %dma_start3A_341 = arith.constant 0 : i32
      %dma_start3A_342 = tpu.memref_slice %arg4[%add3A_30, %dma_start3A_341] : memref<2504x128xi32, #tpu.memory_space<hbm>> -> memref<79x128xi32, #tpu.memory_space<hbm>>
      tpu.enqueue_dma source(%dma_start3A_342 : memref<79x128xi32, #tpu.memory_space<hbm>>) target(%arg7 : memref<79x128xi32, #tpu.memory_space<vmem>>) target_semaphore(%run_scoped3A_338 : memref<!tpu.dma_semaphore, #tpu.memory_space<semaphore_mem>>)
      %dma_wait3A_343 = arith.constant 0 : i32
      %dma_wait3A_344 = tpu.memref_slice %arg4[%add3A_30, %dma_wait3A_343] : memref<2504x128xi32, #tpu.memory_space<hbm>> -> memref<79x128xi32, #tpu.memory_space<hbm>>
      %dma_wait3A_345 = arith.constant 0 : i32
      %dma_wait3A_346 = tpu.memref_slice %arg4[%add3A_30, %dma_wait3A_345] : memref<2504x128xi32, #tpu.memory_space<hbm>> -> memref<79x128xi32, #tpu.memory_space<hbm>>
      tpu.wait_dma2 semaphore(%run_scoped3A_338 : memref<!tpu.dma_semaphore, #tpu.memory_space<semaphore_mem>>) src(%dma_wait3A_346 : memref<79x128xi32, #tpu.memory_space<hbm>>) dst(%arg7 : memref<79x128xi32, #tpu.memory_space<vmem>>)
      tpu.yield
    }) : () -> ()
    %dma_start3A = arith.constant 0 : i32
    %dma_start3A_33 = arith.constant 0 : i32
    %dma_start3A_34 = arith.constant 0 : i32
    %dma_start3A_35 = tpu.memref_slice %arg6[%dma_start3A, %dma_start3A_34] : memref<79x128xi32, #tpu.memory_space<vmem>> -> memref<1x128xi32, #tpu.memory_space<vmem>>
    %dma_start3A_36 = tpu.memref_squeeze %dma_start3A_35 : memref<1x128xi32, #tpu.memory_space<vmem>> -> memref<128xi32, #tpu.memory_space<vmem>>
    %dma_start3A_37 = arith.constant 0 : i32
    %dma_start3A_38 = arith.constant 0 : i32
    %dma_start3A_39 = tpu.memref_slice %arg2[%dma_start3A_37, %dma_start3A_38] : memref<10240x32xf32, #tpu.memory_space<hbm>> -> memref<10240x32xf32, #tpu.memory_space<hbm>>
    %dma_start3A_40 = tpu.memref_slice %arg17[%dma_start3A_33] : memref<8x!tpu.dma_semaphore, #tpu.memory_space<semaphore_mem>> -> memref<1x!tpu.dma_semaphore, #tpu.memory_space<semaphore_mem>>
    %dma_start3A_41 = tpu.memref_squeeze %dma_start3A_40 : memref<1x!tpu.dma_semaphore, #tpu.memory_space<semaphore_mem>> -> memref<!tpu.dma_semaphore, #tpu.memory_space<semaphore_mem>>
    tpu.enqueue_indirect_dma source(%dma_start3A_39 : memref<10240x32xf32, #tpu.memory_space<hbm>>) target(%arg8 : memref<128x32xf32, #tpu.memory_space<vmem>>) offsets(%dma_start3A_36 : memref<128xi32, #tpu.memory_space<vmem>>) semaphore(%dma_start3A_41 : memref<!tpu.dma_semaphore, #tpu.memory_space<semaphore_mem>>)
    %dma_start3A_42 = arith.constant 1 : i32
    %dma_start3A_43 = arith.constant 1 : i32
    %dma_start3A_44 = arith.constant 0 : i32
    %dma_start3A_45 = tpu.memref_slice %arg6[%dma_start3A_42, %dma_start3A_44] : memref<79x128xi32, #tpu.memory_space<vmem>> -> memref<1x128xi32, #tpu.memory_space<vmem>>
    %dma_start3A_46 = tpu.memref_squeeze %dma_start3A_45 : memref<1x128xi32, #tpu.memory_space<vmem>> -> memref<128xi32, #tpu.memory_space<vmem>>
    %dma_start3A_47 = arith.constant 0 : i32
    %dma_start3A_48 = arith.constant 0 : i32
    %dma_start3A_49 = tpu.memref_slice %arg2[%dma_start3A_47, %dma_start3A_48] : memref<10240x32xf32, #tpu.memory_space<hbm>> -> memref<10240x32xf32, #tpu.memory_space<hbm>>
    %dma_start3A_50 = tpu.memref_slice %arg17[%dma_start3A_43] : memref<8x!tpu.dma_semaphore, #tpu.memory_space<semaphore_mem>> -> memref<1x!tpu.dma_semaphore, #tpu.memory_space<semaphore_mem>>
    %dma_start3A_51 = tpu.memref_squeeze %dma_start3A_50 : memref<1x!tpu.dma_semaphore, #tpu.memory_space<semaphore_mem>> -> memref<!tpu.dma_semaphore, #tpu.memory_space<semaphore_mem>>
    tpu.enqueue_indirect_dma source(%dma_start3A_49 : memref<10240x32xf32, #tpu.memory_space<hbm>>) target(%arg9 : memref<128x32xf32, #tpu.memory_space<vmem>>) offsets(%dma_start3A_46 : memref<128xi32, #tpu.memory_space<vmem>>) semaphore(%dma_start3A_51 : memref<!tpu.dma_semaphore, #tpu.memory_space<semaphore_mem>>)
    %dma_start3A_52 = arith.constant 2 : i32
    %dma_start3A_53 = arith.constant 2 : i32
    %dma_start3A_54 = arith.constant 0 : i32
    %dma_start3A_55 = tpu.memref_slice %arg6[%dma_start3A_52, %dma_start3A_54] : memref<79x128xi32, #tpu.memory_space<vmem>> -> memref<1x128xi32, #tpu.memory_space<vmem>>
    %dma_start3A_56 = tpu.memref_squeeze %dma_start3A_55 : memref<1x128xi32, #tpu.memory_space<vmem>> -> memref<128xi32, #tpu.memory_space<vmem>>
    %dma_start3A_57 = arith.constant 0 : i32
    %dma_start3A_58 = arith.constant 0 : i32
    %dma_start3A_59 = tpu.memref_slice %arg2[%dma_start3A_57, %dma_start3A_58] : memref<10240x32xf32, #tpu.memory_space<hbm>> -> memref<10240x32xf32, #tpu.memory_space<hbm>>
    %dma_start3A_60 = tpu.memref_slice %arg17[%dma_start3A_53] : memref<8x!tpu.dma_semaphore, #tpu.memory_space<semaphore_mem>> -> memref<1x!tpu.dma_semaphore, #tpu.memory_space<semaphore_mem>>
    %dma_start3A_61 = tpu.memref_squeeze %dma_start3A_60 : memref<1x!tpu.dma_semaphore, #tpu.memory_space<semaphore_mem>> -> memref<!tpu.dma_semaphore, #tpu.memory_space<semaphore_mem>>
    tpu.enqueue_indirect_dma source(%dma_start3A_59 : memref<10240x32xf32, #tpu.memory_space<hbm>>) target(%arg10 : memref<128x32xf32, #tpu.memory_space<vmem>>) offsets(%dma_start3A_56 : memref<128xi32, #tpu.memory_space<vmem>>) semaphore(%dma_start3A_61 : memref<!tpu.dma_semaphore, #tpu.memory_space<semaphore_mem>>)
    %dma_start3A_62 = arith.constant 3 : i32
    %dma_start3A_63 = arith.constant 3 : i32
    %dma_start3A_64 = arith.constant 0 : i32
    %dma_start3A_65 = tpu.memref_slice %arg6[%dma_start3A_62, %dma_start3A_64] : memref<79x128xi32, #tpu.memory_space<vmem>> -> memref<1x128xi32, #tpu.memory_space<vmem>>
    %dma_start3A_66 = tpu.memref_squeeze %dma_start3A_65 : memref<1x128xi32, #tpu.memory_space<vmem>> -> memref<128xi32, #tpu.memory_space<vmem>>
    %dma_start3A_67 = arith.constant 0 : i32
    %dma_start3A_68 = arith.constant 0 : i32
    %dma_start3A_69 = tpu.memref_slice %arg2[%dma_start3A_67, %dma_start3A_68] : memref<10240x32xf32, #tpu.memory_space<hbm>> -> memref<10240x32xf32, #tpu.memory_space<hbm>>
    %dma_start3A_70 = tpu.memref_slice %arg17[%dma_start3A_63] : memref<8x!tpu.dma_semaphore, #tpu.memory_space<semaphore_mem>> -> memref<1x!tpu.dma_semaphore, #tpu.memory_space<semaphore_mem>>
    %dma_start3A_71 = tpu.memref_squeeze %dma_start3A_70 : memref<1x!tpu.dma_semaphore, #tpu.memory_space<semaphore_mem>> -> memref<!tpu.dma_semaphore, #tpu.memory_space<semaphore_mem>>
    tpu.enqueue_indirect_dma source(%dma_start3A_69 : memref<10240x32xf32, #tpu.memory_space<hbm>>) target(%arg11 : memref<128x32xf32, #tpu.memory_space<vmem>>) offsets(%dma_start3A_66 : memref<128xi32, #tpu.memory_space<vmem>>) semaphore(%dma_start3A_71 : memref<!tpu.dma_semaphore, #tpu.memory_space<semaphore_mem>>)
    %dma_start3A_72 = arith.constant 4 : i32
    %dma_start3A_73 = arith.constant 4 : i32
    %dma_start3A_74 = arith.constant 0 : i32
    %dma_start3A_75 = tpu.memref_slice %arg6[%dma_start3A_72, %dma_start3A_74] : memref<79x128xi32, #tpu.memory_space<vmem>> -> memref<1x128xi32, #tpu.memory_space<vmem>>
    %dma_start3A_76 = tpu.memref_squeeze %dma_start3A_75 : memref<1x128xi32, #tpu.memory_space<vmem>> -> memref<128xi32, #tpu.memory_space<vmem>>
    %dma_start3A_77 = arith.constant 0 : i32
    %dma_start3A_78 = arith.constant 0 : i32
    %dma_start3A_79 = tpu.memref_slice %arg2[%dma_start3A_77, %dma_start3A_78] : memref<10240x32xf32, #tpu.memory_space<hbm>> -> memref<10240x32xf32, #tpu.memory_space<hbm>>
    %dma_start3A_80 = tpu.memref_slice %arg17[%dma_start3A_73] : memref<8x!tpu.dma_semaphore, #tpu.memory_space<semaphore_mem>> -> memref<1x!tpu.dma_semaphore, #tpu.memory_space<semaphore_mem>>
    %dma_start3A_81 = tpu.memref_squeeze %dma_start3A_80 : memref<1x!tpu.dma_semaphore, #tpu.memory_space<semaphore_mem>> -> memref<!tpu.dma_semaphore, #tpu.memory_space<semaphore_mem>>
    tpu.enqueue_indirect_dma source(%dma_start3A_79 : memref<10240x32xf32, #tpu.memory_space<hbm>>) target(%arg12 : memref<128x32xf32, #tpu.memory_space<vmem>>) offsets(%dma_start3A_76 : memref<128xi32, #tpu.memory_space<vmem>>) semaphore(%dma_start3A_81 : memref<!tpu.dma_semaphore, #tpu.memory_space<semaphore_mem>>)
    %dma_start3A_82 = arith.constant 5 : i32
    %dma_start3A_83 = arith.constant 5 : i32
    %dma_start3A_84 = arith.constant 0 : i32
    %dma_start3A_85 = tpu.memref_slice %arg6[%dma_start3A_82, %dma_start3A_84] : memref<79x128xi32, #tpu.memory_space<vmem>> -> memref<1x128xi32, #tpu.memory_space<vmem>>
    %dma_start3A_86 = tpu.memref_squeeze %dma_start3A_85 : memref<1x128xi32, #tpu.memory_space<vmem>> -> memref<128xi32, #tpu.memory_space<vmem>>
    %dma_start3A_87 = arith.constant 0 : i32
    %dma_start3A_88 = arith.constant 0 : i32
    %dma_start3A_89 = tpu.memref_slice %arg2[%dma_start3A_87, %dma_start3A_88] : memref<10240x32xf32, #tpu.memory_space<hbm>> -> memref<10240x32xf32, #tpu.memory_space<hbm>>
    %dma_start3A_90 = tpu.memref_slice %arg17[%dma_start3A_83] : memref<8x!tpu.dma_semaphore, #tpu.memory_space<semaphore_mem>> -> memref<1x!tpu.dma_semaphore, #tpu.memory_space<semaphore_mem>>
    %dma_start3A_91 = tpu.memref_squeeze %dma_start3A_90 : memref<1x!tpu.dma_semaphore, #tpu.memory_space<semaphore_mem>> -> memref<!tpu.dma_semaphore, #tpu.memory_space<semaphore_mem>>
    tpu.enqueue_indirect_dma source(%dma_start3A_89 : memref<10240x32xf32, #tpu.memory_space<hbm>>) target(%arg13 : memref<128x32xf32, #tpu.memory_space<vmem>>) offsets(%dma_start3A_86 : memref<128xi32, #tpu.memory_space<vmem>>) semaphore(%dma_start3A_91 : memref<!tpu.dma_semaphore, #tpu.memory_space<semaphore_mem>>)
    %dma_start3A_92 = arith.constant 6 : i32
    %dma_start3A_93 = arith.constant 6 : i32
    %dma_start3A_94 = arith.constant 0 : i32
    %dma_start3A_95 = tpu.memref_slice %arg6[%dma_start3A_92, %dma_start3A_94] : memref<79x128xi32, #tpu.memory_space<vmem>> -> memref<1x128xi32, #tpu.memory_space<vmem>>
    %dma_start3A_96 = tpu.memref_squeeze %dma_start3A_95 : memref<1x128xi32, #tpu.memory_space<vmem>> -> memref<128xi32, #tpu.memory_space<vmem>>
    %dma_start3A_97 = arith.constant 0 : i32
    %dma_start3A_98 = arith.constant 0 : i32
    %dma_start3A_99 = tpu.memref_slice %arg2[%dma_start3A_97, %dma_start3A_98] : memref<10240x32xf32, #tpu.memory_space<hbm>> -> memref<10240x32xf32, #tpu.memory_space<hbm>>
    %dma_start3A_100 = tpu.memref_slice %arg17[%dma_start3A_93] : memref<8x!tpu.dma_semaphore, #tpu.memory_space<semaphore_mem>> -> memref<1x!tpu.dma_semaphore, #tpu.memory_space<semaphore_mem>>
    %dma_start3A_101 = tpu.memref_squeeze %dma_start3A_100 : memref<1x!tpu.dma_semaphore, #tpu.memory_space<semaphore_mem>> -> memref<!tpu.dma_semaphore, #tpu.memory_space<semaphore_mem>>
    tpu.enqueue_indirect_dma source(%dma_start3A_99 : memref<10240x32xf32, #tpu.memory_space<hbm>>) target(%arg14 : memref<128x32xf32, #tpu.memory_space<vmem>>) offsets(%dma_start3A_96 : memref<128xi32, #tpu.memory_space<vmem>>) semaphore(%dma_start3A_101 : memref<!tpu.dma_semaphore, #tpu.memory_space<semaphore_mem>>)
    %scan3A_102 = arith.constant 0 : i32
    %scan3A_103 = arith.constant 0 : i32
    %scan3A_104 = arith.constant 8 : i32
    %scan3A_105 = arith.addi %scan3A_103, %scan3A_104 : i32
    %scan3A_106 = arith.constant 1 : i32
    %scan3A_107 = scf.for %scan3A_338 = %scan3A_103 to %scan3A_105 step %scan3A_106 iter_args(%scan3A_339 = %scan3A_102) -> (i32)  : i32 {
      %mul3A_340 = arith.constant 8 : i32
      %mul3A_341 = arith.muli %mul3A_340, %scan3A_338 : i32
      %add3A_342 = arith.constant 0 : i32
      %add3A_343 = arith.addi %mul3A_341, %add3A_342 : i32
      %add3A_344 = arith.constant 8 : i32
      %add3A_345 = arith.addi %add3A_343, %add3A_344 : i32
      %sub3A = arith.constant 1 : i32
      %sub3A_346 = arith.subi %add3A_345, %sub3A : i32
      %dma_start3A_347 = arith.constant 7 : i32
      %dma_start3A_348 = arith.constant 0 : i32
      %dma_start3A_349 = tpu.memref_slice %arg6[%sub3A_346, %dma_start3A_348] : memref<79x128xi32, #tpu.memory_space<vmem>> -> memref<1x128xi32, #tpu.memory_space<vmem>>
      %dma_start3A_350 = tpu.memref_squeeze %dma_start3A_349 : memref<1x128xi32, #tpu.memory_space<vmem>> -> memref<128xi32, #tpu.memory_space<vmem>>
      %dma_start3A_351 = arith.constant 0 : i32
      %dma_start3A_352 = arith.constant 0 : i32
      %dma_start3A_353 = tpu.memref_slice %arg2[%dma_start3A_351, %dma_start3A_352] : memref<10240x32xf32, #tpu.memory_space<hbm>> -> memref<10240x32xf32, #tpu.memory_space<hbm>>
      %dma_start3A_354 = tpu.memref_slice %arg17[%dma_start3A_347] : memref<8x!tpu.dma_semaphore, #tpu.memory_space<semaphore_mem>> -> memref<1x!tpu.dma_semaphore, #tpu.memory_space<semaphore_mem>>
      %dma_start3A_355 = tpu.memref_squeeze %dma_start3A_354 : memref<1x!tpu.dma_semaphore, #tpu.memory_space<semaphore_mem>> -> memref<!tpu.dma_semaphore, #tpu.memory_space<semaphore_mem>>
      tpu.enqueue_indirect_dma source(%dma_start3A_353 : memref<10240x32xf32, #tpu.memory_space<hbm>>) target(%arg15 : memref<128x32xf32, #tpu.memory_space<vmem>>) offsets(%dma_start3A_350 : memref<128xi32, #tpu.memory_space<vmem>>) semaphore(%dma_start3A_355 : memref<!tpu.dma_semaphore, #tpu.memory_space<semaphore_mem>>)
      %dma_wait3A_356 = arith.constant 0 : i32
      %dma_wait3A_357 = arith.constant 0 : i32
      %dma_wait3A_358 = arith.constant 0 : i32
      %dma_wait3A_359 = tpu.memref_slice %arg6[%dma_wait3A_356, %dma_wait3A_358] : memref<79x128xi32, #tpu.memory_space<vmem>> -> memref<1x128xi32, #tpu.memory_space<vmem>>
      %dma_wait3A_360 = tpu.memref_squeeze %dma_wait3A_359 : memref<1x128xi32, #tpu.memory_space<vmem>> -> memref<128xi32, #tpu.memory_space<vmem>>
      %dma_wait3A_361 = arith.constant 0 : i32
      %dma_wait3A_362 = arith.constant 0 : i32
      %dma_wait3A_363 = tpu.memref_slice %arg2[%dma_wait3A_361, %dma_wait3A_362] : memref<10240x32xf32, #tpu.memory_space<hbm>> -> memref<10240x32xf32, #tpu.memory_space<hbm>>
      %dma_wait3A_364 = tpu.memref_slice %arg17[%dma_wait3A_357] : memref<8x!tpu.dma_semaphore, #tpu.memory_space<semaphore_mem>> -> memref<1x!tpu.dma_semaphore, #tpu.memory_space<semaphore_mem>>
      %dma_wait3A_365 = tpu.memref_squeeze %dma_wait3A_364 : memref<1x!tpu.dma_semaphore, #tpu.memory_space<semaphore_mem>> -> memref<!tpu.dma_semaphore, #tpu.memory_space<semaphore_mem>>
      tpu.wait_indirect_dma semaphore(%dma_wait3A_365 : memref<!tpu.dma_semaphore, #tpu.memory_space<semaphore_mem>>) src(%dma_wait3A_363 : memref<10240x32xf32, #tpu.memory_space<hbm>>) dst(%arg8 : memref<128x32xf32, #tpu.memory_space<vmem>>)
      "tpu.region"() ({
        %run_scoped3A_542 = tpu.sem_alloc : memref<!tpu.dma_semaphore, #tpu.memory_space<semaphore_mem>>
        %dma_start3A_543 = arith.constant 0 : i32
        %dma_start3A_544 = tpu.memref_slice %arg7[%add3A_343, %dma_start3A_543] : memref<79x128xi32, #tpu.memory_space<vmem>> -> memref<1x128xi32, #tpu.memory_space<vmem>>
        %dma_start3A_545 = tpu.memref_squeeze %dma_start3A_544 : memref<1x128xi32, #tpu.memory_space<vmem>> -> memref<128xi32, #tpu.memory_space<vmem>>
        %dma_start3A_546 = arith.constant 0 : i32
        %dma_start3A_547 = arith.constant 0 : i32
        %dma_start3A_548 = tpu.memref_slice %arg16[%dma_start3A_546, %dma_start3A_547] : memref<10240x32xf32, #tpu.memory_space<vmem_shared>> -> memref<10240x32xf32, #tpu.memory_space<vmem_shared>>
        tpu.enqueue_indirect_dma source(%arg8 : memref<128x32xf32, #tpu.memory_space<vmem>>) target(%dma_start3A_548 : memref<10240x32xf32, #tpu.memory_space<vmem_shared>>) offsets(%dma_start3A_545 : memref<128xi32, #tpu.memory_space<vmem>>) semaphore(%run_scoped3A_542 : memref<!tpu.dma_semaphore, #tpu.memory_space<semaphore_mem>>) {add = true}
        %dma_wait3A_549 = arith.constant 0 : i32
        %dma_wait3A_550 = tpu.memref_slice %arg7[%add3A_343, %dma_wait3A_549] : memref<79x128xi32, #tpu.memory_space<vmem>> -> memref<1x128xi32, #tpu.memory_space<vmem>>
        %dma_wait3A_551 = tpu.memref_squeeze %dma_wait3A_550 : memref<1x128xi32, #tpu.memory_space<vmem>> -> memref<128xi32, #tpu.memory_space<vmem>>
        %dma_wait3A_552 = arith.constant 0 : i32
        %dma_wait3A_553 = arith.constant 0 : i32
        %dma_wait3A_554 = tpu.memref_slice %arg16[%dma_wait3A_552, %dma_wait3A_553] : memref<10240x32xf32, #tpu.memory_space<vmem_shared>> -> memref<10240x32xf32, #tpu.memory_space<vmem_shared>>
        tpu.wait_indirect_dma semaphore(%run_scoped3A_542 : memref<!tpu.dma_semaphore, #tpu.memory_space<semaphore_mem>>) src(%arg8 : memref<128x32xf32, #tpu.memory_space<vmem>>) dst(%dma_wait3A_554 : memref<10240x32xf32, #tpu.memory_space<vmem_shared>>)
        tpu.yield
      }) : () -> ()
      %add3A_366 = arith.constant 1 : i32
      %add3A_367 = arith.addi %mul3A_341, %add3A_366 : i32
      %add3A_368 = arith.constant 8 : i32
      %add3A_369 = arith.addi %add3A_367, %add3A_368 : i32
      %sub3A_370 = arith.constant 1 : i32
      %sub3A_371 = arith.subi %add3A_369, %sub3A_370 : i32
      %dma_start3A_372 = arith.constant 0 : i32
      %dma_start3A_373 = arith.constant 0 : i32
      %dma_start3A_374 = tpu.memref_slice %arg6[%sub3A_371, %dma_start3A_373] : memref<79x128xi32, #tpu.memory_space<vmem>> -> memref<1x128xi32, #tpu.memory_space<vmem>>
      %dma_start3A_375 = tpu.memref_squeeze %dma_start3A_374 : memref<1x128xi32, #tpu.memory_space<vmem>> -> memref<128xi32, #tpu.memory_space<vmem>>
      %dma_start3A_376 = arith.constant 0 : i32
      %dma_start3A_377 = arith.constant 0 : i32
      %dma_start3A_378 = tpu.memref_slice %arg2[%dma_start3A_376, %dma_start3A_377] : memref<10240x32xf32, #tpu.memory_space<hbm>> -> memref<10240x32xf32, #tpu.memory_space<hbm>>
      %dma_start3A_379 = tpu.memref_slice %arg17[%dma_start3A_372] : memref<8x!tpu.dma_semaphore, #tpu.memory_space<semaphore_mem>> -> memref<1x!tpu.dma_semaphore, #tpu.memory_space<semaphore_mem>>
      %dma_start3A_380 = tpu.memref_squeeze %dma_start3A_379 : memref<1x!tpu.dma_semaphore, #tpu.memory_space<semaphore_mem>> -> memref<!tpu.dma_semaphore, #tpu.memory_space<semaphore_mem>>
      tpu.enqueue_indirect_dma source(%dma_start3A_378 : memref<10240x32xf32, #tpu.memory_space<hbm>>) target(%arg8 : memref<128x32xf32, #tpu.memory_space<vmem>>) offsets(%dma_start3A_375 : memref<128xi32, #tpu.memory_space<vmem>>) semaphore(%dma_start3A_380 : memref<!tpu.dma_semaphore, #tpu.memory_space<semaphore_mem>>)
      %dma_wait3A_381 = arith.constant 0 : i32
      %dma_wait3A_382 = arith.constant 1 : i32
      %dma_wait3A_383 = arith.constant 0 : i32
      %dma_wait3A_384 = tpu.memref_slice %arg6[%dma_wait3A_381, %dma_wait3A_383] : memref<79x128xi32, #tpu.memory_space<vmem>> -> memref<1x128xi32, #tpu.memory_space<vmem>>
      %dma_wait3A_385 = tpu.memref_squeeze %dma_wait3A_384 : memref<1x128xi32, #tpu.memory_space<vmem>> -> memref<128xi32, #tpu.memory_space<vmem>>
      %dma_wait3A_386 = arith.constant 0 : i32
      %dma_wait3A_387 = arith.constant 0 : i32
      %dma_wait3A_388 = tpu.memref_slice %arg2[%dma_wait3A_386, %dma_wait3A_387] : memref<10240x32xf32, #tpu.memory_space<hbm>> -> memref<10240x32xf32, #tpu.memory_space<hbm>>
      %dma_wait3A_389 = tpu.memref_slice %arg17[%dma_wait3A_382] : memref<8x!tpu.dma_semaphore, #tpu.memory_space<semaphore_mem>> -> memref<1x!tpu.dma_semaphore, #tpu.memory_space<semaphore_mem>>
      %dma_wait3A_390 = tpu.memref_squeeze %dma_wait3A_389 : memref<1x!tpu.dma_semaphore, #tpu.memory_space<semaphore_mem>> -> memref<!tpu.dma_semaphore, #tpu.memory_space<semaphore_mem>>
      tpu.wait_indirect_dma semaphore(%dma_wait3A_390 : memref<!tpu.dma_semaphore, #tpu.memory_space<semaphore_mem>>) src(%dma_wait3A_388 : memref<10240x32xf32, #tpu.memory_space<hbm>>) dst(%arg9 : memref<128x32xf32, #tpu.memory_space<vmem>>)
      "tpu.region"() ({
        %run_scoped3A_542 = tpu.sem_alloc : memref<!tpu.dma_semaphore, #tpu.memory_space<semaphore_mem>>
        %dma_start3A_543 = arith.constant 0 : i32
        %dma_start3A_544 = tpu.memref_slice %arg7[%add3A_367, %dma_start3A_543] : memref<79x128xi32, #tpu.memory_space<vmem>> -> memref<1x128xi32, #tpu.memory_space<vmem>>
        %dma_start3A_545 = tpu.memref_squeeze %dma_start3A_544 : memref<1x128xi32, #tpu.memory_space<vmem>> -> memref<128xi32, #tpu.memory_space<vmem>>
        %dma_start3A_546 = arith.constant 0 : i32
        %dma_start3A_547 = arith.constant 0 : i32
        %dma_start3A_548 = tpu.memref_slice %arg16[%dma_start3A_546, %dma_start3A_547] : memref<10240x32xf32, #tpu.memory_space<vmem_shared>> -> memref<10240x32xf32, #tpu.memory_space<vmem_shared>>
        tpu.enqueue_indirect_dma source(%arg9 : memref<128x32xf32, #tpu.memory_space<vmem>>) target(%dma_start3A_548 : memref<10240x32xf32, #tpu.memory_space<vmem_shared>>) offsets(%dma_start3A_545 : memref<128xi32, #tpu.memory_space<vmem>>) semaphore(%run_scoped3A_542 : memref<!tpu.dma_semaphore, #tpu.memory_space<semaphore_mem>>) {add = true}
        %dma_wait3A_549 = arith.constant 0 : i32
        %dma_wait3A_550 = tpu.memref_slice %arg7[%add3A_367, %dma_wait3A_549] : memref<79x128xi32, #tpu.memory_space<vmem>> -> memref<1x128xi32, #tpu.memory_space<vmem>>
        %dma_wait3A_551 = tpu.memref_squeeze %dma_wait3A_550 : memref<1x128xi32, #tpu.memory_space<vmem>> -> memref<128xi32, #tpu.memory_space<vmem>>
        %dma_wait3A_552 = arith.constant 0 : i32
        %dma_wait3A_553 = arith.constant 0 : i32
        %dma_wait3A_554 = tpu.memref_slice %arg16[%dma_wait3A_552, %dma_wait3A_553] : memref<10240x32xf32, #tpu.memory_space<vmem_shared>> -> memref<10240x32xf32, #tpu.memory_space<vmem_shared>>
        tpu.wait_indirect_dma semaphore(%run_scoped3A_542 : memref<!tpu.dma_semaphore, #tpu.memory_space<semaphore_mem>>) src(%arg9 : memref<128x32xf32, #tpu.memory_space<vmem>>) dst(%dma_wait3A_554 : memref<10240x32xf32, #tpu.memory_space<vmem_shared>>)
        tpu.yield
      }) : () -> ()
      %add3A_391 = arith.constant 2 : i32
      %add3A_392 = arith.addi %mul3A_341, %add3A_391 : i32
      %add3A_393 = arith.constant 8 : i32
      %add3A_394 = arith.addi %add3A_392, %add3A_393 : i32
      %sub3A_395 = arith.constant 1 : i32
      %sub3A_396 = arith.subi %add3A_394, %sub3A_395 : i32
      %dma_start3A_397 = arith.constant 1 : i32
      %dma_start3A_398 = arith.constant 0 : i32
      %dma_start3A_399 = tpu.memref_slice %arg6[%sub3A_396, %dma_start3A_398] : memref<79x128xi32, #tpu.memory_space<vmem>> -> memref<1x128xi32, #tpu.memory_space<vmem>>
      %dma_start3A_400 = tpu.memref_squeeze %dma_start3A_399 : memref<1x128xi32, #tpu.memory_space<vmem>> -> memref<128xi32, #tpu.memory_space<vmem>>
      %dma_start3A_401 = arith.constant 0 : i32
      %dma_start3A_402 = arith.constant 0 : i32
      %dma_start3A_403 = tpu.memref_slice %arg2[%dma_start3A_401, %dma_start3A_402] : memref<10240x32xf32, #tpu.memory_space<hbm>> -> memref<10240x32xf32, #tpu.memory_space<hbm>>
      %dma_start3A_404 = tpu.memref_slice %arg17[%dma_start3A_397] : memref<8x!tpu.dma_semaphore, #tpu.memory_space<semaphore_mem>> -> memref<1x!tpu.dma_semaphore, #tpu.memory_space<semaphore_mem>>
      %dma_start3A_405 = tpu.memref_squeeze %dma_start3A_404 : memref<1x!tpu.dma_semaphore, #tpu.memory_space<semaphore_mem>> -> memref<!tpu.dma_semaphore, #tpu.memory_space<semaphore_mem>>
      tpu.enqueue_indirect_dma source(%dma_start3A_403 : memref<10240x32xf32, #tpu.memory_space<hbm>>) target(%arg9 : memref<128x32xf32, #tpu.memory_space<vmem>>) offsets(%dma_start3A_400 : memref<128xi32, #tpu.memory_space<vmem>>) semaphore(%dma_start3A_405 : memref<!tpu.dma_semaphore, #tpu.memory_space<semaphore_mem>>)
      %dma_wait3A_406 = arith.constant 0 : i32
      %dma_wait3A_407 = arith.constant 2 : i32
      %dma_wait3A_408 = arith.constant 0 : i32
      %dma_wait3A_409 = tpu.memref_slice %arg6[%dma_wait3A_406, %dma_wait3A_408] : memref<79x128xi32, #tpu.memory_space<vmem>> -> memref<1x128xi32, #tpu.memory_space<vmem>>
      %dma_wait3A_410 = tpu.memref_squeeze %dma_wait3A_409 : memref<1x128xi32, #tpu.memory_space<vmem>> -> memref<128xi32, #tpu.memory_space<vmem>>
      %dma_wait3A_411 = arith.constant 0 : i32
      %dma_wait3A_412 = arith.constant 0 : i32
      %dma_wait3A_413 = tpu.memref_slice %arg2[%dma_wait3A_411, %dma_wait3A_412] : memref<10240x32xf32, #tpu.memory_space<hbm>> -> memref<10240x32xf32, #tpu.memory_space<hbm>>
      %dma_wait3A_414 = tpu.memref_slice %arg17[%dma_wait3A_407] : memref<8x!tpu.dma_semaphore, #tpu.memory_space<semaphore_mem>> -> memref<1x!tpu.dma_semaphore, #tpu.memory_space<semaphore_mem>>
      %dma_wait3A_415 = tpu.memref_squeeze %dma_wait3A_414 : memref<1x!tpu.dma_semaphore, #tpu.memory_space<semaphore_mem>> -> memref<!tpu.dma_semaphore, #tpu.memory_space<semaphore_mem>>
      tpu.wait_indirect_dma semaphore(%dma_wait3A_415 : memref<!tpu.dma_semaphore, #tpu.memory_space<semaphore_mem>>) src(%dma_wait3A_413 : memref<10240x32xf32, #tpu.memory_space<hbm>>) dst(%arg10 : memref<128x32xf32, #tpu.memory_space<vmem>>)
      "tpu.region"() ({
        %run_scoped3A_542 = tpu.sem_alloc : memref<!tpu.dma_semaphore, #tpu.memory_space<semaphore_mem>>
        %dma_start3A_543 = arith.constant 0 : i32
        %dma_start3A_544 = tpu.memref_slice %arg7[%add3A_392, %dma_start3A_543] : memref<79x128xi32, #tpu.memory_space<vmem>> -> memref<1x128xi32, #tpu.memory_space<vmem>>
        %dma_start3A_545 = tpu.memref_squeeze %dma_start3A_544 : memref<1x128xi32, #tpu.memory_space<vmem>> -> memref<128xi32, #tpu.memory_space<vmem>>
        %dma_start3A_546 = arith.constant 0 : i32
        %dma_start3A_547 = arith.constant 0 : i32
        %dma_start3A_548 = tpu.memref_slice %arg16[%dma_start3A_546, %dma_start3A_547] : memref<10240x32xf32, #tpu.memory_space<vmem_shared>> -> memref<10240x32xf32, #tpu.memory_space<vmem_shared>>
        tpu.enqueue_indirect_dma source(%arg10 : memref<128x32xf32, #tpu.memory_space<vmem>>) target(%dma_start3A_548 : memref<10240x32xf32, #tpu.memory_space<vmem_shared>>) offsets(%dma_start3A_545 : memref<128xi32, #tpu.memory_space<vmem>>) semaphore(%run_scoped3A_542 : memref<!tpu.dma_semaphore, #tpu.memory_space<semaphore_mem>>) {add = true}
        %dma_wait3A_549 = arith.constant 0 : i32
        %dma_wait3A_550 = tpu.memref_slice %arg7[%add3A_392, %dma_wait3A_549] : memref<79x128xi32, #tpu.memory_space<vmem>> -> memref<1x128xi32, #tpu.memory_space<vmem>>
        %dma_wait3A_551 = tpu.memref_squeeze %dma_wait3A_550 : memref<1x128xi32, #tpu.memory_space<vmem>> -> memref<128xi32, #tpu.memory_space<vmem>>
        %dma_wait3A_552 = arith.constant 0 : i32
        %dma_wait3A_553 = arith.constant 0 : i32
        %dma_wait3A_554 = tpu.memref_slice %arg16[%dma_wait3A_552, %dma_wait3A_553] : memref<10240x32xf32, #tpu.memory_space<vmem_shared>> -> memref<10240x32xf32, #tpu.memory_space<vmem_shared>>
        tpu.wait_indirect_dma semaphore(%run_scoped3A_542 : memref<!tpu.dma_semaphore, #tpu.memory_space<semaphore_mem>>) src(%arg10 : memref<128x32xf32, #tpu.memory_space<vmem>>) dst(%dma_wait3A_554 : memref<10240x32xf32, #tpu.memory_space<vmem_shared>>)
        tpu.yield
      }) : () -> ()
      %add3A_416 = arith.constant 3 : i32
      %add3A_417 = arith.addi %mul3A_341, %add3A_416 : i32
      %add3A_418 = arith.constant 8 : i32
      %add3A_419 = arith.addi %add3A_417, %add3A_418 : i32
      %sub3A_420 = arith.constant 1 : i32
      %sub3A_421 = arith.subi %add3A_419, %sub3A_420 : i32
      %dma_start3A_422 = arith.constant 2 : i32
      %dma_start3A_423 = arith.constant 0 : i32
      %dma_start3A_424 = tpu.memref_slice %arg6[%sub3A_421, %dma_start3A_423] : memref<79x128xi32, #tpu.memory_space<vmem>> -> memref<1x128xi32, #tpu.memory_space<vmem>>
      %dma_start3A_425 = tpu.memref_squeeze %dma_start3A_424 : memref<1x128xi32, #tpu.memory_space<vmem>> -> memref<128xi32, #tpu.memory_space<vmem>>
      %dma_start3A_426 = arith.constant 0 : i32
      %dma_start3A_427 = arith.constant 0 : i32
      %dma_start3A_428 = tpu.memref_slice %arg2[%dma_start3A_426, %dma_start3A_427] : memref<10240x32xf32, #tpu.memory_space<hbm>> -> memref<10240x32xf32, #tpu.memory_space<hbm>>
      %dma_start3A_429 = tpu.memref_slice %arg17[%dma_start3A_422] : memref<8x!tpu.dma_semaphore, #tpu.memory_space<semaphore_mem>> -> memref<1x!tpu.dma_semaphore, #tpu.memory_space<semaphore_mem>>
      %dma_start3A_430 = tpu.memref_squeeze %dma_start3A_429 : memref<1x!tpu.dma_semaphore, #tpu.memory_space<semaphore_mem>> -> memref<!tpu.dma_semaphore, #tpu.memory_space<semaphore_mem>>
      tpu.enqueue_indirect_dma source(%dma_start3A_428 : memref<10240x32xf32, #tpu.memory_space<hbm>>) target(%arg10 : memref<128x32xf32, #tpu.memory_space<vmem>>) offsets(%dma_start3A_425 : memref<128xi32, #tpu.memory_space<vmem>>) semaphore(%dma_start3A_430 : memref<!tpu.dma_semaphore, #tpu.memory_space<semaphore_mem>>)
      %dma_wait3A_431 = arith.constant 0 : i32
      %dma_wait3A_432 = arith.constant 3 : i32
      %dma_wait3A_433 = arith.constant 0 : i32
      %dma_wait3A_434 = tpu.memref_slice %arg6[%dma_wait3A_431, %dma_wait3A_433] : memref<79x128xi32, #tpu.memory_space<vmem>> -> memref<1x128xi32, #tpu.memory_space<vmem>>
      %dma_wait3A_435 = tpu.memref_squeeze %dma_wait3A_434 : memref<1x128xi32, #tpu.memory_space<vmem>> -> memref<128xi32, #tpu.memory_space<vmem>>
      %dma_wait3A_436 = arith.constant 0 : i32
      %dma_wait3A_437 = arith.constant 0 : i32
      %dma_wait3A_438 = tpu.memref_slice %arg2[%dma_wait3A_436, %dma_wait3A_437] : memref<10240x32xf32, #tpu.memory_space<hbm>> -> memref<10240x32xf32, #tpu.memory_space<hbm>>
      %dma_wait3A_439 = tpu.memref_slice %arg17[%dma_wait3A_432] : memref<8x!tpu.dma_semaphore, #tpu.memory_space<semaphore_mem>> -> memref<1x!tpu.dma_semaphore, #tpu.memory_space<semaphore_mem>>
      %dma_wait3A_440 = tpu.memref_squeeze %dma_wait3A_439 : memref<1x!tpu.dma_semaphore, #tpu.memory_space<semaphore_mem>> -> memref<!tpu.dma_semaphore, #tpu.memory_space<semaphore_mem>>
      tpu.wait_indirect_dma semaphore(%dma_wait3A_440 : memref<!tpu.dma_semaphore, #tpu.memory_space<semaphore_mem>>) src(%dma_wait3A_438 : memref<10240x32xf32, #tpu.memory_space<hbm>>) dst(%arg11 : memref<128x32xf32, #tpu.memory_space<vmem>>)
      "tpu.region"() ({
        %run_scoped3A_542 = tpu.sem_alloc : memref<!tpu.dma_semaphore, #tpu.memory_space<semaphore_mem>>
        %dma_start3A_543 = arith.constant 0 : i32
        %dma_start3A_544 = tpu.memref_slice %arg7[%add3A_417, %dma_start3A_543] : memref<79x128xi32, #tpu.memory_space<vmem>> -> memref<1x128xi32, #tpu.memory_space<vmem>>
        %dma_start3A_545 = tpu.memref_squeeze %dma_start3A_544 : memref<1x128xi32, #tpu.memory_space<vmem>> -> memref<128xi32, #tpu.memory_space<vmem>>
        %dma_start3A_546 = arith.constant 0 : i32
        %dma_start3A_547 = arith.constant 0 : i32
        %dma_start3A_548 = tpu.memref_slice %arg16[%dma_start3A_546, %dma_start3A_547] : memref<10240x32xf32, #tpu.memory_space<vmem_shared>> -> memref<10240x32xf32, #tpu.memory_space<vmem_shared>>
        tpu.enqueue_indirect_dma source(%arg11 : memref<128x32xf32, #tpu.memory_space<vmem>>) target(%dma_start3A_548 : memref<10240x32xf32, #tpu.memory_space<vmem_shared>>) offsets(%dma_start3A_545 : memref<128xi32, #tpu.memory_space<vmem>>) semaphore(%run_scoped3A_542 : memref<!tpu.dma_semaphore, #tpu.memory_space<semaphore_mem>>) {add = true}
        %dma_wait3A_549 = arith.constant 0 : i32
        %dma_wait3A_550 = tpu.memref_slice %arg7[%add3A_417, %dma_wait3A_549] : memref<79x128xi32, #tpu.memory_space<vmem>> -> memref<1x128xi32, #tpu.memory_space<vmem>>
        %dma_wait3A_551 = tpu.memref_squeeze %dma_wait3A_550 : memref<1x128xi32, #tpu.memory_space<vmem>> -> memref<128xi32, #tpu.memory_space<vmem>>
        %dma_wait3A_552 = arith.constant 0 : i32
        %dma_wait3A_553 = arith.constant 0 : i32
        %dma_wait3A_554 = tpu.memref_slice %arg16[%dma_wait3A_552, %dma_wait3A_553] : memref<10240x32xf32, #tpu.memory_space<vmem_shared>> -> memref<10240x32xf32, #tpu.memory_space<vmem_shared>>
        tpu.wait_indirect_dma semaphore(%run_scoped3A_542 : memref<!tpu.dma_semaphore, #tpu.memory_space<semaphore_mem>>) src(%arg11 : memref<128x32xf32, #tpu.memory_space<vmem>>) dst(%dma_wait3A_554 : memref<10240x32xf32, #tpu.memory_space<vmem_shared>>)
        tpu.yield
      }) : () -> ()
      %add3A_441 = arith.constant 4 : i32
      %add3A_442 = arith.addi %mul3A_341, %add3A_441 : i32
      %add3A_443 = arith.constant 8 : i32
      %add3A_444 = arith.addi %add3A_442, %add3A_443 : i32
      %sub3A_445 = arith.constant 1 : i32
      %sub3A_446 = arith.subi %add3A_444, %sub3A_445 : i32
      %dma_start3A_447 = arith.constant 3 : i32
      %dma_start3A_448 = arith.constant 0 : i32
      %dma_start3A_449 = tpu.memref_slice %arg6[%sub3A_446, %dma_start3A_448] : memref<79x128xi32, #tpu.memory_space<vmem>> -> memref<1x128xi32, #tpu.memory_space<vmem>>
      %dma_start3A_450 = tpu.memref_squeeze %dma_start3A_449 : memref<1x128xi32, #tpu.memory_space<vmem>> -> memref<128xi32, #tpu.memory_space<vmem>>
      %dma_start3A_451 = arith.constant 0 : i32
      %dma_start3A_452 = arith.constant 0 : i32
      %dma_start3A_453 = tpu.memref_slice %arg2[%dma_start3A_451, %dma_start3A_452] : memref<10240x32xf32, #tpu.memory_space<hbm>> -> memref<10240x32xf32, #tpu.memory_space<hbm>>
      %dma_start3A_454 = tpu.memref_slice %arg17[%dma_start3A_447] : memref<8x!tpu.dma_semaphore, #tpu.memory_space<semaphore_mem>> -> memref<1x!tpu.dma_semaphore, #tpu.memory_space<semaphore_mem>>
      %dma_start3A_455 = tpu.memref_squeeze %dma_start3A_454 : memref<1x!tpu.dma_semaphore, #tpu.memory_space<semaphore_mem>> -> memref<!tpu.dma_semaphore, #tpu.memory_space<semaphore_mem>>
      tpu.enqueue_indirect_dma source(%dma_start3A_453 : memref<10240x32xf32, #tpu.memory_space<hbm>>) target(%arg11 : memref<128x32xf32, #tpu.memory_space<vmem>>) offsets(%dma_start3A_450 : memref<128xi32, #tpu.memory_space<vmem>>) semaphore(%dma_start3A_455 : memref<!tpu.dma_semaphore, #tpu.memory_space<semaphore_mem>>)
      %dma_wait3A_456 = arith.constant 0 : i32
      %dma_wait3A_457 = arith.constant 4 : i32
      %dma_wait3A_458 = arith.constant 0 : i32
      %dma_wait3A_459 = tpu.memref_slice %arg6[%dma_wait3A_456, %dma_wait3A_458] : memref<79x128xi32, #tpu.memory_space<vmem>> -> memref<1x128xi32, #tpu.memory_space<vmem>>
      %dma_wait3A_460 = tpu.memref_squeeze %dma_wait3A_459 : memref<1x128xi32, #tpu.memory_space<vmem>> -> memref<128xi32, #tpu.memory_space<vmem>>
      %dma_wait3A_461 = arith.constant 0 : i32
      %dma_wait3A_462 = arith.constant 0 : i32
      %dma_wait3A_463 = tpu.memref_slice %arg2[%dma_wait3A_461, %dma_wait3A_462] : memref<10240x32xf32, #tpu.memory_space<hbm>> -> memref<10240x32xf32, #tpu.memory_space<hbm>>
      %dma_wait3A_464 = tpu.memref_slice %arg17[%dma_wait3A_457] : memref<8x!tpu.dma_semaphore, #tpu.memory_space<semaphore_mem>> -> memref<1x!tpu.dma_semaphore, #tpu.memory_space<semaphore_mem>>
      %dma_wait3A_465 = tpu.memref_squeeze %dma_wait3A_464 : memref<1x!tpu.dma_semaphore, #tpu.memory_space<semaphore_mem>> -> memref<!tpu.dma_semaphore, #tpu.memory_space<semaphore_mem>>
      tpu.wait_indirect_dma semaphore(%dma_wait3A_465 : memref<!tpu.dma_semaphore, #tpu.memory_space<semaphore_mem>>) src(%dma_wait3A_463 : memref<10240x32xf32, #tpu.memory_space<hbm>>) dst(%arg12 : memref<128x32xf32, #tpu.memory_space<vmem>>)
      "tpu.region"() ({
        %run_scoped3A_542 = tpu.sem_alloc : memref<!tpu.dma_semaphore, #tpu.memory_space<semaphore_mem>>
        %dma_start3A_543 = arith.constant 0 : i32
        %dma_start3A_544 = tpu.memref_slice %arg7[%add3A_442, %dma_start3A_543] : memref<79x128xi32, #tpu.memory_space<vmem>> -> memref<1x128xi32, #tpu.memory_space<vmem>>
        %dma_start3A_545 = tpu.memref_squeeze %dma_start3A_544 : memref<1x128xi32, #tpu.memory_space<vmem>> -> memref<128xi32, #tpu.memory_space<vmem>>
        %dma_start3A_546 = arith.constant 0 : i32
        %dma_start3A_547 = arith.constant 0 : i32
        %dma_start3A_548 = tpu.memref_slice %arg16[%dma_start3A_546, %dma_start3A_547] : memref<10240x32xf32, #tpu.memory_space<vmem_shared>> -> memref<10240x32xf32, #tpu.memory_space<vmem_shared>>
        tpu.enqueue_indirect_dma source(%arg12 : memref<128x32xf32, #tpu.memory_space<vmem>>) target(%dma_start3A_548 : memref<10240x32xf32, #tpu.memory_space<vmem_shared>>) offsets(%dma_start3A_545 : memref<128xi32, #tpu.memory_space<vmem>>) semaphore(%run_scoped3A_542 : memref<!tpu.dma_semaphore, #tpu.memory_space<semaphore_mem>>) {add = true}
        %dma_wait3A_549 = arith.constant 0 : i32
        %dma_wait3A_550 = tpu.memref_slice %arg7[%add3A_442, %dma_wait3A_549] : memref<79x128xi32, #tpu.memory_space<vmem>> -> memref<1x128xi32, #tpu.memory_space<vmem>>
        %dma_wait3A_551 = tpu.memref_squeeze %dma_wait3A_550 : memref<1x128xi32, #tpu.memory_space<vmem>> -> memref<128xi32, #tpu.memory_space<vmem>>
        %dma_wait3A_552 = arith.constant 0 : i32
        %dma_wait3A_553 = arith.constant 0 : i32
        %dma_wait3A_554 = tpu.memref_slice %arg16[%dma_wait3A_552, %dma_wait3A_553] : memref<10240x32xf32, #tpu.memory_space<vmem_shared>> -> memref<10240x32xf32, #tpu.memory_space<vmem_shared>>
        tpu.wait_indirect_dma semaphore(%run_scoped3A_542 : memref<!tpu.dma_semaphore, #tpu.memory_space<semaphore_mem>>) src(%arg12 : memref<128x32xf32, #tpu.memory_space<vmem>>) dst(%dma_wait3A_554 : memref<10240x32xf32, #tpu.memory_space<vmem_shared>>)
        tpu.yield
      }) : () -> ()
      %add3A_466 = arith.constant 5 : i32
      %add3A_467 = arith.addi %mul3A_341, %add3A_466 : i32
      %add3A_468 = arith.constant 8 : i32
      %add3A_469 = arith.addi %add3A_467, %add3A_468 : i32
      %sub3A_470 = arith.constant 1 : i32
      %sub3A_471 = arith.subi %add3A_469, %sub3A_470 : i32
      %dma_start3A_472 = arith.constant 4 : i32
      %dma_start3A_473 = arith.constant 0 : i32
      %dma_start3A_474 = tpu.memref_slice %arg6[%sub3A_471, %dma_start3A_473] : memref<79x128xi32, #tpu.memory_space<vmem>> -> memref<1x128xi32, #tpu.memory_space<vmem>>
      %dma_start3A_475 = tpu.memref_squeeze %dma_start3A_474 : memref<1x128xi32, #tpu.memory_space<vmem>> -> memref<128xi32, #tpu.memory_space<vmem>>
      %dma_start3A_476 = arith.constant 0 : i32
      %dma_start3A_477 = arith.constant 0 : i32
      %dma_start3A_478 = tpu.memref_slice %arg2[%dma_start3A_476, %dma_start3A_477] : memref<10240x32xf32, #tpu.memory_space<hbm>> -> memref<10240x32xf32, #tpu.memory_space<hbm>>
      %dma_start3A_479 = tpu.memref_slice %arg17[%dma_start3A_472] : memref<8x!tpu.dma_semaphore, #tpu.memory_space<semaphore_mem>> -> memref<1x!tpu.dma_semaphore, #tpu.memory_space<semaphore_mem>>
      %dma_start3A_480 = tpu.memref_squeeze %dma_start3A_479 : memref<1x!tpu.dma_semaphore, #tpu.memory_space<semaphore_mem>> -> memref<!tpu.dma_semaphore, #tpu.memory_space<semaphore_mem>>
      tpu.enqueue_indirect_dma source(%dma_start3A_478 : memref<10240x32xf32, #tpu.memory_space<hbm>>) target(%arg12 : memref<128x32xf32, #tpu.memory_space<vmem>>) offsets(%dma_start3A_475 : memref<128xi32, #tpu.memory_space<vmem>>) semaphore(%dma_start3A_480 : memref<!tpu.dma_semaphore, #tpu.memory_space<semaphore_mem>>)
      %dma_wait3A_481 = arith.constant 0 : i32
      %dma_wait3A_482 = arith.constant 5 : i32
      %dma_wait3A_483 = arith.constant 0 : i32
      %dma_wait3A_484 = tpu.memref_slice %arg6[%dma_wait3A_481, %dma_wait3A_483] : memref<79x128xi32, #tpu.memory_space<vmem>> -> memref<1x128xi32, #tpu.memory_space<vmem>>
      %dma_wait3A_485 = tpu.memref_squeeze %dma_wait3A_484 : memref<1x128xi32, #tpu.memory_space<vmem>> -> memref<128xi32, #tpu.memory_space<vmem>>
      %dma_wait3A_486 = arith.constant 0 : i32
      %dma_wait3A_487 = arith.constant 0 : i32
      %dma_wait3A_488 = tpu.memref_slice %arg2[%dma_wait3A_486, %dma_wait3A_487] : memref<10240x32xf32, #tpu.memory_space<hbm>> -> memref<10240x32xf32, #tpu.memory_space<hbm>>
      %dma_wait3A_489 = tpu.memref_slice %arg17[%dma_wait3A_482] : memref<8x!tpu.dma_semaphore, #tpu.memory_space<semaphore_mem>> -> memref<1x!tpu.dma_semaphore, #tpu.memory_space<semaphore_mem>>
      %dma_wait3A_490 = tpu.memref_squeeze %dma_wait3A_489 : memref<1x!tpu.dma_semaphore, #tpu.memory_space<semaphore_mem>> -> memref<!tpu.dma_semaphore, #tpu.memory_space<semaphore_mem>>
      tpu.wait_indirect_dma semaphore(%dma_wait3A_490 : memref<!tpu.dma_semaphore, #tpu.memory_space<semaphore_mem>>) src(%dma_wait3A_488 : memref<10240x32xf32, #tpu.memory_space<hbm>>) dst(%arg13 : memref<128x32xf32, #tpu.memory_space<vmem>>)
      "tpu.region"() ({
        %run_scoped3A_542 = tpu.sem_alloc : memref<!tpu.dma_semaphore, #tpu.memory_space<semaphore_mem>>
        %dma_start3A_543 = arith.constant 0 : i32
        %dma_start3A_544 = tpu.memref_slice %arg7[%add3A_467, %dma_start3A_543] : memref<79x128xi32, #tpu.memory_space<vmem>> -> memref<1x128xi32, #tpu.memory_space<vmem>>
        %dma_start3A_545 = tpu.memref_squeeze %dma_start3A_544 : memref<1x128xi32, #tpu.memory_space<vmem>> -> memref<128xi32, #tpu.memory_space<vmem>>
        %dma_start3A_546 = arith.constant 0 : i32
        %dma_start3A_547 = arith.constant 0 : i32
        %dma_start3A_548 = tpu.memref_slice %arg16[%dma_start3A_546, %dma_start3A_547] : memref<10240x32xf32, #tpu.memory_space<vmem_shared>> -> memref<10240x32xf32, #tpu.memory_space<vmem_shared>>
        tpu.enqueue_indirect_dma source(%arg13 : memref<128x32xf32, #tpu.memory_space<vmem>>) target(%dma_start3A_548 : memref<10240x32xf32, #tpu.memory_space<vmem_shared>>) offsets(%dma_start3A_545 : memref<128xi32, #tpu.memory_space<vmem>>) semaphore(%run_scoped3A_542 : memref<!tpu.dma_semaphore, #tpu.memory_space<semaphore_mem>>) {add = true}
        %dma_wait3A_549 = arith.constant 0 : i32
        %dma_wait3A_550 = tpu.memref_slice %arg7[%add3A_467, %dma_wait3A_549] : memref<79x128xi32, #tpu.memory_space<vmem>> -> memref<1x128xi32, #tpu.memory_space<vmem>>
        %dma_wait3A_551 = tpu.memref_squeeze %dma_wait3A_550 : memref<1x128xi32, #tpu.memory_space<vmem>> -> memref<128xi32, #tpu.memory_space<vmem>>
        %dma_wait3A_552 = arith.constant 0 : i32
        %dma_wait3A_553 = arith.constant 0 : i32
        %dma_wait3A_554 = tpu.memref_slice %arg16[%dma_wait3A_552, %dma_wait3A_553] : memref<10240x32xf32, #tpu.memory_space<vmem_shared>> -> memref<10240x32xf32, #tpu.memory_space<vmem_shared>>
        tpu.wait_indirect_dma semaphore(%run_scoped3A_542 : memref<!tpu.dma_semaphore, #tpu.memory_space<semaphore_mem>>) src(%arg13 : memref<128x32xf32, #tpu.memory_space<vmem>>) dst(%dma_wait3A_554 : memref<10240x32xf32, #tpu.memory_space<vmem_shared>>)
        tpu.yield
      }) : () -> ()
      %add3A_491 = arith.constant 6 : i32
      %add3A_492 = arith.addi %mul3A_341, %add3A_491 : i32
      %add3A_493 = arith.constant 8 : i32
      %add3A_494 = arith.addi %add3A_492, %add3A_493 : i32
      %sub3A_495 = arith.constant 1 : i32
      %sub3A_496 = arith.subi %add3A_494, %sub3A_495 : i32
      %dma_start3A_497 = arith.constant 5 : i32
      %dma_start3A_498 = arith.constant 0 : i32
      %dma_start3A_499 = tpu.memref_slice %arg6[%sub3A_496, %dma_start3A_498] : memref<79x128xi32, #tpu.memory_space<vmem>> -> memref<1x128xi32, #tpu.memory_space<vmem>>
      %dma_start3A_500 = tpu.memref_squeeze %dma_start3A_499 : memref<1x128xi32, #tpu.memory_space<vmem>> -> memref<128xi32, #tpu.memory_space<vmem>>
      %dma_start3A_501 = arith.constant 0 : i32
      %dma_start3A_502 = arith.constant 0 : i32
      %dma_start3A_503 = tpu.memref_slice %arg2[%dma_start3A_501, %dma_start3A_502] : memref<10240x32xf32, #tpu.memory_space<hbm>> -> memref<10240x32xf32, #tpu.memory_space<hbm>>
      %dma_start3A_504 = tpu.memref_slice %arg17[%dma_start3A_497] : memref<8x!tpu.dma_semaphore, #tpu.memory_space<semaphore_mem>> -> memref<1x!tpu.dma_semaphore, #tpu.memory_space<semaphore_mem>>
      %dma_start3A_505 = tpu.memref_squeeze %dma_start3A_504 : memref<1x!tpu.dma_semaphore, #tpu.memory_space<semaphore_mem>> -> memref<!tpu.dma_semaphore, #tpu.memory_space<semaphore_mem>>
      tpu.enqueue_indirect_dma source(%dma_start3A_503 : memref<10240x32xf32, #tpu.memory_space<hbm>>) target(%arg13 : memref<128x32xf32, #tpu.memory_space<vmem>>) offsets(%dma_start3A_500 : memref<128xi32, #tpu.memory_space<vmem>>) semaphore(%dma_start3A_505 : memref<!tpu.dma_semaphore, #tpu.memory_space<semaphore_mem>>)
      %dma_wait3A_506 = arith.constant 0 : i32
      %dma_wait3A_507 = arith.constant 6 : i32
      %dma_wait3A_508 = arith.constant 0 : i32
      %dma_wait3A_509 = tpu.memref_slice %arg6[%dma_wait3A_506, %dma_wait3A_508] : memref<79x128xi32, #tpu.memory_space<vmem>> -> memref<1x128xi32, #tpu.memory_space<vmem>>
      %dma_wait3A_510 = tpu.memref_squeeze %dma_wait3A_509 : memref<1x128xi32, #tpu.memory_space<vmem>> -> memref<128xi32, #tpu.memory_space<vmem>>
      %dma_wait3A_511 = arith.constant 0 : i32
      %dma_wait3A_512 = arith.constant 0 : i32
      %dma_wait3A_513 = tpu.memref_slice %arg2[%dma_wait3A_511, %dma_wait3A_512] : memref<10240x32xf32, #tpu.memory_space<hbm>> -> memref<10240x32xf32, #tpu.memory_space<hbm>>
      %dma_wait3A_514 = tpu.memref_slice %arg17[%dma_wait3A_507] : memref<8x!tpu.dma_semaphore, #tpu.memory_space<semaphore_mem>> -> memref<1x!tpu.dma_semaphore, #tpu.memory_space<semaphore_mem>>
      %dma_wait3A_515 = tpu.memref_squeeze %dma_wait3A_514 : memref<1x!tpu.dma_semaphore, #tpu.memory_space<semaphore_mem>> -> memref<!tpu.dma_semaphore, #tpu.memory_space<semaphore_mem>>
      tpu.wait_indirect_dma semaphore(%dma_wait3A_515 : memref<!tpu.dma_semaphore, #tpu.memory_space<semaphore_mem>>) src(%dma_wait3A_513 : memref<10240x32xf32, #tpu.memory_space<hbm>>) dst(%arg14 : memref<128x32xf32, #tpu.memory_space<vmem>>)
      "tpu.region"() ({
        %run_scoped3A_542 = tpu.sem_alloc : memref<!tpu.dma_semaphore, #tpu.memory_space<semaphore_mem>>
        %dma_start3A_543 = arith.constant 0 : i32
        %dma_start3A_544 = tpu.memref_slice %arg7[%add3A_492, %dma_start3A_543] : memref<79x128xi32, #tpu.memory_space<vmem>> -> memref<1x128xi32, #tpu.memory_space<vmem>>
        %dma_start3A_545 = tpu.memref_squeeze %dma_start3A_544 : memref<1x128xi32, #tpu.memory_space<vmem>> -> memref<128xi32, #tpu.memory_space<vmem>>
        %dma_start3A_546 = arith.constant 0 : i32
        %dma_start3A_547 = arith.constant 0 : i32
        %dma_start3A_548 = tpu.memref_slice %arg16[%dma_start3A_546, %dma_start3A_547] : memref<10240x32xf32, #tpu.memory_space<vmem_shared>> -> memref<10240x32xf32, #tpu.memory_space<vmem_shared>>
        tpu.enqueue_indirect_dma source(%arg14 : memref<128x32xf32, #tpu.memory_space<vmem>>) target(%dma_start3A_548 : memref<10240x32xf32, #tpu.memory_space<vmem_shared>>) offsets(%dma_start3A_545 : memref<128xi32, #tpu.memory_space<vmem>>) semaphore(%run_scoped3A_542 : memref<!tpu.dma_semaphore, #tpu.memory_space<semaphore_mem>>) {add = true}
        %dma_wait3A_549 = arith.constant 0 : i32
        %dma_wait3A_550 = tpu.memref_slice %arg7[%add3A_492, %dma_wait3A_549] : memref<79x128xi32, #tpu.memory_space<vmem>> -> memref<1x128xi32, #tpu.memory_space<vmem>>
        %dma_wait3A_551 = tpu.memref_squeeze %dma_wait3A_550 : memref<1x128xi32, #tpu.memory_space<vmem>> -> memref<128xi32, #tpu.memory_space<vmem>>
        %dma_wait3A_552 = arith.constant 0 : i32
        %dma_wait3A_553 = arith.constant 0 : i32
        %dma_wait3A_554 = tpu.memref_slice %arg16[%dma_wait3A_552, %dma_wait3A_553] : memref<10240x32xf32, #tpu.memory_space<vmem_shared>> -> memref<10240x32xf32, #tpu.memory_space<vmem_shared>>
        tpu.wait_indirect_dma semaphore(%run_scoped3A_542 : memref<!tpu.dma_semaphore, #tpu.memory_space<semaphore_mem>>) src(%arg14 : memref<128x32xf32, #tpu.memory_space<vmem>>) dst(%dma_wait3A_554 : memref<10240x32xf32, #tpu.memory_space<vmem_shared>>)
        tpu.yield
      }) : () -> ()
      %add3A_516 = arith.constant 7 : i32
      %add3A_517 = arith.addi %mul3A_341, %add3A_516 : i32
      %add3A_518 = arith.constant 8 : i32
      %add3A_519 = arith.addi %add3A_517, %add3A_518 : i32
      %sub3A_520 = arith.constant 1 : i32
      %sub3A_521 = arith.subi %add3A_519, %sub3A_520 : i32
      %dma_start3A_522 = arith.constant 6 : i32
      %dma_start3A_523 = arith.constant 0 : i32
      %dma_start3A_524 = tpu.memref_slice %arg6[%sub3A_521, %dma_start3A_523] : memref<79x128xi32, #tpu.memory_space<vmem>> -> memref<1x128xi32, #tpu.memory_space<vmem>>
      %dma_start3A_525 = tpu.memref_squeeze %dma_start3A_524 : memref<1x128xi32, #tpu.memory_space<vmem>> -> memref<128xi32, #tpu.memory_space<vmem>>
      %dma_start3A_526 = arith.constant 0 : i32
      %dma_start3A_527 = arith.constant 0 : i32
      %dma_start3A_528 = tpu.memref_slice %arg2[%dma_start3A_526, %dma_start3A_527] : memref<10240x32xf32, #tpu.memory_space<hbm>> -> memref<10240x32xf32, #tpu.memory_space<hbm>>
      %dma_start3A_529 = tpu.memref_slice %arg17[%dma_start3A_522] : memref<8x!tpu.dma_semaphore, #tpu.memory_space<semaphore_mem>> -> memref<1x!tpu.dma_semaphore, #tpu.memory_space<semaphore_mem>>
      %dma_start3A_530 = tpu.memref_squeeze %dma_start3A_529 : memref<1x!tpu.dma_semaphore, #tpu.memory_space<semaphore_mem>> -> memref<!tpu.dma_semaphore, #tpu.memory_space<semaphore_mem>>
      tpu.enqueue_indirect_dma source(%dma_start3A_528 : memref<10240x32xf32, #tpu.memory_space<hbm>>) target(%arg14 : memref<128x32xf32, #tpu.memory_space<vmem>>) offsets(%dma_start3A_525 : memref<128xi32, #tpu.memory_space<vmem>>) semaphore(%dma_start3A_530 : memref<!tpu.dma_semaphore, #tpu.memory_space<semaphore_mem>>)
      %dma_wait3A_531 = arith.constant 0 : i32
      %dma_wait3A_532 = arith.constant 7 : i32
      %dma_wait3A_533 = arith.constant 0 : i32
      %dma_wait3A_534 = tpu.memref_slice %arg6[%dma_wait3A_531, %dma_wait3A_533] : memref<79x128xi32, #tpu.memory_space<vmem>> -> memref<1x128xi32, #tpu.memory_space<vmem>>
      %dma_wait3A_535 = tpu.memref_squeeze %dma_wait3A_534 : memref<1x128xi32, #tpu.memory_space<vmem>> -> memref<128xi32, #tpu.memory_space<vmem>>
      %dma_wait3A_536 = arith.constant 0 : i32
      %dma_wait3A_537 = arith.constant 0 : i32
      %dma_wait3A_538 = tpu.memref_slice %arg2[%dma_wait3A_536, %dma_wait3A_537] : memref<10240x32xf32, #tpu.memory_space<hbm>> -> memref<10240x32xf32, #tpu.memory_space<hbm>>
      %dma_wait3A_539 = tpu.memref_slice %arg17[%dma_wait3A_532] : memref<8x!tpu.dma_semaphore, #tpu.memory_space<semaphore_mem>> -> memref<1x!tpu.dma_semaphore, #tpu.memory_space<semaphore_mem>>
      %dma_wait3A_540 = tpu.memref_squeeze %dma_wait3A_539 : memref<1x!tpu.dma_semaphore, #tpu.memory_space<semaphore_mem>> -> memref<!tpu.dma_semaphore, #tpu.memory_space<semaphore_mem>>
      tpu.wait_indirect_dma semaphore(%dma_wait3A_540 : memref<!tpu.dma_semaphore, #tpu.memory_space<semaphore_mem>>) src(%dma_wait3A_538 : memref<10240x32xf32, #tpu.memory_space<hbm>>) dst(%arg15 : memref<128x32xf32, #tpu.memory_space<vmem>>)
      "tpu.region"() ({
        %run_scoped3A_542 = tpu.sem_alloc : memref<!tpu.dma_semaphore, #tpu.memory_space<semaphore_mem>>
        %dma_start3A_543 = arith.constant 0 : i32
        %dma_start3A_544 = tpu.memref_slice %arg7[%add3A_517, %dma_start3A_543] : memref<79x128xi32, #tpu.memory_space<vmem>> -> memref<1x128xi32, #tpu.memory_space<vmem>>
        %dma_start3A_545 = tpu.memref_squeeze %dma_start3A_544 : memref<1x128xi32, #tpu.memory_space<vmem>> -> memref<128xi32, #tpu.memory_space<vmem>>
        %dma_start3A_546 = arith.constant 0 : i32
        %dma_start3A_547 = arith.constant 0 : i32
        %dma_start3A_548 = tpu.memref_slice %arg16[%dma_start3A_546, %dma_start3A_547] : memref<10240x32xf32, #tpu.memory_space<vmem_shared>> -> memref<10240x32xf32, #tpu.memory_space<vmem_shared>>
        tpu.enqueue_indirect_dma source(%arg15 : memref<128x32xf32, #tpu.memory_space<vmem>>) target(%dma_start3A_548 : memref<10240x32xf32, #tpu.memory_space<vmem_shared>>) offsets(%dma_start3A_545 : memref<128xi32, #tpu.memory_space<vmem>>) semaphore(%run_scoped3A_542 : memref<!tpu.dma_semaphore, #tpu.memory_space<semaphore_mem>>) {add = true}
        %dma_wait3A_549 = arith.constant 0 : i32
        %dma_wait3A_550 = tpu.memref_slice %arg7[%add3A_517, %dma_wait3A_549] : memref<79x128xi32, #tpu.memory_space<vmem>> -> memref<1x128xi32, #tpu.memory_space<vmem>>
        %dma_wait3A_551 = tpu.memref_squeeze %dma_wait3A_550 : memref<1x128xi32, #tpu.memory_space<vmem>> -> memref<128xi32, #tpu.memory_space<vmem>>
        %dma_wait3A_552 = arith.constant 0 : i32
        %dma_wait3A_553 = arith.constant 0 : i32
        %dma_wait3A_554 = tpu.memref_slice %arg16[%dma_wait3A_552, %dma_wait3A_553] : memref<10240x32xf32, #tpu.memory_space<vmem_shared>> -> memref<10240x32xf32, #tpu.memory_space<vmem_shared>>
        tpu.wait_indirect_dma semaphore(%run_scoped3A_542 : memref<!tpu.dma_semaphore, #tpu.memory_space<semaphore_mem>>) src(%arg15 : memref<128x32xf32, #tpu.memory_space<vmem>>) dst(%dma_wait3A_554 : memref<10240x32xf32, #tpu.memory_space<vmem_shared>>)
        tpu.yield
      }) : () -> ()
      %scan3A_541 = arith.constant 0 : i32
      scf.yield %scan3A_541 : i32
    }
    %scan3A_108 = arith.constant 8 : i32
    %gt3A = arith.constant 71 : i32
    %gt3A_109 = arith.cmpi sgt, %select_n3A, %gt3A : i32
    %convert_element_type3A = arith.extui %gt3A_109 : i1 to i32
    %cond3A = arith.constant 0 : i32
    %cond3A_110 = arith.cmpi ne, %convert_element_type3A, %cond3A : i32
    scf.if %cond3A_110 {
      %dma_start3A_338 = arith.constant 71 : i32
      %dma_start3A_339 = arith.constant 7 : i32
      %dma_start3A_340 = arith.constant 0 : i32
      %dma_start3A_341 = tpu.memref_slice %arg6[%dma_start3A_338, %dma_start3A_340] : memref<79x128xi32, #tpu.memory_space<vmem>> -> memref<1x128xi32, #tpu.memory_space<vmem>>
      %dma_start3A_342 = tpu.memref_squeeze %dma_start3A_341 : memref<1x128xi32, #tpu.memory_space<vmem>> -> memref<128xi32, #tpu.memory_space<vmem>>
      %dma_start3A_343 = arith.constant 0 : i32
      %dma_start3A_344 = arith.constant 0 : i32
      %dma_start3A_345 = tpu.memref_slice %arg2[%dma_start3A_343, %dma_start3A_344] : memref<10240x32xf32, #tpu.memory_space<hbm>> -> memref<10240x32xf32, #tpu.memory_space<hbm>>
      %dma_start3A_346 = tpu.memref_slice %arg17[%dma_start3A_339] : memref<8x!tpu.dma_semaphore, #tpu.memory_space<semaphore_mem>> -> memref<1x!tpu.dma_semaphore, #tpu.memory_space<semaphore_mem>>
      %dma_start3A_347 = tpu.memref_squeeze %dma_start3A_346 : memref<1x!tpu.dma_semaphore, #tpu.memory_space<semaphore_mem>> -> memref<!tpu.dma_semaphore, #tpu.memory_space<semaphore_mem>>
      tpu.enqueue_indirect_dma source(%dma_start3A_345 : memref<10240x32xf32, #tpu.memory_space<hbm>>) target(%arg15 : memref<128x32xf32, #tpu.memory_space<vmem>>) offsets(%dma_start3A_342 : memref<128xi32, #tpu.memory_space<vmem>>) semaphore(%dma_start3A_347 : memref<!tpu.dma_semaphore, #tpu.memory_space<semaphore_mem>>)
    } else {
    }
    %dma_wait3A = arith.constant 0 : i32
    %dma_wait3A_111 = arith.constant 0 : i32
    %dma_wait3A_112 = arith.constant 0 : i32
    %dma_wait3A_113 = tpu.memref_slice %arg6[%dma_wait3A, %dma_wait3A_112] : memref<79x128xi32, #tpu.memory_space<vmem>> -> memref<1x128xi32, #tpu.memory_space<vmem>>
    %dma_wait3A_114 = tpu.memref_squeeze %dma_wait3A_113 : memref<1x128xi32, #tpu.memory_space<vmem>> -> memref<128xi32, #tpu.memory_space<vmem>>
    %dma_wait3A_115 = arith.constant 0 : i32
    %dma_wait3A_116 = arith.constant 0 : i32
    %dma_wait3A_117 = tpu.memref_slice %arg2[%dma_wait3A_115, %dma_wait3A_116] : memref<10240x32xf32, #tpu.memory_space<hbm>> -> memref<10240x32xf32, #tpu.memory_space<hbm>>
    %dma_wait3A_118 = tpu.memref_slice %arg17[%dma_wait3A_111] : memref<8x!tpu.dma_semaphore, #tpu.memory_space<semaphore_mem>> -> memref<1x!tpu.dma_semaphore, #tpu.memory_space<semaphore_mem>>
    %dma_wait3A_119 = tpu.memref_squeeze %dma_wait3A_118 : memref<1x!tpu.dma_semaphore, #tpu.memory_space<semaphore_mem>> -> memref<!tpu.dma_semaphore, #tpu.memory_space<semaphore_mem>>
    tpu.wait_indirect_dma semaphore(%dma_wait3A_119 : memref<!tpu.dma_semaphore, #tpu.memory_space<semaphore_mem>>) src(%dma_wait3A_117 : memref<10240x32xf32, #tpu.memory_space<hbm>>) dst(%arg8 : memref<128x32xf32, #tpu.memory_space<vmem>>)
    %run_scoped3A = arith.constant 64 : i32
    "tpu.region"() ({
      %run_scoped3A_338 = tpu.sem_alloc : memref<!tpu.dma_semaphore, #tpu.memory_space<semaphore_mem>>
      %dma_start3A_339 = arith.constant 0 : i32
      %dma_start3A_340 = tpu.memref_slice %arg7[%run_scoped3A, %dma_start3A_339] : memref<79x128xi32, #tpu.memory_space<vmem>> -> memref<1x128xi32, #tpu.memory_space<vmem>>
      %dma_start3A_341 = tpu.memref_squeeze %dma_start3A_340 : memref<1x128xi32, #tpu.memory_space<vmem>> -> memref<128xi32, #tpu.memory_space<vmem>>
      %dma_start3A_342 = arith.constant 0 : i32
      %dma_start3A_343 = arith.constant 0 : i32
      %dma_start3A_344 = tpu.memref_slice %arg16[%dma_start3A_342, %dma_start3A_343] : memref<10240x32xf32, #tpu.memory_space<vmem_shared>> -> memref<10240x32xf32, #tpu.memory_space<vmem_shared>>
      tpu.enqueue_indirect_dma source(%arg8 : memref<128x32xf32, #tpu.memory_space<vmem>>) target(%dma_start3A_344 : memref<10240x32xf32, #tpu.memory_space<vmem_shared>>) offsets(%dma_start3A_341 : memref<128xi32, #tpu.memory_space<vmem>>) semaphore(%run_scoped3A_338 : memref<!tpu.dma_semaphore, #tpu.memory_space<semaphore_mem>>) {add = true}
      %dma_wait3A_345 = arith.constant 0 : i32
      %dma_wait3A_346 = tpu.memref_slice %arg7[%run_scoped3A, %dma_wait3A_345] : memref<79x128xi32, #tpu.memory_space<vmem>> -> memref<1x128xi32, #tpu.memory_space<vmem>>
      %dma_wait3A_347 = tpu.memref_squeeze %dma_wait3A_346 : memref<1x128xi32, #tpu.memory_space<vmem>> -> memref<128xi32, #tpu.memory_space<vmem>>
      %dma_wait3A_348 = arith.constant 0 : i32
      %dma_wait3A_349 = arith.constant 0 : i32
      %dma_wait3A_350 = tpu.memref_slice %arg16[%dma_wait3A_348, %dma_wait3A_349] : memref<10240x32xf32, #tpu.memory_space<vmem_shared>> -> memref<10240x32xf32, #tpu.memory_space<vmem_shared>>
      tpu.wait_indirect_dma semaphore(%run_scoped3A_338 : memref<!tpu.dma_semaphore, #tpu.memory_space<semaphore_mem>>) src(%arg8 : memref<128x32xf32, #tpu.memory_space<vmem>>) dst(%dma_wait3A_350 : memref<10240x32xf32, #tpu.memory_space<vmem_shared>>)
      tpu.yield
    }) : () -> ()
    %gt3A_120 = arith.constant 72 : i32
    %gt3A_121 = arith.cmpi sgt, %select_n3A, %gt3A_120 : i32
    %convert_element_type3A_122 = arith.extui %gt3A_121 : i1 to i32
    %cond3A_123 = arith.constant 0 : i32
    %cond3A_124 = arith.cmpi ne, %convert_element_type3A_122, %cond3A_123 : i32
    scf.if %cond3A_124 {
      %dma_start3A_338 = arith.constant 72 : i32
      %dma_start3A_339 = arith.constant 0 : i32
      %dma_start3A_340 = arith.constant 0 : i32
      %dma_start3A_341 = tpu.memref_slice %arg6[%dma_start3A_338, %dma_start3A_340] : memref<79x128xi32, #tpu.memory_space<vmem>> -> memref<1x128xi32, #tpu.memory_space<vmem>>
      %dma_start3A_342 = tpu.memref_squeeze %dma_start3A_341 : memref<1x128xi32, #tpu.memory_space<vmem>> -> memref<128xi32, #tpu.memory_space<vmem>>
      %dma_start3A_343 = arith.constant 0 : i32
      %dma_start3A_344 = arith.constant 0 : i32
      %dma_start3A_345 = tpu.memref_slice %arg2[%dma_start3A_343, %dma_start3A_344] : memref<10240x32xf32, #tpu.memory_space<hbm>> -> memref<10240x32xf32, #tpu.memory_space<hbm>>
      %dma_start3A_346 = tpu.memref_slice %arg17[%dma_start3A_339] : memref<8x!tpu.dma_semaphore, #tpu.memory_space<semaphore_mem>> -> memref<1x!tpu.dma_semaphore, #tpu.memory_space<semaphore_mem>>
      %dma_start3A_347 = tpu.memref_squeeze %dma_start3A_346 : memref<1x!tpu.dma_semaphore, #tpu.memory_space<semaphore_mem>> -> memref<!tpu.dma_semaphore, #tpu.memory_space<semaphore_mem>>
      tpu.enqueue_indirect_dma source(%dma_start3A_345 : memref<10240x32xf32, #tpu.memory_space<hbm>>) target(%arg8 : memref<128x32xf32, #tpu.memory_space<vmem>>) offsets(%dma_start3A_342 : memref<128xi32, #tpu.memory_space<vmem>>) semaphore(%dma_start3A_347 : memref<!tpu.dma_semaphore, #tpu.memory_space<semaphore_mem>>)
    } else {
    }
    %dma_wait3A_125 = arith.constant 0 : i32
    %dma_wait3A_126 = arith.constant 1 : i32
    %dma_wait3A_127 = arith.constant 0 : i32
    %dma_wait3A_128 = tpu.memref_slice %arg6[%dma_wait3A_125, %dma_wait3A_127] : memref<79x128xi32, #tpu.memory_space<vmem>> -> memref<1x128xi32, #tpu.memory_space<vmem>>
    %dma_wait3A_129 = tpu.memref_squeeze %dma_wait3A_128 : memref<1x128xi32, #tpu.memory_space<vmem>> -> memref<128xi32, #tpu.memory_space<vmem>>
    %dma_wait3A_130 = arith.constant 0 : i32
    %dma_wait3A_131 = arith.constant 0 : i32
    %dma_wait3A_132 = tpu.memref_slice %arg2[%dma_wait3A_130, %dma_wait3A_131] : memref<10240x32xf32, #tpu.memory_space<hbm>> -> memref<10240x32xf32, #tpu.memory_space<hbm>>
    %dma_wait3A_133 = tpu.memref_slice %arg17[%dma_wait3A_126] : memref<8x!tpu.dma_semaphore, #tpu.memory_space<semaphore_mem>> -> memref<1x!tpu.dma_semaphore, #tpu.memory_space<semaphore_mem>>
    %dma_wait3A_134 = tpu.memref_squeeze %dma_wait3A_133 : memref<1x!tpu.dma_semaphore, #tpu.memory_space<semaphore_mem>> -> memref<!tpu.dma_semaphore, #tpu.memory_space<semaphore_mem>>
    tpu.wait_indirect_dma semaphore(%dma_wait3A_134 : memref<!tpu.dma_semaphore, #tpu.memory_space<semaphore_mem>>) src(%dma_wait3A_132 : memref<10240x32xf32, #tpu.memory_space<hbm>>) dst(%arg9 : memref<128x32xf32, #tpu.memory_space<vmem>>)
    %run_scoped3A_135 = arith.constant 65 : i32
    "tpu.region"() ({
      %run_scoped3A_338 = tpu.sem_alloc : memref<!tpu.dma_semaphore, #tpu.memory_space<semaphore_mem>>
      %dma_start3A_339 = arith.constant 0 : i32
      %dma_start3A_340 = tpu.memref_slice %arg7[%run_scoped3A_135, %dma_start3A_339] : memref<79x128xi32, #tpu.memory_space<vmem>> -> memref<1x128xi32, #tpu.memory_space<vmem>>
      %dma_start3A_341 = tpu.memref_squeeze %dma_start3A_340 : memref<1x128xi32, #tpu.memory_space<vmem>> -> memref<128xi32, #tpu.memory_space<vmem>>
      %dma_start3A_342 = arith.constant 0 : i32
      %dma_start3A_343 = arith.constant 0 : i32
      %dma_start3A_344 = tpu.memref_slice %arg16[%dma_start3A_342, %dma_start3A_343] : memref<10240x32xf32, #tpu.memory_space<vmem_shared>> -> memref<10240x32xf32, #tpu.memory_space<vmem_shared>>
      tpu.enqueue_indirect_dma source(%arg9 : memref<128x32xf32, #tpu.memory_space<vmem>>) target(%dma_start3A_344 : memref<10240x32xf32, #tpu.memory_space<vmem_shared>>) offsets(%dma_start3A_341 : memref<128xi32, #tpu.memory_space<vmem>>) semaphore(%run_scoped3A_338 : memref<!tpu.dma_semaphore, #tpu.memory_space<semaphore_mem>>) {add = true}
      %dma_wait3A_345 = arith.constant 0 : i32
      %dma_wait3A_346 = tpu.memref_slice %arg7[%run_scoped3A_135, %dma_wait3A_345] : memref<79x128xi32, #tpu.memory_space<vmem>> -> memref<1x128xi32, #tpu.memory_space<vmem>>
      %dma_wait3A_347 = tpu.memref_squeeze %dma_wait3A_346 : memref<1x128xi32, #tpu.memory_space<vmem>> -> memref<128xi32, #tpu.memory_space<vmem>>
      %dma_wait3A_348 = arith.constant 0 : i32
      %dma_wait3A_349 = arith.constant 0 : i32
      %dma_wait3A_350 = tpu.memref_slice %arg16[%dma_wait3A_348, %dma_wait3A_349] : memref<10240x32xf32, #tpu.memory_space<vmem_shared>> -> memref<10240x32xf32, #tpu.memory_space<vmem_shared>>
      tpu.wait_indirect_dma semaphore(%run_scoped3A_338 : memref<!tpu.dma_semaphore, #tpu.memory_space<semaphore_mem>>) src(%arg9 : memref<128x32xf32, #tpu.memory_space<vmem>>) dst(%dma_wait3A_350 : memref<10240x32xf32, #tpu.memory_space<vmem_shared>>)
      tpu.yield
    }) : () -> ()
    %gt3A_136 = arith.constant 73 : i32
    %gt3A_137 = arith.cmpi sgt, %select_n3A, %gt3A_136 : i32
    %convert_element_type3A_138 = arith.extui %gt3A_137 : i1 to i32
    %cond3A_139 = arith.constant 0 : i32
    %cond3A_140 = arith.cmpi ne, %convert_element_type3A_138, %cond3A_139 : i32
    scf.if %cond3A_140 {
      %dma_start3A_338 = arith.constant 73 : i32
      %dma_start3A_339 = arith.constant 1 : i32
      %dma_start3A_340 = arith.constant 0 : i32
      %dma_start3A_341 = tpu.memref_slice %arg6[%dma_start3A_338, %dma_start3A_340] : memref<79x128xi32, #tpu.memory_space<vmem>> -> memref<1x128xi32, #tpu.memory_space<vmem>>
      %dma_start3A_342 = tpu.memref_squeeze %dma_start3A_341 : memref<1x128xi32, #tpu.memory_space<vmem>> -> memref<128xi32, #tpu.memory_space<vmem>>
      %dma_start3A_343 = arith.constant 0 : i32
      %dma_start3A_344 = arith.constant 0 : i32
      %dma_start3A_345 = tpu.memref_slice %arg2[%dma_start3A_343, %dma_start3A_344] : memref<10240x32xf32, #tpu.memory_space<hbm>> -> memref<10240x32xf32, #tpu.memory_space<hbm>>
      %dma_start3A_346 = tpu.memref_slice %arg17[%dma_start3A_339] : memref<8x!tpu.dma_semaphore, #tpu.memory_space<semaphore_mem>> -> memref<1x!tpu.dma_semaphore, #tpu.memory_space<semaphore_mem>>
      %dma_start3A_347 = tpu.memref_squeeze %dma_start3A_346 : memref<1x!tpu.dma_semaphore, #tpu.memory_space<semaphore_mem>> -> memref<!tpu.dma_semaphore, #tpu.memory_space<semaphore_mem>>
      tpu.enqueue_indirect_dma source(%dma_start3A_345 : memref<10240x32xf32, #tpu.memory_space<hbm>>) target(%arg9 : memref<128x32xf32, #tpu.memory_space<vmem>>) offsets(%dma_start3A_342 : memref<128xi32, #tpu.memory_space<vmem>>) semaphore(%dma_start3A_347 : memref<!tpu.dma_semaphore, #tpu.memory_space<semaphore_mem>>)
    } else {
    }
    %dma_wait3A_141 = arith.constant 0 : i32
    %dma_wait3A_142 = arith.constant 2 : i32
    %dma_wait3A_143 = arith.constant 0 : i32
    %dma_wait3A_144 = tpu.memref_slice %arg6[%dma_wait3A_141, %dma_wait3A_143] : memref<79x128xi32, #tpu.memory_space<vmem>> -> memref<1x128xi32, #tpu.memory_space<vmem>>
    %dma_wait3A_145 = tpu.memref_squeeze %dma_wait3A_144 : memref<1x128xi32, #tpu.memory_space<vmem>> -> memref<128xi32, #tpu.memory_space<vmem>>
    %dma_wait3A_146 = arith.constant 0 : i32
    %dma_wait3A_147 = arith.constant 0 : i32
    %dma_wait3A_148 = tpu.memref_slice %arg2[%dma_wait3A_146, %dma_wait3A_147] : memref<10240x32xf32, #tpu.memory_space<hbm>> -> memref<10240x32xf32, #tpu.memory_space<hbm>>
    %dma_wait3A_149 = tpu.memref_slice %arg17[%dma_wait3A_142] : memref<8x!tpu.dma_semaphore, #tpu.memory_space<semaphore_mem>> -> memref<1x!tpu.dma_semaphore, #tpu.memory_space<semaphore_mem>>
    %dma_wait3A_150 = tpu.memref_squeeze %dma_wait3A_149 : memref<1x!tpu.dma_semaphore, #tpu.memory_space<semaphore_mem>> -> memref<!tpu.dma_semaphore, #tpu.memory_space<semaphore_mem>>
    tpu.wait_indirect_dma semaphore(%dma_wait3A_150 : memref<!tpu.dma_semaphore, #tpu.memory_space<semaphore_mem>>) src(%dma_wait3A_148 : memref<10240x32xf32, #tpu.memory_space<hbm>>) dst(%arg10 : memref<128x32xf32, #tpu.memory_space<vmem>>)
    %run_scoped3A_151 = arith.constant 66 : i32
    "tpu.region"() ({
      %run_scoped3A_338 = tpu.sem_alloc : memref<!tpu.dma_semaphore, #tpu.memory_space<semaphore_mem>>
      %dma_start3A_339 = arith.constant 0 : i32
      %dma_start3A_340 = tpu.memref_slice %arg7[%run_scoped3A_151, %dma_start3A_339] : memref<79x128xi32, #tpu.memory_space<vmem>> -> memref<1x128xi32, #tpu.memory_space<vmem>>
      %dma_start3A_341 = tpu.memref_squeeze %dma_start3A_340 : memref<1x128xi32, #tpu.memory_space<vmem>> -> memref<128xi32, #tpu.memory_space<vmem>>
      %dma_start3A_342 = arith.constant 0 : i32
      %dma_start3A_343 = arith.constant 0 : i32
      %dma_start3A_344 = tpu.memref_slice %arg16[%dma_start3A_342, %dma_start3A_343] : memref<10240x32xf32, #tpu.memory_space<vmem_shared>> -> memref<10240x32xf32, #tpu.memory_space<vmem_shared>>
      tpu.enqueue_indirect_dma source(%arg10 : memref<128x32xf32, #tpu.memory_space<vmem>>) target(%dma_start3A_344 : memref<10240x32xf32, #tpu.memory_space<vmem_shared>>) offsets(%dma_start3A_341 : memref<128xi32, #tpu.memory_space<vmem>>) semaphore(%run_scoped3A_338 : memref<!tpu.dma_semaphore, #tpu.memory_space<semaphore_mem>>) {add = true}
      %dma_wait3A_345 = arith.constant 0 : i32
      %dma_wait3A_346 = tpu.memref_slice %arg7[%run_scoped3A_151, %dma_wait3A_345] : memref<79x128xi32, #tpu.memory_space<vmem>> -> memref<1x128xi32, #tpu.memory_space<vmem>>
      %dma_wait3A_347 = tpu.memref_squeeze %dma_wait3A_346 : memref<1x128xi32, #tpu.memory_space<vmem>> -> memref<128xi32, #tpu.memory_space<vmem>>
      %dma_wait3A_348 = arith.constant 0 : i32
      %dma_wait3A_349 = arith.constant 0 : i32
      %dma_wait3A_350 = tpu.memref_slice %arg16[%dma_wait3A_348, %dma_wait3A_349] : memref<10240x32xf32, #tpu.memory_space<vmem_shared>> -> memref<10240x32xf32, #tpu.memory_space<vmem_shared>>
      tpu.wait_indirect_dma semaphore(%run_scoped3A_338 : memref<!tpu.dma_semaphore, #tpu.memory_space<semaphore_mem>>) src(%arg10 : memref<128x32xf32, #tpu.memory_space<vmem>>) dst(%dma_wait3A_350 : memref<10240x32xf32, #tpu.memory_space<vmem_shared>>)
      tpu.yield
    }) : () -> ()
    %gt3A_152 = arith.constant 74 : i32
    %gt3A_153 = arith.cmpi sgt, %select_n3A, %gt3A_152 : i32
    %convert_element_type3A_154 = arith.extui %gt3A_153 : i1 to i32
    %cond3A_155 = arith.constant 0 : i32
    %cond3A_156 = arith.cmpi ne, %convert_element_type3A_154, %cond3A_155 : i32
    scf.if %cond3A_156 {
      %dma_start3A_338 = arith.constant 74 : i32
      %dma_start3A_339 = arith.constant 2 : i32
      %dma_start3A_340 = arith.constant 0 : i32
      %dma_start3A_341 = tpu.memref_slice %arg6[%dma_start3A_338, %dma_start3A_340] : memref<79x128xi32, #tpu.memory_space<vmem>> -> memref<1x128xi32, #tpu.memory_space<vmem>>
      %dma_start3A_342 = tpu.memref_squeeze %dma_start3A_341 : memref<1x128xi32, #tpu.memory_space<vmem>> -> memref<128xi32, #tpu.memory_space<vmem>>
      %dma_start3A_343 = arith.constant 0 : i32
      %dma_start3A_344 = arith.constant 0 : i32
      %dma_start3A_345 = tpu.memref_slice %arg2[%dma_start3A_343, %dma_start3A_344] : memref<10240x32xf32, #tpu.memory_space<hbm>> -> memref<10240x32xf32, #tpu.memory_space<hbm>>
      %dma_start3A_346 = tpu.memref_slice %arg17[%dma_start3A_339] : memref<8x!tpu.dma_semaphore, #tpu.memory_space<semaphore_mem>> -> memref<1x!tpu.dma_semaphore, #tpu.memory_space<semaphore_mem>>
      %dma_start3A_347 = tpu.memref_squeeze %dma_start3A_346 : memref<1x!tpu.dma_semaphore, #tpu.memory_space<semaphore_mem>> -> memref<!tpu.dma_semaphore, #tpu.memory_space<semaphore_mem>>
      tpu.enqueue_indirect_dma source(%dma_start3A_345 : memref<10240x32xf32, #tpu.memory_space<hbm>>) target(%arg10 : memref<128x32xf32, #tpu.memory_space<vmem>>) offsets(%dma_start3A_342 : memref<128xi32, #tpu.memory_space<vmem>>) semaphore(%dma_start3A_347 : memref<!tpu.dma_semaphore, #tpu.memory_space<semaphore_mem>>)
    } else {
    }
    %dma_wait3A_157 = arith.constant 0 : i32
    %dma_wait3A_158 = arith.constant 3 : i32
    %dma_wait3A_159 = arith.constant 0 : i32
    %dma_wait3A_160 = tpu.memref_slice %arg6[%dma_wait3A_157, %dma_wait3A_159] : memref<79x128xi32, #tpu.memory_space<vmem>> -> memref<1x128xi32, #tpu.memory_space<vmem>>
    %dma_wait3A_161 = tpu.memref_squeeze %dma_wait3A_160 : memref<1x128xi32, #tpu.memory_space<vmem>> -> memref<128xi32, #tpu.memory_space<vmem>>
    %dma_wait3A_162 = arith.constant 0 : i32
    %dma_wait3A_163 = arith.constant 0 : i32
    %dma_wait3A_164 = tpu.memref_slice %arg2[%dma_wait3A_162, %dma_wait3A_163] : memref<10240x32xf32, #tpu.memory_space<hbm>> -> memref<10240x32xf32, #tpu.memory_space<hbm>>
    %dma_wait3A_165 = tpu.memref_slice %arg17[%dma_wait3A_158] : memref<8x!tpu.dma_semaphore, #tpu.memory_space<semaphore_mem>> -> memref<1x!tpu.dma_semaphore, #tpu.memory_space<semaphore_mem>>
    %dma_wait3A_166 = tpu.memref_squeeze %dma_wait3A_165 : memref<1x!tpu.dma_semaphore, #tpu.memory_space<semaphore_mem>> -> memref<!tpu.dma_semaphore, #tpu.memory_space<semaphore_mem>>
    tpu.wait_indirect_dma semaphore(%dma_wait3A_166 : memref<!tpu.dma_semaphore, #tpu.memory_space<semaphore_mem>>) src(%dma_wait3A_164 : memref<10240x32xf32, #tpu.memory_space<hbm>>) dst(%arg11 : memref<128x32xf32, #tpu.memory_space<vmem>>)
    %run_scoped3A_167 = arith.constant 67 : i32
    "tpu.region"() ({
      %run_scoped3A_338 = tpu.sem_alloc : memref<!tpu.dma_semaphore, #tpu.memory_space<semaphore_mem>>
      %dma_start3A_339 = arith.constant 0 : i32
      %dma_start3A_340 = tpu.memref_slice %arg7[%run_scoped3A_167, %dma_start3A_339] : memref<79x128xi32, #tpu.memory_space<vmem>> -> memref<1x128xi32, #tpu.memory_space<vmem>>
      %dma_start3A_341 = tpu.memref_squeeze %dma_start3A_340 : memref<1x128xi32, #tpu.memory_space<vmem>> -> memref<128xi32, #tpu.memory_space<vmem>>
      %dma_start3A_342 = arith.constant 0 : i32
      %dma_start3A_343 = arith.constant 0 : i32
      %dma_start3A_344 = tpu.memref_slice %arg16[%dma_start3A_342, %dma_start3A_343] : memref<10240x32xf32, #tpu.memory_space<vmem_shared>> -> memref<10240x32xf32, #tpu.memory_space<vmem_shared>>
      tpu.enqueue_indirect_dma source(%arg11 : memref<128x32xf32, #tpu.memory_space<vmem>>) target(%dma_start3A_344 : memref<10240x32xf32, #tpu.memory_space<vmem_shared>>) offsets(%dma_start3A_341 : memref<128xi32, #tpu.memory_space<vmem>>) semaphore(%run_scoped3A_338 : memref<!tpu.dma_semaphore, #tpu.memory_space<semaphore_mem>>) {add = true}
      %dma_wait3A_345 = arith.constant 0 : i32
      %dma_wait3A_346 = tpu.memref_slice %arg7[%run_scoped3A_167, %dma_wait3A_345] : memref<79x128xi32, #tpu.memory_space<vmem>> -> memref<1x128xi32, #tpu.memory_space<vmem>>
      %dma_wait3A_347 = tpu.memref_squeeze %dma_wait3A_346 : memref<1x128xi32, #tpu.memory_space<vmem>> -> memref<128xi32, #tpu.memory_space<vmem>>
      %dma_wait3A_348 = arith.constant 0 : i32
      %dma_wait3A_349 = arith.constant 0 : i32
      %dma_wait3A_350 = tpu.memref_slice %arg16[%dma_wait3A_348, %dma_wait3A_349] : memref<10240x32xf32, #tpu.memory_space<vmem_shared>> -> memref<10240x32xf32, #tpu.memory_space<vmem_shared>>
      tpu.wait_indirect_dma semaphore(%run_scoped3A_338 : memref<!tpu.dma_semaphore, #tpu.memory_space<semaphore_mem>>) src(%arg11 : memref<128x32xf32, #tpu.memory_space<vmem>>) dst(%dma_wait3A_350 : memref<10240x32xf32, #tpu.memory_space<vmem_shared>>)
      tpu.yield
    }) : () -> ()
    %gt3A_168 = arith.constant 75 : i32
    %gt3A_169 = arith.cmpi sgt, %select_n3A, %gt3A_168 : i32
    %convert_element_type3A_170 = arith.extui %gt3A_169 : i1 to i32
    %cond3A_171 = arith.constant 0 : i32
    %cond3A_172 = arith.cmpi ne, %convert_element_type3A_170, %cond3A_171 : i32
    scf.if %cond3A_172 {
      %dma_start3A_338 = arith.constant 75 : i32
      %dma_start3A_339 = arith.constant 3 : i32
      %dma_start3A_340 = arith.constant 0 : i32
      %dma_start3A_341 = tpu.memref_slice %arg6[%dma_start3A_338, %dma_start3A_340] : memref<79x128xi32, #tpu.memory_space<vmem>> -> memref<1x128xi32, #tpu.memory_space<vmem>>
      %dma_start3A_342 = tpu.memref_squeeze %dma_start3A_341 : memref<1x128xi32, #tpu.memory_space<vmem>> -> memref<128xi32, #tpu.memory_space<vmem>>
      %dma_start3A_343 = arith.constant 0 : i32
      %dma_start3A_344 = arith.constant 0 : i32
      %dma_start3A_345 = tpu.memref_slice %arg2[%dma_start3A_343, %dma_start3A_344] : memref<10240x32xf32, #tpu.memory_space<hbm>> -> memref<10240x32xf32, #tpu.memory_space<hbm>>
      %dma_start3A_346 = tpu.memref_slice %arg17[%dma_start3A_339] : memref<8x!tpu.dma_semaphore, #tpu.memory_space<semaphore_mem>> -> memref<1x!tpu.dma_semaphore, #tpu.memory_space<semaphore_mem>>
      %dma_start3A_347 = tpu.memref_squeeze %dma_start3A_346 : memref<1x!tpu.dma_semaphore, #tpu.memory_space<semaphore_mem>> -> memref<!tpu.dma_semaphore, #tpu.memory_space<semaphore_mem>>
      tpu.enqueue_indirect_dma source(%dma_start3A_345 : memref<10240x32xf32, #tpu.memory_space<hbm>>) target(%arg11 : memref<128x32xf32, #tpu.memory_space<vmem>>) offsets(%dma_start3A_342 : memref<128xi32, #tpu.memory_space<vmem>>) semaphore(%dma_start3A_347 : memref<!tpu.dma_semaphore, #tpu.memory_space<semaphore_mem>>)
    } else {
    }
    %dma_wait3A_173 = arith.constant 0 : i32
    %dma_wait3A_174 = arith.constant 4 : i32
    %dma_wait3A_175 = arith.constant 0 : i32
    %dma_wait3A_176 = tpu.memref_slice %arg6[%dma_wait3A_173, %dma_wait3A_175] : memref<79x128xi32, #tpu.memory_space<vmem>> -> memref<1x128xi32, #tpu.memory_space<vmem>>
    %dma_wait3A_177 = tpu.memref_squeeze %dma_wait3A_176 : memref<1x128xi32, #tpu.memory_space<vmem>> -> memref<128xi32, #tpu.memory_space<vmem>>
    %dma_wait3A_178 = arith.constant 0 : i32
    %dma_wait3A_179 = arith.constant 0 : i32
    %dma_wait3A_180 = tpu.memref_slice %arg2[%dma_wait3A_178, %dma_wait3A_179] : memref<10240x32xf32, #tpu.memory_space<hbm>> -> memref<10240x32xf32, #tpu.memory_space<hbm>>
    %dma_wait3A_181 = tpu.memref_slice %arg17[%dma_wait3A_174] : memref<8x!tpu.dma_semaphore, #tpu.memory_space<semaphore_mem>> -> memref<1x!tpu.dma_semaphore, #tpu.memory_space<semaphore_mem>>
    %dma_wait3A_182 = tpu.memref_squeeze %dma_wait3A_181 : memref<1x!tpu.dma_semaphore, #tpu.memory_space<semaphore_mem>> -> memref<!tpu.dma_semaphore, #tpu.memory_space<semaphore_mem>>
    tpu.wait_indirect_dma semaphore(%dma_wait3A_182 : memref<!tpu.dma_semaphore, #tpu.memory_space<semaphore_mem>>) src(%dma_wait3A_180 : memref<10240x32xf32, #tpu.memory_space<hbm>>) dst(%arg12 : memref<128x32xf32, #tpu.memory_space<vmem>>)
    %run_scoped3A_183 = arith.constant 68 : i32
    "tpu.region"() ({
      %run_scoped3A_338 = tpu.sem_alloc : memref<!tpu.dma_semaphore, #tpu.memory_space<semaphore_mem>>
      %dma_start3A_339 = arith.constant 0 : i32
      %dma_start3A_340 = tpu.memref_slice %arg7[%run_scoped3A_183, %dma_start3A_339] : memref<79x128xi32, #tpu.memory_space<vmem>> -> memref<1x128xi32, #tpu.memory_space<vmem>>
      %dma_start3A_341 = tpu.memref_squeeze %dma_start3A_340 : memref<1x128xi32, #tpu.memory_space<vmem>> -> memref<128xi32, #tpu.memory_space<vmem>>
      %dma_start3A_342 = arith.constant 0 : i32
      %dma_start3A_343 = arith.constant 0 : i32
      %dma_start3A_344 = tpu.memref_slice %arg16[%dma_start3A_342, %dma_start3A_343] : memref<10240x32xf32, #tpu.memory_space<vmem_shared>> -> memref<10240x32xf32, #tpu.memory_space<vmem_shared>>
      tpu.enqueue_indirect_dma source(%arg12 : memref<128x32xf32, #tpu.memory_space<vmem>>) target(%dma_start3A_344 : memref<10240x32xf32, #tpu.memory_space<vmem_shared>>) offsets(%dma_start3A_341 : memref<128xi32, #tpu.memory_space<vmem>>) semaphore(%run_scoped3A_338 : memref<!tpu.dma_semaphore, #tpu.memory_space<semaphore_mem>>) {add = true}
      %dma_wait3A_345 = arith.constant 0 : i32
      %dma_wait3A_346 = tpu.memref_slice %arg7[%run_scoped3A_183, %dma_wait3A_345] : memref<79x128xi32, #tpu.memory_space<vmem>> -> memref<1x128xi32, #tpu.memory_space<vmem>>
      %dma_wait3A_347 = tpu.memref_squeeze %dma_wait3A_346 : memref<1x128xi32, #tpu.memory_space<vmem>> -> memref<128xi32, #tpu.memory_space<vmem>>
      %dma_wait3A_348 = arith.constant 0 : i32
      %dma_wait3A_349 = arith.constant 0 : i32
      %dma_wait3A_350 = tpu.memref_slice %arg16[%dma_wait3A_348, %dma_wait3A_349] : memref<10240x32xf32, #tpu.memory_space<vmem_shared>> -> memref<10240x32xf32, #tpu.memory_space<vmem_shared>>
      tpu.wait_indirect_dma semaphore(%run_scoped3A_338 : memref<!tpu.dma_semaphore, #tpu.memory_space<semaphore_mem>>) src(%arg12 : memref<128x32xf32, #tpu.memory_space<vmem>>) dst(%dma_wait3A_350 : memref<10240x32xf32, #tpu.memory_space<vmem_shared>>)
      tpu.yield
    }) : () -> ()
    %gt3A_184 = arith.constant 76 : i32
    %gt3A_185 = arith.cmpi sgt, %select_n3A, %gt3A_184 : i32
    %convert_element_type3A_186 = arith.extui %gt3A_185 : i1 to i32
    %cond3A_187 = arith.constant 0 : i32
    %cond3A_188 = arith.cmpi ne, %convert_element_type3A_186, %cond3A_187 : i32
    scf.if %cond3A_188 {
      %dma_start3A_338 = arith.constant 76 : i32
      %dma_start3A_339 = arith.constant 4 : i32
      %dma_start3A_340 = arith.constant 0 : i32
      %dma_start3A_341 = tpu.memref_slice %arg6[%dma_start3A_338, %dma_start3A_340] : memref<79x128xi32, #tpu.memory_space<vmem>> -> memref<1x128xi32, #tpu.memory_space<vmem>>
      %dma_start3A_342 = tpu.memref_squeeze %dma_start3A_341 : memref<1x128xi32, #tpu.memory_space<vmem>> -> memref<128xi32, #tpu.memory_space<vmem>>
      %dma_start3A_343 = arith.constant 0 : i32
      %dma_start3A_344 = arith.constant 0 : i32
      %dma_start3A_345 = tpu.memref_slice %arg2[%dma_start3A_343, %dma_start3A_344] : memref<10240x32xf32, #tpu.memory_space<hbm>> -> memref<10240x32xf32, #tpu.memory_space<hbm>>
      %dma_start3A_346 = tpu.memref_slice %arg17[%dma_start3A_339] : memref<8x!tpu.dma_semaphore, #tpu.memory_space<semaphore_mem>> -> memref<1x!tpu.dma_semaphore, #tpu.memory_space<semaphore_mem>>
      %dma_start3A_347 = tpu.memref_squeeze %dma_start3A_346 : memref<1x!tpu.dma_semaphore, #tpu.memory_space<semaphore_mem>> -> memref<!tpu.dma_semaphore, #tpu.memory_space<semaphore_mem>>
      tpu.enqueue_indirect_dma source(%dma_start3A_345 : memref<10240x32xf32, #tpu.memory_space<hbm>>) target(%arg12 : memref<128x32xf32, #tpu.memory_space<vmem>>) offsets(%dma_start3A_342 : memref<128xi32, #tpu.memory_space<vmem>>) semaphore(%dma_start3A_347 : memref<!tpu.dma_semaphore, #tpu.memory_space<semaphore_mem>>)
    } else {
    }
    %dma_wait3A_189 = arith.constant 0 : i32
    %dma_wait3A_190 = arith.constant 5 : i32
    %dma_wait3A_191 = arith.constant 0 : i32
    %dma_wait3A_192 = tpu.memref_slice %arg6[%dma_wait3A_189, %dma_wait3A_191] : memref<79x128xi32, #tpu.memory_space<vmem>> -> memref<1x128xi32, #tpu.memory_space<vmem>>
    %dma_wait3A_193 = tpu.memref_squeeze %dma_wait3A_192 : memref<1x128xi32, #tpu.memory_space<vmem>> -> memref<128xi32, #tpu.memory_space<vmem>>
    %dma_wait3A_194 = arith.constant 0 : i32
    %dma_wait3A_195 = arith.constant 0 : i32
    %dma_wait3A_196 = tpu.memref_slice %arg2[%dma_wait3A_194, %dma_wait3A_195] : memref<10240x32xf32, #tpu.memory_space<hbm>> -> memref<10240x32xf32, #tpu.memory_space<hbm>>
    %dma_wait3A_197 = tpu.memref_slice %arg17[%dma_wait3A_190] : memref<8x!tpu.dma_semaphore, #tpu.memory_space<semaphore_mem>> -> memref<1x!tpu.dma_semaphore, #tpu.memory_space<semaphore_mem>>
    %dma_wait3A_198 = tpu.memref_squeeze %dma_wait3A_197 : memref<1x!tpu.dma_semaphore, #tpu.memory_space<semaphore_mem>> -> memref<!tpu.dma_semaphore, #tpu.memory_space<semaphore_mem>>
    tpu.wait_indirect_dma semaphore(%dma_wait3A_198 : memref<!tpu.dma_semaphore, #tpu.memory_space<semaphore_mem>>) src(%dma_wait3A_196 : memref<10240x32xf32, #tpu.memory_space<hbm>>) dst(%arg13 : memref<128x32xf32, #tpu.memory_space<vmem>>)
    %run_scoped3A_199 = arith.constant 69 : i32
    "tpu.region"() ({
      %run_scoped3A_338 = tpu.sem_alloc : memref<!tpu.dma_semaphore, #tpu.memory_space<semaphore_mem>>
      %dma_start3A_339 = arith.constant 0 : i32
      %dma_start3A_340 = tpu.memref_slice %arg7[%run_scoped3A_199, %dma_start3A_339] : memref<79x128xi32, #tpu.memory_space<vmem>> -> memref<1x128xi32, #tpu.memory_space<vmem>>
      %dma_start3A_341 = tpu.memref_squeeze %dma_start3A_340 : memref<1x128xi32, #tpu.memory_space<vmem>> -> memref<128xi32, #tpu.memory_space<vmem>>
      %dma_start3A_342 = arith.constant 0 : i32
      %dma_start3A_343 = arith.constant 0 : i32
      %dma_start3A_344 = tpu.memref_slice %arg16[%dma_start3A_342, %dma_start3A_343] : memref<10240x32xf32, #tpu.memory_space<vmem_shared>> -> memref<10240x32xf32, #tpu.memory_space<vmem_shared>>
      tpu.enqueue_indirect_dma source(%arg13 : memref<128x32xf32, #tpu.memory_space<vmem>>) target(%dma_start3A_344 : memref<10240x32xf32, #tpu.memory_space<vmem_shared>>) offsets(%dma_start3A_341 : memref<128xi32, #tpu.memory_space<vmem>>) semaphore(%run_scoped3A_338 : memref<!tpu.dma_semaphore, #tpu.memory_space<semaphore_mem>>) {add = true}
      %dma_wait3A_345 = arith.constant 0 : i32
      %dma_wait3A_346 = tpu.memref_slice %arg7[%run_scoped3A_199, %dma_wait3A_345] : memref<79x128xi32, #tpu.memory_space<vmem>> -> memref<1x128xi32, #tpu.memory_space<vmem>>
      %dma_wait3A_347 = tpu.memref_squeeze %dma_wait3A_346 : memref<1x128xi32, #tpu.memory_space<vmem>> -> memref<128xi32, #tpu.memory_space<vmem>>
      %dma_wait3A_348 = arith.constant 0 : i32
      %dma_wait3A_349 = arith.constant 0 : i32
      %dma_wait3A_350 = tpu.memref_slice %arg16[%dma_wait3A_348, %dma_wait3A_349] : memref<10240x32xf32, #tpu.memory_space<vmem_shared>> -> memref<10240x32xf32, #tpu.memory_space<vmem_shared>>
      tpu.wait_indirect_dma semaphore(%run_scoped3A_338 : memref<!tpu.dma_semaphore, #tpu.memory_space<semaphore_mem>>) src(%arg13 : memref<128x32xf32, #tpu.memory_space<vmem>>) dst(%dma_wait3A_350 : memref<10240x32xf32, #tpu.memory_space<vmem_shared>>)
      tpu.yield
    }) : () -> ()
    %gt3A_200 = arith.constant 77 : i32
    %gt3A_201 = arith.cmpi sgt, %select_n3A, %gt3A_200 : i32
    %convert_element_type3A_202 = arith.extui %gt3A_201 : i1 to i32
    %cond3A_203 = arith.constant 0 : i32
    %cond3A_204 = arith.cmpi ne, %convert_element_type3A_202, %cond3A_203 : i32
    scf.if %cond3A_204 {
      %dma_start3A_338 = arith.constant 77 : i32
      %dma_start3A_339 = arith.constant 5 : i32
      %dma_start3A_340 = arith.constant 0 : i32
      %dma_start3A_341 = tpu.memref_slice %arg6[%dma_start3A_338, %dma_start3A_340] : memref<79x128xi32, #tpu.memory_space<vmem>> -> memref<1x128xi32, #tpu.memory_space<vmem>>
      %dma_start3A_342 = tpu.memref_squeeze %dma_start3A_341 : memref<1x128xi32, #tpu.memory_space<vmem>> -> memref<128xi32, #tpu.memory_space<vmem>>
      %dma_start3A_343 = arith.constant 0 : i32
      %dma_start3A_344 = arith.constant 0 : i32
      %dma_start3A_345 = tpu.memref_slice %arg2[%dma_start3A_343, %dma_start3A_344] : memref<10240x32xf32, #tpu.memory_space<hbm>> -> memref<10240x32xf32, #tpu.memory_space<hbm>>
      %dma_start3A_346 = tpu.memref_slice %arg17[%dma_start3A_339] : memref<8x!tpu.dma_semaphore, #tpu.memory_space<semaphore_mem>> -> memref<1x!tpu.dma_semaphore, #tpu.memory_space<semaphore_mem>>
      %dma_start3A_347 = tpu.memref_squeeze %dma_start3A_346 : memref<1x!tpu.dma_semaphore, #tpu.memory_space<semaphore_mem>> -> memref<!tpu.dma_semaphore, #tpu.memory_space<semaphore_mem>>
      tpu.enqueue_indirect_dma source(%dma_start3A_345 : memref<10240x32xf32, #tpu.memory_space<hbm>>) target(%arg13 : memref<128x32xf32, #tpu.memory_space<vmem>>) offsets(%dma_start3A_342 : memref<128xi32, #tpu.memory_space<vmem>>) semaphore(%dma_start3A_347 : memref<!tpu.dma_semaphore, #tpu.memory_space<semaphore_mem>>)
    } else {
    }
    %dma_wait3A_205 = arith.constant 0 : i32
    %dma_wait3A_206 = arith.constant 6 : i32
    %dma_wait3A_207 = arith.constant 0 : i32
    %dma_wait3A_208 = tpu.memref_slice %arg6[%dma_wait3A_205, %dma_wait3A_207] : memref<79x128xi32, #tpu.memory_space<vmem>> -> memref<1x128xi32, #tpu.memory_space<vmem>>
    %dma_wait3A_209 = tpu.memref_squeeze %dma_wait3A_208 : memref<1x128xi32, #tpu.memory_space<vmem>> -> memref<128xi32, #tpu.memory_space<vmem>>
    %dma_wait3A_210 = arith.constant 0 : i32
    %dma_wait3A_211 = arith.constant 0 : i32
    %dma_wait3A_212 = tpu.memref_slice %arg2[%dma_wait3A_210, %dma_wait3A_211] : memref<10240x32xf32, #tpu.memory_space<hbm>> -> memref<10240x32xf32, #tpu.memory_space<hbm>>
    %dma_wait3A_213 = tpu.memref_slice %arg17[%dma_wait3A_206] : memref<8x!tpu.dma_semaphore, #tpu.memory_space<semaphore_mem>> -> memref<1x!tpu.dma_semaphore, #tpu.memory_space<semaphore_mem>>
    %dma_wait3A_214 = tpu.memref_squeeze %dma_wait3A_213 : memref<1x!tpu.dma_semaphore, #tpu.memory_space<semaphore_mem>> -> memref<!tpu.dma_semaphore, #tpu.memory_space<semaphore_mem>>
    tpu.wait_indirect_dma semaphore(%dma_wait3A_214 : memref<!tpu.dma_semaphore, #tpu.memory_space<semaphore_mem>>) src(%dma_wait3A_212 : memref<10240x32xf32, #tpu.memory_space<hbm>>) dst(%arg14 : memref<128x32xf32, #tpu.memory_space<vmem>>)
    %run_scoped3A_215 = arith.constant 70 : i32
    "tpu.region"() ({
      %run_scoped3A_338 = tpu.sem_alloc : memref<!tpu.dma_semaphore, #tpu.memory_space<semaphore_mem>>
      %dma_start3A_339 = arith.constant 0 : i32
      %dma_start3A_340 = tpu.memref_slice %arg7[%run_scoped3A_215, %dma_start3A_339] : memref<79x128xi32, #tpu.memory_space<vmem>> -> memref<1x128xi32, #tpu.memory_space<vmem>>
      %dma_start3A_341 = tpu.memref_squeeze %dma_start3A_340 : memref<1x128xi32, #tpu.memory_space<vmem>> -> memref<128xi32, #tpu.memory_space<vmem>>
      %dma_start3A_342 = arith.constant 0 : i32
      %dma_start3A_343 = arith.constant 0 : i32
      %dma_start3A_344 = tpu.memref_slice %arg16[%dma_start3A_342, %dma_start3A_343] : memref<10240x32xf32, #tpu.memory_space<vmem_shared>> -> memref<10240x32xf32, #tpu.memory_space<vmem_shared>>
      tpu.enqueue_indirect_dma source(%arg14 : memref<128x32xf32, #tpu.memory_space<vmem>>) target(%dma_start3A_344 : memref<10240x32xf32, #tpu.memory_space<vmem_shared>>) offsets(%dma_start3A_341 : memref<128xi32, #tpu.memory_space<vmem>>) semaphore(%run_scoped3A_338 : memref<!tpu.dma_semaphore, #tpu.memory_space<semaphore_mem>>) {add = true}
      %dma_wait3A_345 = arith.constant 0 : i32
      %dma_wait3A_346 = tpu.memref_slice %arg7[%run_scoped3A_215, %dma_wait3A_345] : memref<79x128xi32, #tpu.memory_space<vmem>> -> memref<1x128xi32, #tpu.memory_space<vmem>>
      %dma_wait3A_347 = tpu.memref_squeeze %dma_wait3A_346 : memref<1x128xi32, #tpu.memory_space<vmem>> -> memref<128xi32, #tpu.memory_space<vmem>>
      %dma_wait3A_348 = arith.constant 0 : i32
      %dma_wait3A_349 = arith.constant 0 : i32
      %dma_wait3A_350 = tpu.memref_slice %arg16[%dma_wait3A_348, %dma_wait3A_349] : memref<10240x32xf32, #tpu.memory_space<vmem_shared>> -> memref<10240x32xf32, #tpu.memory_space<vmem_shared>>
      tpu.wait_indirect_dma semaphore(%run_scoped3A_338 : memref<!tpu.dma_semaphore, #tpu.memory_space<semaphore_mem>>) src(%arg14 : memref<128x32xf32, #tpu.memory_space<vmem>>) dst(%dma_wait3A_350 : memref<10240x32xf32, #tpu.memory_space<vmem_shared>>)
      tpu.yield
    }) : () -> ()
    %gt3A_216 = arith.constant 78 : i32
    %gt3A_217 = arith.cmpi sgt, %select_n3A, %gt3A_216 : i32
    %convert_element_type3A_218 = arith.extui %gt3A_217 : i1 to i32
    %cond3A_219 = arith.constant 0 : i32
    %cond3A_220 = arith.cmpi ne, %convert_element_type3A_218, %cond3A_219 : i32
    scf.if %cond3A_220 {
      %dma_start3A_338 = arith.constant 78 : i32
      %dma_start3A_339 = arith.constant 6 : i32
      %dma_start3A_340 = arith.constant 0 : i32
      %dma_start3A_341 = tpu.memref_slice %arg6[%dma_start3A_338, %dma_start3A_340] : memref<79x128xi32, #tpu.memory_space<vmem>> -> memref<1x128xi32, #tpu.memory_space<vmem>>
      %dma_start3A_342 = tpu.memref_squeeze %dma_start3A_341 : memref<1x128xi32, #tpu.memory_space<vmem>> -> memref<128xi32, #tpu.memory_space<vmem>>
      %dma_start3A_343 = arith.constant 0 : i32
      %dma_start3A_344 = arith.constant 0 : i32
      %dma_start3A_345 = tpu.memref_slice %arg2[%dma_start3A_343, %dma_start3A_344] : memref<10240x32xf32, #tpu.memory_space<hbm>> -> memref<10240x32xf32, #tpu.memory_space<hbm>>
      %dma_start3A_346 = tpu.memref_slice %arg17[%dma_start3A_339] : memref<8x!tpu.dma_semaphore, #tpu.memory_space<semaphore_mem>> -> memref<1x!tpu.dma_semaphore, #tpu.memory_space<semaphore_mem>>
      %dma_start3A_347 = tpu.memref_squeeze %dma_start3A_346 : memref<1x!tpu.dma_semaphore, #tpu.memory_space<semaphore_mem>> -> memref<!tpu.dma_semaphore, #tpu.memory_space<semaphore_mem>>
      tpu.enqueue_indirect_dma source(%dma_start3A_345 : memref<10240x32xf32, #tpu.memory_space<hbm>>) target(%arg14 : memref<128x32xf32, #tpu.memory_space<vmem>>) offsets(%dma_start3A_342 : memref<128xi32, #tpu.memory_space<vmem>>) semaphore(%dma_start3A_347 : memref<!tpu.dma_semaphore, #tpu.memory_space<semaphore_mem>>)
    } else {
    }
    %dma_wait3A_221 = arith.constant 0 : i32
    %dma_wait3A_222 = arith.constant 7 : i32
    %dma_wait3A_223 = arith.constant 0 : i32
    %dma_wait3A_224 = tpu.memref_slice %arg6[%dma_wait3A_221, %dma_wait3A_223] : memref<79x128xi32, #tpu.memory_space<vmem>> -> memref<1x128xi32, #tpu.memory_space<vmem>>
    %dma_wait3A_225 = tpu.memref_squeeze %dma_wait3A_224 : memref<1x128xi32, #tpu.memory_space<vmem>> -> memref<128xi32, #tpu.memory_space<vmem>>
    %dma_wait3A_226 = arith.constant 0 : i32
    %dma_wait3A_227 = arith.constant 0 : i32
    %dma_wait3A_228 = tpu.memref_slice %arg2[%dma_wait3A_226, %dma_wait3A_227] : memref<10240x32xf32, #tpu.memory_space<hbm>> -> memref<10240x32xf32, #tpu.memory_space<hbm>>
    %dma_wait3A_229 = tpu.memref_slice %arg17[%dma_wait3A_222] : memref<8x!tpu.dma_semaphore, #tpu.memory_space<semaphore_mem>> -> memref<1x!tpu.dma_semaphore, #tpu.memory_space<semaphore_mem>>
    %dma_wait3A_230 = tpu.memref_squeeze %dma_wait3A_229 : memref<1x!tpu.dma_semaphore, #tpu.memory_space<semaphore_mem>> -> memref<!tpu.dma_semaphore, #tpu.memory_space<semaphore_mem>>
    tpu.wait_indirect_dma semaphore(%dma_wait3A_230 : memref<!tpu.dma_semaphore, #tpu.memory_space<semaphore_mem>>) src(%dma_wait3A_228 : memref<10240x32xf32, #tpu.memory_space<hbm>>) dst(%arg15 : memref<128x32xf32, #tpu.memory_space<vmem>>)
    %run_scoped3A_231 = arith.constant 71 : i32
    "tpu.region"() ({
      %run_scoped3A_338 = tpu.sem_alloc : memref<!tpu.dma_semaphore, #tpu.memory_space<semaphore_mem>>
      %dma_start3A_339 = arith.constant 0 : i32
      %dma_start3A_340 = tpu.memref_slice %arg7[%run_scoped3A_231, %dma_start3A_339] : memref<79x128xi32, #tpu.memory_space<vmem>> -> memref<1x128xi32, #tpu.memory_space<vmem>>
      %dma_start3A_341 = tpu.memref_squeeze %dma_start3A_340 : memref<1x128xi32, #tpu.memory_space<vmem>> -> memref<128xi32, #tpu.memory_space<vmem>>
      %dma_start3A_342 = arith.constant 0 : i32
      %dma_start3A_343 = arith.constant 0 : i32
      %dma_start3A_344 = tpu.memref_slice %arg16[%dma_start3A_342, %dma_start3A_343] : memref<10240x32xf32, #tpu.memory_space<vmem_shared>> -> memref<10240x32xf32, #tpu.memory_space<vmem_shared>>
      tpu.enqueue_indirect_dma source(%arg15 : memref<128x32xf32, #tpu.memory_space<vmem>>) target(%dma_start3A_344 : memref<10240x32xf32, #tpu.memory_space<vmem_shared>>) offsets(%dma_start3A_341 : memref<128xi32, #tpu.memory_space<vmem>>) semaphore(%run_scoped3A_338 : memref<!tpu.dma_semaphore, #tpu.memory_space<semaphore_mem>>) {add = true}
      %dma_wait3A_345 = arith.constant 0 : i32
      %dma_wait3A_346 = tpu.memref_slice %arg7[%run_scoped3A_231, %dma_wait3A_345] : memref<79x128xi32, #tpu.memory_space<vmem>> -> memref<1x128xi32, #tpu.memory_space<vmem>>
      %dma_wait3A_347 = tpu.memref_squeeze %dma_wait3A_346 : memref<1x128xi32, #tpu.memory_space<vmem>> -> memref<128xi32, #tpu.memory_space<vmem>>
      %dma_wait3A_348 = arith.constant 0 : i32
      %dma_wait3A_349 = arith.constant 0 : i32
      %dma_wait3A_350 = tpu.memref_slice %arg16[%dma_wait3A_348, %dma_wait3A_349] : memref<10240x32xf32, #tpu.memory_space<vmem_shared>> -> memref<10240x32xf32, #tpu.memory_space<vmem_shared>>
      tpu.wait_indirect_dma semaphore(%run_scoped3A_338 : memref<!tpu.dma_semaphore, #tpu.memory_space<semaphore_mem>>) src(%arg15 : memref<128x32xf32, #tpu.memory_space<vmem>>) dst(%dma_wait3A_350 : memref<10240x32xf32, #tpu.memory_space<vmem_shared>>)
      tpu.yield
    }) : () -> ()
    %gt3A_232 = arith.constant 79 : i32
    %gt3A_233 = arith.cmpi sgt, %select_n3A, %gt3A_232 : i32
    %convert_element_type3A_234 = arith.extui %gt3A_233 : i1 to i32
    %cond3A_235 = arith.constant 0 : i32
    %cond3A_236 = arith.cmpi ne, %convert_element_type3A_234, %cond3A_235 : i32
    scf.if %cond3A_236 {
      %dma_start3A_338 = arith.constant 79 : i32
      %dma_start3A_339 = arith.constant 7 : i32
      %dma_start3A_340 = arith.constant 0 : i32
      %dma_start3A_341 = tpu.memref_slice %arg6[%dma_start3A_338, %dma_start3A_340] : memref<79x128xi32, #tpu.memory_space<vmem>> -> memref<1x128xi32, #tpu.memory_space<vmem>>
      %dma_start3A_342 = tpu.memref_squeeze %dma_start3A_341 : memref<1x128xi32, #tpu.memory_space<vmem>> -> memref<128xi32, #tpu.memory_space<vmem>>
      %dma_start3A_343 = arith.constant 0 : i32
      %dma_start3A_344 = arith.constant 0 : i32
      %dma_start3A_345 = tpu.memref_slice %arg2[%dma_start3A_343, %dma_start3A_344] : memref<10240x32xf32, #tpu.memory_space<hbm>> -> memref<10240x32xf32, #tpu.memory_space<hbm>>
      %dma_start3A_346 = tpu.memref_slice %arg17[%dma_start3A_339] : memref<8x!tpu.dma_semaphore, #tpu.memory_space<semaphore_mem>> -> memref<1x!tpu.dma_semaphore, #tpu.memory_space<semaphore_mem>>
      %dma_start3A_347 = tpu.memref_squeeze %dma_start3A_346 : memref<1x!tpu.dma_semaphore, #tpu.memory_space<semaphore_mem>> -> memref<!tpu.dma_semaphore, #tpu.memory_space<semaphore_mem>>
      tpu.enqueue_indirect_dma source(%dma_start3A_345 : memref<10240x32xf32, #tpu.memory_space<hbm>>) target(%arg15 : memref<128x32xf32, #tpu.memory_space<vmem>>) offsets(%dma_start3A_342 : memref<128xi32, #tpu.memory_space<vmem>>) semaphore(%dma_start3A_347 : memref<!tpu.dma_semaphore, #tpu.memory_space<semaphore_mem>>)
    } else {
    }
    %dma_wait3A_237 = arith.constant 0 : i32
    %dma_wait3A_238 = arith.constant 0 : i32
    %dma_wait3A_239 = arith.constant 0 : i32
    %dma_wait3A_240 = tpu.memref_slice %arg6[%dma_wait3A_237, %dma_wait3A_239] : memref<79x128xi32, #tpu.memory_space<vmem>> -> memref<1x128xi32, #tpu.memory_space<vmem>>
    %dma_wait3A_241 = tpu.memref_squeeze %dma_wait3A_240 : memref<1x128xi32, #tpu.memory_space<vmem>> -> memref<128xi32, #tpu.memory_space<vmem>>
    %dma_wait3A_242 = arith.constant 0 : i32
    %dma_wait3A_243 = arith.constant 0 : i32
    %dma_wait3A_244 = tpu.memref_slice %arg2[%dma_wait3A_242, %dma_wait3A_243] : memref<10240x32xf32, #tpu.memory_space<hbm>> -> memref<10240x32xf32, #tpu.memory_space<hbm>>
    %dma_wait3A_245 = tpu.memref_slice %arg17[%dma_wait3A_238] : memref<8x!tpu.dma_semaphore, #tpu.memory_space<semaphore_mem>> -> memref<1x!tpu.dma_semaphore, #tpu.memory_space<semaphore_mem>>
    %dma_wait3A_246 = tpu.memref_squeeze %dma_wait3A_245 : memref<1x!tpu.dma_semaphore, #tpu.memory_space<semaphore_mem>> -> memref<!tpu.dma_semaphore, #tpu.memory_space<semaphore_mem>>
    tpu.wait_indirect_dma semaphore(%dma_wait3A_246 : memref<!tpu.dma_semaphore, #tpu.memory_space<semaphore_mem>>) src(%dma_wait3A_244 : memref<10240x32xf32, #tpu.memory_space<hbm>>) dst(%arg8 : memref<128x32xf32, #tpu.memory_space<vmem>>)
    %run_scoped3A_247 = arith.constant 72 : i32
    "tpu.region"() ({
      %run_scoped3A_338 = tpu.sem_alloc : memref<!tpu.dma_semaphore, #tpu.memory_space<semaphore_mem>>
      %dma_start3A_339 = arith.constant 0 : i32
      %dma_start3A_340 = tpu.memref_slice %arg7[%run_scoped3A_247, %dma_start3A_339] : memref<79x128xi32, #tpu.memory_space<vmem>> -> memref<1x128xi32, #tpu.memory_space<vmem>>
      %dma_start3A_341 = tpu.memref_squeeze %dma_start3A_340 : memref<1x128xi32, #tpu.memory_space<vmem>> -> memref<128xi32, #tpu.memory_space<vmem>>
      %dma_start3A_342 = arith.constant 0 : i32
      %dma_start3A_343 = arith.constant 0 : i32
      %dma_start3A_344 = tpu.memref_slice %arg16[%dma_start3A_342, %dma_start3A_343] : memref<10240x32xf32, #tpu.memory_space<vmem_shared>> -> memref<10240x32xf32, #tpu.memory_space<vmem_shared>>
      tpu.enqueue_indirect_dma source(%arg8 : memref<128x32xf32, #tpu.memory_space<vmem>>) target(%dma_start3A_344 : memref<10240x32xf32, #tpu.memory_space<vmem_shared>>) offsets(%dma_start3A_341 : memref<128xi32, #tpu.memory_space<vmem>>) semaphore(%run_scoped3A_338 : memref<!tpu.dma_semaphore, #tpu.memory_space<semaphore_mem>>) {add = true}
      %dma_wait3A_345 = arith.constant 0 : i32
      %dma_wait3A_346 = tpu.memref_slice %arg7[%run_scoped3A_247, %dma_wait3A_345] : memref<79x128xi32, #tpu.memory_space<vmem>> -> memref<1x128xi32, #tpu.memory_space<vmem>>
      %dma_wait3A_347 = tpu.memref_squeeze %dma_wait3A_346 : memref<1x128xi32, #tpu.memory_space<vmem>> -> memref<128xi32, #tpu.memory_space<vmem>>
      %dma_wait3A_348 = arith.constant 0 : i32
      %dma_wait3A_349 = arith.constant 0 : i32
      %dma_wait3A_350 = tpu.memref_slice %arg16[%dma_wait3A_348, %dma_wait3A_349] : memref<10240x32xf32, #tpu.memory_space<vmem_shared>> -> memref<10240x32xf32, #tpu.memory_space<vmem_shared>>
      tpu.wait_indirect_dma semaphore(%run_scoped3A_338 : memref<!tpu.dma_semaphore, #tpu.memory_space<semaphore_mem>>) src(%arg8 : memref<128x32xf32, #tpu.memory_space<vmem>>) dst(%dma_wait3A_350 : memref<10240x32xf32, #tpu.memory_space<vmem_shared>>)
      tpu.yield
    }) : () -> ()
    %gt3A_248 = arith.constant 80 : i32
    %gt3A_249 = arith.cmpi sgt, %select_n3A, %gt3A_248 : i32
    %convert_element_type3A_250 = arith.extui %gt3A_249 : i1 to i32
    %cond3A_251 = arith.constant 0 : i32
    %cond3A_252 = arith.cmpi ne, %convert_element_type3A_250, %cond3A_251 : i32
    scf.if %cond3A_252 {
      %dma_start3A_338 = arith.constant 80 : i32
      %dma_start3A_339 = arith.constant 0 : i32
      %dma_start3A_340 = arith.constant 0 : i32
      %dma_start3A_341 = tpu.memref_slice %arg6[%dma_start3A_338, %dma_start3A_340] : memref<79x128xi32, #tpu.memory_space<vmem>> -> memref<1x128xi32, #tpu.memory_space<vmem>>
      %dma_start3A_342 = tpu.memref_squeeze %dma_start3A_341 : memref<1x128xi32, #tpu.memory_space<vmem>> -> memref<128xi32, #tpu.memory_space<vmem>>
      %dma_start3A_343 = arith.constant 0 : i32
      %dma_start3A_344 = arith.constant 0 : i32
      %dma_start3A_345 = tpu.memref_slice %arg2[%dma_start3A_343, %dma_start3A_344] : memref<10240x32xf32, #tpu.memory_space<hbm>> -> memref<10240x32xf32, #tpu.memory_space<hbm>>
      %dma_start3A_346 = tpu.memref_slice %arg17[%dma_start3A_339] : memref<8x!tpu.dma_semaphore, #tpu.memory_space<semaphore_mem>> -> memref<1x!tpu.dma_semaphore, #tpu.memory_space<semaphore_mem>>
      %dma_start3A_347 = tpu.memref_squeeze %dma_start3A_346 : memref<1x!tpu.dma_semaphore, #tpu.memory_space<semaphore_mem>> -> memref<!tpu.dma_semaphore, #tpu.memory_space<semaphore_mem>>
      tpu.enqueue_indirect_dma source(%dma_start3A_345 : memref<10240x32xf32, #tpu.memory_space<hbm>>) target(%arg8 : memref<128x32xf32, #tpu.memory_space<vmem>>) offsets(%dma_start3A_342 : memref<128xi32, #tpu.memory_space<vmem>>) semaphore(%dma_start3A_347 : memref<!tpu.dma_semaphore, #tpu.memory_space<semaphore_mem>>)
    } else {
    }
    %dma_wait3A_253 = arith.constant 0 : i32
    %dma_wait3A_254 = arith.constant 1 : i32
    %dma_wait3A_255 = arith.constant 0 : i32
    %dma_wait3A_256 = tpu.memref_slice %arg6[%dma_wait3A_253, %dma_wait3A_255] : memref<79x128xi32, #tpu.memory_space<vmem>> -> memref<1x128xi32, #tpu.memory_space<vmem>>
    %dma_wait3A_257 = tpu.memref_squeeze %dma_wait3A_256 : memref<1x128xi32, #tpu.memory_space<vmem>> -> memref<128xi32, #tpu.memory_space<vmem>>
    %dma_wait3A_258 = arith.constant 0 : i32
    %dma_wait3A_259 = arith.constant 0 : i32
    %dma_wait3A_260 = tpu.memref_slice %arg2[%dma_wait3A_258, %dma_wait3A_259] : memref<10240x32xf32, #tpu.memory_space<hbm>> -> memref<10240x32xf32, #tpu.memory_space<hbm>>
    %dma_wait3A_261 = tpu.memref_slice %arg17[%dma_wait3A_254] : memref<8x!tpu.dma_semaphore, #tpu.memory_space<semaphore_mem>> -> memref<1x!tpu.dma_semaphore, #tpu.memory_space<semaphore_mem>>
    %dma_wait3A_262 = tpu.memref_squeeze %dma_wait3A_261 : memref<1x!tpu.dma_semaphore, #tpu.memory_space<semaphore_mem>> -> memref<!tpu.dma_semaphore, #tpu.memory_space<semaphore_mem>>
    tpu.wait_indirect_dma semaphore(%dma_wait3A_262 : memref<!tpu.dma_semaphore, #tpu.memory_space<semaphore_mem>>) src(%dma_wait3A_260 : memref<10240x32xf32, #tpu.memory_space<hbm>>) dst(%arg9 : memref<128x32xf32, #tpu.memory_space<vmem>>)
    %run_scoped3A_263 = arith.constant 73 : i32
    "tpu.region"() ({
      %run_scoped3A_338 = tpu.sem_alloc : memref<!tpu.dma_semaphore, #tpu.memory_space<semaphore_mem>>
      %dma_start3A_339 = arith.constant 0 : i32
      %dma_start3A_340 = tpu.memref_slice %arg7[%run_scoped3A_263, %dma_start3A_339] : memref<79x128xi32, #tpu.memory_space<vmem>> -> memref<1x128xi32, #tpu.memory_space<vmem>>
      %dma_start3A_341 = tpu.memref_squeeze %dma_start3A_340 : memref<1x128xi32, #tpu.memory_space<vmem>> -> memref<128xi32, #tpu.memory_space<vmem>>
      %dma_start3A_342 = arith.constant 0 : i32
      %dma_start3A_343 = arith.constant 0 : i32
      %dma_start3A_344 = tpu.memref_slice %arg16[%dma_start3A_342, %dma_start3A_343] : memref<10240x32xf32, #tpu.memory_space<vmem_shared>> -> memref<10240x32xf32, #tpu.memory_space<vmem_shared>>
      tpu.enqueue_indirect_dma source(%arg9 : memref<128x32xf32, #tpu.memory_space<vmem>>) target(%dma_start3A_344 : memref<10240x32xf32, #tpu.memory_space<vmem_shared>>) offsets(%dma_start3A_341 : memref<128xi32, #tpu.memory_space<vmem>>) semaphore(%run_scoped3A_338 : memref<!tpu.dma_semaphore, #tpu.memory_space<semaphore_mem>>) {add = true}
      %dma_wait3A_345 = arith.constant 0 : i32
      %dma_wait3A_346 = tpu.memref_slice %arg7[%run_scoped3A_263, %dma_wait3A_345] : memref<79x128xi32, #tpu.memory_space<vmem>> -> memref<1x128xi32, #tpu.memory_space<vmem>>
      %dma_wait3A_347 = tpu.memref_squeeze %dma_wait3A_346 : memref<1x128xi32, #tpu.memory_space<vmem>> -> memref<128xi32, #tpu.memory_space<vmem>>
      %dma_wait3A_348 = arith.constant 0 : i32
      %dma_wait3A_349 = arith.constant 0 : i32
      %dma_wait3A_350 = tpu.memref_slice %arg16[%dma_wait3A_348, %dma_wait3A_349] : memref<10240x32xf32, #tpu.memory_space<vmem_shared>> -> memref<10240x32xf32, #tpu.memory_space<vmem_shared>>
      tpu.wait_indirect_dma semaphore(%run_scoped3A_338 : memref<!tpu.dma_semaphore, #tpu.memory_space<semaphore_mem>>) src(%arg9 : memref<128x32xf32, #tpu.memory_space<vmem>>) dst(%dma_wait3A_350 : memref<10240x32xf32, #tpu.memory_space<vmem_shared>>)
      tpu.yield
    }) : () -> ()
    %gt3A_264 = arith.constant 81 : i32
    %gt3A_265 = arith.cmpi sgt, %select_n3A, %gt3A_264 : i32
    %convert_element_type3A_266 = arith.extui %gt3A_265 : i1 to i32
    %cond3A_267 = arith.constant 0 : i32
    %cond3A_268 = arith.cmpi ne, %convert_element_type3A_266, %cond3A_267 : i32
    scf.if %cond3A_268 {
      %dma_start3A_338 = arith.constant 81 : i32
      %dma_start3A_339 = arith.constant 1 : i32
      %dma_start3A_340 = arith.constant 0 : i32
      %dma_start3A_341 = tpu.memref_slice %arg6[%dma_start3A_338, %dma_start3A_340] : memref<79x128xi32, #tpu.memory_space<vmem>> -> memref<1x128xi32, #tpu.memory_space<vmem>>
      %dma_start3A_342 = tpu.memref_squeeze %dma_start3A_341 : memref<1x128xi32, #tpu.memory_space<vmem>> -> memref<128xi32, #tpu.memory_space<vmem>>
      %dma_start3A_343 = arith.constant 0 : i32
      %dma_start3A_344 = arith.constant 0 : i32
      %dma_start3A_345 = tpu.memref_slice %arg2[%dma_start3A_343, %dma_start3A_344] : memref<10240x32xf32, #tpu.memory_space<hbm>> -> memref<10240x32xf32, #tpu.memory_space<hbm>>
      %dma_start3A_346 = tpu.memref_slice %arg17[%dma_start3A_339] : memref<8x!tpu.dma_semaphore, #tpu.memory_space<semaphore_mem>> -> memref<1x!tpu.dma_semaphore, #tpu.memory_space<semaphore_mem>>
      %dma_start3A_347 = tpu.memref_squeeze %dma_start3A_346 : memref<1x!tpu.dma_semaphore, #tpu.memory_space<semaphore_mem>> -> memref<!tpu.dma_semaphore, #tpu.memory_space<semaphore_mem>>
      tpu.enqueue_indirect_dma source(%dma_start3A_345 : memref<10240x32xf32, #tpu.memory_space<hbm>>) target(%arg9 : memref<128x32xf32, #tpu.memory_space<vmem>>) offsets(%dma_start3A_342 : memref<128xi32, #tpu.memory_space<vmem>>) semaphore(%dma_start3A_347 : memref<!tpu.dma_semaphore, #tpu.memory_space<semaphore_mem>>)
    } else {
    }
    %dma_wait3A_269 = arith.constant 0 : i32
    %dma_wait3A_270 = arith.constant 2 : i32
    %dma_wait3A_271 = arith.constant 0 : i32
    %dma_wait3A_272 = tpu.memref_slice %arg6[%dma_wait3A_269, %dma_wait3A_271] : memref<79x128xi32, #tpu.memory_space<vmem>> -> memref<1x128xi32, #tpu.memory_space<vmem>>
    %dma_wait3A_273 = tpu.memref_squeeze %dma_wait3A_272 : memref<1x128xi32, #tpu.memory_space<vmem>> -> memref<128xi32, #tpu.memory_space<vmem>>
    %dma_wait3A_274 = arith.constant 0 : i32
    %dma_wait3A_275 = arith.constant 0 : i32
    %dma_wait3A_276 = tpu.memref_slice %arg2[%dma_wait3A_274, %dma_wait3A_275] : memref<10240x32xf32, #tpu.memory_space<hbm>> -> memref<10240x32xf32, #tpu.memory_space<hbm>>
    %dma_wait3A_277 = tpu.memref_slice %arg17[%dma_wait3A_270] : memref<8x!tpu.dma_semaphore, #tpu.memory_space<semaphore_mem>> -> memref<1x!tpu.dma_semaphore, #tpu.memory_space<semaphore_mem>>
    %dma_wait3A_278 = tpu.memref_squeeze %dma_wait3A_277 : memref<1x!tpu.dma_semaphore, #tpu.memory_space<semaphore_mem>> -> memref<!tpu.dma_semaphore, #tpu.memory_space<semaphore_mem>>
    tpu.wait_indirect_dma semaphore(%dma_wait3A_278 : memref<!tpu.dma_semaphore, #tpu.memory_space<semaphore_mem>>) src(%dma_wait3A_276 : memref<10240x32xf32, #tpu.memory_space<hbm>>) dst(%arg10 : memref<128x32xf32, #tpu.memory_space<vmem>>)
    %run_scoped3A_279 = arith.constant 74 : i32
    "tpu.region"() ({
      %run_scoped3A_338 = tpu.sem_alloc : memref<!tpu.dma_semaphore, #tpu.memory_space<semaphore_mem>>
      %dma_start3A_339 = arith.constant 0 : i32
      %dma_start3A_340 = tpu.memref_slice %arg7[%run_scoped3A_279, %dma_start3A_339] : memref<79x128xi32, #tpu.memory_space<vmem>> -> memref<1x128xi32, #tpu.memory_space<vmem>>
      %dma_start3A_341 = tpu.memref_squeeze %dma_start3A_340 : memref<1x128xi32, #tpu.memory_space<vmem>> -> memref<128xi32, #tpu.memory_space<vmem>>
      %dma_start3A_342 = arith.constant 0 : i32
      %dma_start3A_343 = arith.constant 0 : i32
      %dma_start3A_344 = tpu.memref_slice %arg16[%dma_start3A_342, %dma_start3A_343] : memref<10240x32xf32, #tpu.memory_space<vmem_shared>> -> memref<10240x32xf32, #tpu.memory_space<vmem_shared>>
      tpu.enqueue_indirect_dma source(%arg10 : memref<128x32xf32, #tpu.memory_space<vmem>>) target(%dma_start3A_344 : memref<10240x32xf32, #tpu.memory_space<vmem_shared>>) offsets(%dma_start3A_341 : memref<128xi32, #tpu.memory_space<vmem>>) semaphore(%run_scoped3A_338 : memref<!tpu.dma_semaphore, #tpu.memory_space<semaphore_mem>>) {add = true}
      %dma_wait3A_345 = arith.constant 0 : i32
      %dma_wait3A_346 = tpu.memref_slice %arg7[%run_scoped3A_279, %dma_wait3A_345] : memref<79x128xi32, #tpu.memory_space<vmem>> -> memref<1x128xi32, #tpu.memory_space<vmem>>
      %dma_wait3A_347 = tpu.memref_squeeze %dma_wait3A_346 : memref<1x128xi32, #tpu.memory_space<vmem>> -> memref<128xi32, #tpu.memory_space<vmem>>
      %dma_wait3A_348 = arith.constant 0 : i32
      %dma_wait3A_349 = arith.constant 0 : i32
      %dma_wait3A_350 = tpu.memref_slice %arg16[%dma_wait3A_348, %dma_wait3A_349] : memref<10240x32xf32, #tpu.memory_space<vmem_shared>> -> memref<10240x32xf32, #tpu.memory_space<vmem_shared>>
      tpu.wait_indirect_dma semaphore(%run_scoped3A_338 : memref<!tpu.dma_semaphore, #tpu.memory_space<semaphore_mem>>) src(%arg10 : memref<128x32xf32, #tpu.memory_space<vmem>>) dst(%dma_wait3A_350 : memref<10240x32xf32, #tpu.memory_space<vmem_shared>>)
      tpu.yield
    }) : () -> ()
    %gt3A_280 = arith.constant 82 : i32
    %gt3A_281 = arith.cmpi sgt, %select_n3A, %gt3A_280 : i32
    %convert_element_type3A_282 = arith.extui %gt3A_281 : i1 to i32
    %cond3A_283 = arith.constant 0 : i32
    %cond3A_284 = arith.cmpi ne, %convert_element_type3A_282, %cond3A_283 : i32
    scf.if %cond3A_284 {
      %dma_start3A_338 = arith.constant 82 : i32
      %dma_start3A_339 = arith.constant 2 : i32
      %dma_start3A_340 = arith.constant 0 : i32
      %dma_start3A_341 = tpu.memref_slice %arg6[%dma_start3A_338, %dma_start3A_340] : memref<79x128xi32, #tpu.memory_space<vmem>> -> memref<1x128xi32, #tpu.memory_space<vmem>>
      %dma_start3A_342 = tpu.memref_squeeze %dma_start3A_341 : memref<1x128xi32, #tpu.memory_space<vmem>> -> memref<128xi32, #tpu.memory_space<vmem>>
      %dma_start3A_343 = arith.constant 0 : i32
      %dma_start3A_344 = arith.constant 0 : i32
      %dma_start3A_345 = tpu.memref_slice %arg2[%dma_start3A_343, %dma_start3A_344] : memref<10240x32xf32, #tpu.memory_space<hbm>> -> memref<10240x32xf32, #tpu.memory_space<hbm>>
      %dma_start3A_346 = tpu.memref_slice %arg17[%dma_start3A_339] : memref<8x!tpu.dma_semaphore, #tpu.memory_space<semaphore_mem>> -> memref<1x!tpu.dma_semaphore, #tpu.memory_space<semaphore_mem>>
      %dma_start3A_347 = tpu.memref_squeeze %dma_start3A_346 : memref<1x!tpu.dma_semaphore, #tpu.memory_space<semaphore_mem>> -> memref<!tpu.dma_semaphore, #tpu.memory_space<semaphore_mem>>
      tpu.enqueue_indirect_dma source(%dma_start3A_345 : memref<10240x32xf32, #tpu.memory_space<hbm>>) target(%arg10 : memref<128x32xf32, #tpu.memory_space<vmem>>) offsets(%dma_start3A_342 : memref<128xi32, #tpu.memory_space<vmem>>) semaphore(%dma_start3A_347 : memref<!tpu.dma_semaphore, #tpu.memory_space<semaphore_mem>>)
    } else {
    }
    %dma_wait3A_285 = arith.constant 0 : i32
    %dma_wait3A_286 = arith.constant 3 : i32
    %dma_wait3A_287 = arith.constant 0 : i32
    %dma_wait3A_288 = tpu.memref_slice %arg6[%dma_wait3A_285, %dma_wait3A_287] : memref<79x128xi32, #tpu.memory_space<vmem>> -> memref<1x128xi32, #tpu.memory_space<vmem>>
    %dma_wait3A_289 = tpu.memref_squeeze %dma_wait3A_288 : memref<1x128xi32, #tpu.memory_space<vmem>> -> memref<128xi32, #tpu.memory_space<vmem>>
    %dma_wait3A_290 = arith.constant 0 : i32
    %dma_wait3A_291 = arith.constant 0 : i32
    %dma_wait3A_292 = tpu.memref_slice %arg2[%dma_wait3A_290, %dma_wait3A_291] : memref<10240x32xf32, #tpu.memory_space<hbm>> -> memref<10240x32xf32, #tpu.memory_space<hbm>>
    %dma_wait3A_293 = tpu.memref_slice %arg17[%dma_wait3A_286] : memref<8x!tpu.dma_semaphore, #tpu.memory_space<semaphore_mem>> -> memref<1x!tpu.dma_semaphore, #tpu.memory_space<semaphore_mem>>
    %dma_wait3A_294 = tpu.memref_squeeze %dma_wait3A_293 : memref<1x!tpu.dma_semaphore, #tpu.memory_space<semaphore_mem>> -> memref<!tpu.dma_semaphore, #tpu.memory_space<semaphore_mem>>
    tpu.wait_indirect_dma semaphore(%dma_wait3A_294 : memref<!tpu.dma_semaphore, #tpu.memory_space<semaphore_mem>>) src(%dma_wait3A_292 : memref<10240x32xf32, #tpu.memory_space<hbm>>) dst(%arg11 : memref<128x32xf32, #tpu.memory_space<vmem>>)
    %run_scoped3A_295 = arith.constant 75 : i32
    "tpu.region"() ({
      %run_scoped3A_338 = tpu.sem_alloc : memref<!tpu.dma_semaphore, #tpu.memory_space<semaphore_mem>>
      %dma_start3A_339 = arith.constant 0 : i32
      %dma_start3A_340 = tpu.memref_slice %arg7[%run_scoped3A_295, %dma_start3A_339] : memref<79x128xi32, #tpu.memory_space<vmem>> -> memref<1x128xi32, #tpu.memory_space<vmem>>
      %dma_start3A_341 = tpu.memref_squeeze %dma_start3A_340 : memref<1x128xi32, #tpu.memory_space<vmem>> -> memref<128xi32, #tpu.memory_space<vmem>>
      %dma_start3A_342 = arith.constant 0 : i32
      %dma_start3A_343 = arith.constant 0 : i32
      %dma_start3A_344 = tpu.memref_slice %arg16[%dma_start3A_342, %dma_start3A_343] : memref<10240x32xf32, #tpu.memory_space<vmem_shared>> -> memref<10240x32xf32, #tpu.memory_space<vmem_shared>>
      tpu.enqueue_indirect_dma source(%arg11 : memref<128x32xf32, #tpu.memory_space<vmem>>) target(%dma_start3A_344 : memref<10240x32xf32, #tpu.memory_space<vmem_shared>>) offsets(%dma_start3A_341 : memref<128xi32, #tpu.memory_space<vmem>>) semaphore(%run_scoped3A_338 : memref<!tpu.dma_semaphore, #tpu.memory_space<semaphore_mem>>) {add = true}
      %dma_wait3A_345 = arith.constant 0 : i32
      %dma_wait3A_346 = tpu.memref_slice %arg7[%run_scoped3A_295, %dma_wait3A_345] : memref<79x128xi32, #tpu.memory_space<vmem>> -> memref<1x128xi32, #tpu.memory_space<vmem>>
      %dma_wait3A_347 = tpu.memref_squeeze %dma_wait3A_346 : memref<1x128xi32, #tpu.memory_space<vmem>> -> memref<128xi32, #tpu.memory_space<vmem>>
      %dma_wait3A_348 = arith.constant 0 : i32
      %dma_wait3A_349 = arith.constant 0 : i32
      %dma_wait3A_350 = tpu.memref_slice %arg16[%dma_wait3A_348, %dma_wait3A_349] : memref<10240x32xf32, #tpu.memory_space<vmem_shared>> -> memref<10240x32xf32, #tpu.memory_space<vmem_shared>>
      tpu.wait_indirect_dma semaphore(%run_scoped3A_338 : memref<!tpu.dma_semaphore, #tpu.memory_space<semaphore_mem>>) src(%arg11 : memref<128x32xf32, #tpu.memory_space<vmem>>) dst(%dma_wait3A_350 : memref<10240x32xf32, #tpu.memory_space<vmem_shared>>)
      tpu.yield
    }) : () -> ()
    %gt3A_296 = arith.constant 83 : i32
    %gt3A_297 = arith.cmpi sgt, %select_n3A, %gt3A_296 : i32
    %convert_element_type3A_298 = arith.extui %gt3A_297 : i1 to i32
    %cond3A_299 = arith.constant 0 : i32
    %cond3A_300 = arith.cmpi ne, %convert_element_type3A_298, %cond3A_299 : i32
    scf.if %cond3A_300 {
      %dma_start3A_338 = arith.constant 83 : i32
      %dma_start3A_339 = arith.constant 3 : i32
      %dma_start3A_340 = arith.constant 0 : i32
      %dma_start3A_341 = tpu.memref_slice %arg6[%dma_start3A_338, %dma_start3A_340] : memref<79x128xi32, #tpu.memory_space<vmem>> -> memref<1x128xi32, #tpu.memory_space<vmem>>
      %dma_start3A_342 = tpu.memref_squeeze %dma_start3A_341 : memref<1x128xi32, #tpu.memory_space<vmem>> -> memref<128xi32, #tpu.memory_space<vmem>>
      %dma_start3A_343 = arith.constant 0 : i32
      %dma_start3A_344 = arith.constant 0 : i32
      %dma_start3A_345 = tpu.memref_slice %arg2[%dma_start3A_343, %dma_start3A_344] : memref<10240x32xf32, #tpu.memory_space<hbm>> -> memref<10240x32xf32, #tpu.memory_space<hbm>>
      %dma_start3A_346 = tpu.memref_slice %arg17[%dma_start3A_339] : memref<8x!tpu.dma_semaphore, #tpu.memory_space<semaphore_mem>> -> memref<1x!tpu.dma_semaphore, #tpu.memory_space<semaphore_mem>>
      %dma_start3A_347 = tpu.memref_squeeze %dma_start3A_346 : memref<1x!tpu.dma_semaphore, #tpu.memory_space<semaphore_mem>> -> memref<!tpu.dma_semaphore, #tpu.memory_space<semaphore_mem>>
      tpu.enqueue_indirect_dma source(%dma_start3A_345 : memref<10240x32xf32, #tpu.memory_space<hbm>>) target(%arg11 : memref<128x32xf32, #tpu.memory_space<vmem>>) offsets(%dma_start3A_342 : memref<128xi32, #tpu.memory_space<vmem>>) semaphore(%dma_start3A_347 : memref<!tpu.dma_semaphore, #tpu.memory_space<semaphore_mem>>)
    } else {
    }
    %dma_wait3A_301 = arith.constant 0 : i32
    %dma_wait3A_302 = arith.constant 4 : i32
    %dma_wait3A_303 = arith.constant 0 : i32
    %dma_wait3A_304 = tpu.memref_slice %arg6[%dma_wait3A_301, %dma_wait3A_303] : memref<79x128xi32, #tpu.memory_space<vmem>> -> memref<1x128xi32, #tpu.memory_space<vmem>>
    %dma_wait3A_305 = tpu.memref_squeeze %dma_wait3A_304 : memref<1x128xi32, #tpu.memory_space<vmem>> -> memref<128xi32, #tpu.memory_space<vmem>>
    %dma_wait3A_306 = arith.constant 0 : i32
    %dma_wait3A_307 = arith.constant 0 : i32
    %dma_wait3A_308 = tpu.memref_slice %arg2[%dma_wait3A_306, %dma_wait3A_307] : memref<10240x32xf32, #tpu.memory_space<hbm>> -> memref<10240x32xf32, #tpu.memory_space<hbm>>
    %dma_wait3A_309 = tpu.memref_slice %arg17[%dma_wait3A_302] : memref<8x!tpu.dma_semaphore, #tpu.memory_space<semaphore_mem>> -> memref<1x!tpu.dma_semaphore, #tpu.memory_space<semaphore_mem>>
    %dma_wait3A_310 = tpu.memref_squeeze %dma_wait3A_309 : memref<1x!tpu.dma_semaphore, #tpu.memory_space<semaphore_mem>> -> memref<!tpu.dma_semaphore, #tpu.memory_space<semaphore_mem>>
    tpu.wait_indirect_dma semaphore(%dma_wait3A_310 : memref<!tpu.dma_semaphore, #tpu.memory_space<semaphore_mem>>) src(%dma_wait3A_308 : memref<10240x32xf32, #tpu.memory_space<hbm>>) dst(%arg12 : memref<128x32xf32, #tpu.memory_space<vmem>>)
    %run_scoped3A_311 = arith.constant 76 : i32
    "tpu.region"() ({
      %run_scoped3A_338 = tpu.sem_alloc : memref<!tpu.dma_semaphore, #tpu.memory_space<semaphore_mem>>
      %dma_start3A_339 = arith.constant 0 : i32
      %dma_start3A_340 = tpu.memref_slice %arg7[%run_scoped3A_311, %dma_start3A_339] : memref<79x128xi32, #tpu.memory_space<vmem>> -> memref<1x128xi32, #tpu.memory_space<vmem>>
      %dma_start3A_341 = tpu.memref_squeeze %dma_start3A_340 : memref<1x128xi32, #tpu.memory_space<vmem>> -> memref<128xi32, #tpu.memory_space<vmem>>
      %dma_start3A_342 = arith.constant 0 : i32
      %dma_start3A_343 = arith.constant 0 : i32
      %dma_start3A_344 = tpu.memref_slice %arg16[%dma_start3A_342, %dma_start3A_343] : memref<10240x32xf32, #tpu.memory_space<vmem_shared>> -> memref<10240x32xf32, #tpu.memory_space<vmem_shared>>
      tpu.enqueue_indirect_dma source(%arg12 : memref<128x32xf32, #tpu.memory_space<vmem>>) target(%dma_start3A_344 : memref<10240x32xf32, #tpu.memory_space<vmem_shared>>) offsets(%dma_start3A_341 : memref<128xi32, #tpu.memory_space<vmem>>) semaphore(%run_scoped3A_338 : memref<!tpu.dma_semaphore, #tpu.memory_space<semaphore_mem>>) {add = true}
      %dma_wait3A_345 = arith.constant 0 : i32
      %dma_wait3A_346 = tpu.memref_slice %arg7[%run_scoped3A_311, %dma_wait3A_345] : memref<79x128xi32, #tpu.memory_space<vmem>> -> memref<1x128xi32, #tpu.memory_space<vmem>>
      %dma_wait3A_347 = tpu.memref_squeeze %dma_wait3A_346 : memref<1x128xi32, #tpu.memory_space<vmem>> -> memref<128xi32, #tpu.memory_space<vmem>>
      %dma_wait3A_348 = arith.constant 0 : i32
      %dma_wait3A_349 = arith.constant 0 : i32
      %dma_wait3A_350 = tpu.memref_slice %arg16[%dma_wait3A_348, %dma_wait3A_349] : memref<10240x32xf32, #tpu.memory_space<vmem_shared>> -> memref<10240x32xf32, #tpu.memory_space<vmem_shared>>
      tpu.wait_indirect_dma semaphore(%run_scoped3A_338 : memref<!tpu.dma_semaphore, #tpu.memory_space<semaphore_mem>>) src(%arg12 : memref<128x32xf32, #tpu.memory_space<vmem>>) dst(%dma_wait3A_350 : memref<10240x32xf32, #tpu.memory_space<vmem_shared>>)
      tpu.yield
    }) : () -> ()
    %gt3A_312 = arith.constant 84 : i32
    %gt3A_313 = arith.cmpi sgt, %select_n3A, %gt3A_312 : i32
    %convert_element_type3A_314 = arith.extui %gt3A_313 : i1 to i32
    %cond3A_315 = arith.constant 0 : i32
    %cond3A_316 = arith.cmpi ne, %convert_element_type3A_314, %cond3A_315 : i32
    scf.if %cond3A_316 {
      %dma_start3A_338 = arith.constant 84 : i32
      %dma_start3A_339 = arith.constant 4 : i32
      %dma_start3A_340 = arith.constant 0 : i32
      %dma_start3A_341 = tpu.memref_slice %arg6[%dma_start3A_338, %dma_start3A_340] : memref<79x128xi32, #tpu.memory_space<vmem>> -> memref<1x128xi32, #tpu.memory_space<vmem>>
      %dma_start3A_342 = tpu.memref_squeeze %dma_start3A_341 : memref<1x128xi32, #tpu.memory_space<vmem>> -> memref<128xi32, #tpu.memory_space<vmem>>
      %dma_start3A_343 = arith.constant 0 : i32
      %dma_start3A_344 = arith.constant 0 : i32
      %dma_start3A_345 = tpu.memref_slice %arg2[%dma_start3A_343, %dma_start3A_344] : memref<10240x32xf32, #tpu.memory_space<hbm>> -> memref<10240x32xf32, #tpu.memory_space<hbm>>
      %dma_start3A_346 = tpu.memref_slice %arg17[%dma_start3A_339] : memref<8x!tpu.dma_semaphore, #tpu.memory_space<semaphore_mem>> -> memref<1x!tpu.dma_semaphore, #tpu.memory_space<semaphore_mem>>
      %dma_start3A_347 = tpu.memref_squeeze %dma_start3A_346 : memref<1x!tpu.dma_semaphore, #tpu.memory_space<semaphore_mem>> -> memref<!tpu.dma_semaphore, #tpu.memory_space<semaphore_mem>>
      tpu.enqueue_indirect_dma source(%dma_start3A_345 : memref<10240x32xf32, #tpu.memory_space<hbm>>) target(%arg12 : memref<128x32xf32, #tpu.memory_space<vmem>>) offsets(%dma_start3A_342 : memref<128xi32, #tpu.memory_space<vmem>>) semaphore(%dma_start3A_347 : memref<!tpu.dma_semaphore, #tpu.memory_space<semaphore_mem>>)
    } else {
    }
    %dma_wait3A_317 = arith.constant 0 : i32
    %dma_wait3A_318 = arith.constant 5 : i32
    %dma_wait3A_319 = arith.constant 0 : i32
    %dma_wait3A_320 = tpu.memref_slice %arg6[%dma_wait3A_317, %dma_wait3A_319] : memref<79x128xi32, #tpu.memory_space<vmem>> -> memref<1x128xi32, #tpu.memory_space<vmem>>
    %dma_wait3A_321 = tpu.memref_squeeze %dma_wait3A_320 : memref<1x128xi32, #tpu.memory_space<vmem>> -> memref<128xi32, #tpu.memory_space<vmem>>
    %dma_wait3A_322 = arith.constant 0 : i32
    %dma_wait3A_323 = arith.constant 0 : i32
    %dma_wait3A_324 = tpu.memref_slice %arg2[%dma_wait3A_322, %dma_wait3A_323] : memref<10240x32xf32, #tpu.memory_space<hbm>> -> memref<10240x32xf32, #tpu.memory_space<hbm>>
    %dma_wait3A_325 = tpu.memref_slice %arg17[%dma_wait3A_318] : memref<8x!tpu.dma_semaphore, #tpu.memory_space<semaphore_mem>> -> memref<1x!tpu.dma_semaphore, #tpu.memory_space<semaphore_mem>>
    %dma_wait3A_326 = tpu.memref_squeeze %dma_wait3A_325 : memref<1x!tpu.dma_semaphore, #tpu.memory_space<semaphore_mem>> -> memref<!tpu.dma_semaphore, #tpu.memory_space<semaphore_mem>>
    tpu.wait_indirect_dma semaphore(%dma_wait3A_326 : memref<!tpu.dma_semaphore, #tpu.memory_space<semaphore_mem>>) src(%dma_wait3A_324 : memref<10240x32xf32, #tpu.memory_space<hbm>>) dst(%arg13 : memref<128x32xf32, #tpu.memory_space<vmem>>)
    %run_scoped3A_327 = arith.constant 77 : i32
    "tpu.region"() ({
      %run_scoped3A_338 = tpu.sem_alloc : memref<!tpu.dma_semaphore, #tpu.memory_space<semaphore_mem>>
      %dma_start3A_339 = arith.constant 0 : i32
      %dma_start3A_340 = tpu.memref_slice %arg7[%run_scoped3A_327, %dma_start3A_339] : memref<79x128xi32, #tpu.memory_space<vmem>> -> memref<1x128xi32, #tpu.memory_space<vmem>>
      %dma_start3A_341 = tpu.memref_squeeze %dma_start3A_340 : memref<1x128xi32, #tpu.memory_space<vmem>> -> memref<128xi32, #tpu.memory_space<vmem>>
      %dma_start3A_342 = arith.constant 0 : i32
      %dma_start3A_343 = arith.constant 0 : i32
      %dma_start3A_344 = tpu.memref_slice %arg16[%dma_start3A_342, %dma_start3A_343] : memref<10240x32xf32, #tpu.memory_space<vmem_shared>> -> memref<10240x32xf32, #tpu.memory_space<vmem_shared>>
      tpu.enqueue_indirect_dma source(%arg13 : memref<128x32xf32, #tpu.memory_space<vmem>>) target(%dma_start3A_344 : memref<10240x32xf32, #tpu.memory_space<vmem_shared>>) offsets(%dma_start3A_341 : memref<128xi32, #tpu.memory_space<vmem>>) semaphore(%run_scoped3A_338 : memref<!tpu.dma_semaphore, #tpu.memory_space<semaphore_mem>>) {add = true}
      %dma_wait3A_345 = arith.constant 0 : i32
      %dma_wait3A_346 = tpu.memref_slice %arg7[%run_scoped3A_327, %dma_wait3A_345] : memref<79x128xi32, #tpu.memory_space<vmem>> -> memref<1x128xi32, #tpu.memory_space<vmem>>
      %dma_wait3A_347 = tpu.memref_squeeze %dma_wait3A_346 : memref<1x128xi32, #tpu.memory_space<vmem>> -> memref<128xi32, #tpu.memory_space<vmem>>
      %dma_wait3A_348 = arith.constant 0 : i32
      %dma_wait3A_349 = arith.constant 0 : i32
      %dma_wait3A_350 = tpu.memref_slice %arg16[%dma_wait3A_348, %dma_wait3A_349] : memref<10240x32xf32, #tpu.memory_space<vmem_shared>> -> memref<10240x32xf32, #tpu.memory_space<vmem_shared>>
      tpu.wait_indirect_dma semaphore(%run_scoped3A_338 : memref<!tpu.dma_semaphore, #tpu.memory_space<semaphore_mem>>) src(%arg13 : memref<128x32xf32, #tpu.memory_space<vmem>>) dst(%dma_wait3A_350 : memref<10240x32xf32, #tpu.memory_space<vmem_shared>>)
      tpu.yield
    }) : () -> ()
    %gt3A_328 = arith.constant 78 : i32
    %gt3A_329 = arith.cmpi sgt, %select_n3A, %gt3A_328 : i32
    %convert_element_type3A_330 = arith.extui %gt3A_329 : i1 to i32
    %cond3A_331 = arith.constant 0 : i32
    %cond3A_332 = arith.cmpi ne, %convert_element_type3A_330, %cond3A_331 : i32
    scf.if %cond3A_332 {
      %dma_wait3A_338 = arith.constant 0 : i32
      %dma_wait3A_339 = arith.constant 6 : i32
      %dma_wait3A_340 = arith.constant 0 : i32
      %dma_wait3A_341 = tpu.memref_slice %arg6[%dma_wait3A_338, %dma_wait3A_340] : memref<79x128xi32, #tpu.memory_space<vmem>> -> memref<1x128xi32, #tpu.memory_space<vmem>>
      %dma_wait3A_342 = tpu.memref_squeeze %dma_wait3A_341 : memref<1x128xi32, #tpu.memory_space<vmem>> -> memref<128xi32, #tpu.memory_space<vmem>>
      %dma_wait3A_343 = arith.constant 0 : i32
      %dma_wait3A_344 = arith.constant 0 : i32
      %dma_wait3A_345 = tpu.memref_slice %arg2[%dma_wait3A_343, %dma_wait3A_344] : memref<10240x32xf32, #tpu.memory_space<hbm>> -> memref<10240x32xf32, #tpu.memory_space<hbm>>
      %dma_wait3A_346 = tpu.memref_slice %arg17[%dma_wait3A_339] : memref<8x!tpu.dma_semaphore, #tpu.memory_space<semaphore_mem>> -> memref<1x!tpu.dma_semaphore, #tpu.memory_space<semaphore_mem>>
      %dma_wait3A_347 = tpu.memref_squeeze %dma_wait3A_346 : memref<1x!tpu.dma_semaphore, #tpu.memory_space<semaphore_mem>> -> memref<!tpu.dma_semaphore, #tpu.memory_space<semaphore_mem>>
      tpu.wait_indirect_dma semaphore(%dma_wait3A_347 : memref<!tpu.dma_semaphore, #tpu.memory_space<semaphore_mem>>) src(%dma_wait3A_345 : memref<10240x32xf32, #tpu.memory_space<hbm>>) dst(%arg14 : memref<128x32xf32, #tpu.memory_space<vmem>>)
      %run_scoped3A_348 = arith.constant 78 : i32
      "tpu.region"() ({
        %run_scoped3A_349 = tpu.sem_alloc : memref<!tpu.dma_semaphore, #tpu.memory_space<semaphore_mem>>
        %dma_start3A_350 = arith.constant 0 : i32
        %dma_start3A_351 = tpu.memref_slice %arg7[%run_scoped3A_348, %dma_start3A_350] : memref<79x128xi32, #tpu.memory_space<vmem>> -> memref<1x128xi32, #tpu.memory_space<vmem>>
        %dma_start3A_352 = tpu.memref_squeeze %dma_start3A_351 : memref<1x128xi32, #tpu.memory_space<vmem>> -> memref<128xi32, #tpu.memory_space<vmem>>
        %dma_start3A_353 = arith.constant 0 : i32
        %dma_start3A_354 = arith.constant 0 : i32
        %dma_start3A_355 = tpu.memref_slice %arg16[%dma_start3A_353, %dma_start3A_354] : memref<10240x32xf32, #tpu.memory_space<vmem_shared>> -> memref<10240x32xf32, #tpu.memory_space<vmem_shared>>
        tpu.enqueue_indirect_dma source(%arg14 : memref<128x32xf32, #tpu.memory_space<vmem>>) target(%dma_start3A_355 : memref<10240x32xf32, #tpu.memory_space<vmem_shared>>) offsets(%dma_start3A_352 : memref<128xi32, #tpu.memory_space<vmem>>) semaphore(%run_scoped3A_349 : memref<!tpu.dma_semaphore, #tpu.memory_space<semaphore_mem>>) {add = true}
        %dma_wait3A_356 = arith.constant 0 : i32
        %dma_wait3A_357 = tpu.memref_slice %arg7[%run_scoped3A_348, %dma_wait3A_356] : memref<79x128xi32, #tpu.memory_space<vmem>> -> memref<1x128xi32, #tpu.memory_space<vmem>>
        %dma_wait3A_358 = tpu.memref_squeeze %dma_wait3A_357 : memref<1x128xi32, #tpu.memory_space<vmem>> -> memref<128xi32, #tpu.memory_space<vmem>>
        %dma_wait3A_359 = arith.constant 0 : i32
        %dma_wait3A_360 = arith.constant 0 : i32
        %dma_wait3A_361 = tpu.memref_slice %arg16[%dma_wait3A_359, %dma_wait3A_360] : memref<10240x32xf32, #tpu.memory_space<vmem_shared>> -> memref<10240x32xf32, #tpu.memory_space<vmem_shared>>
        tpu.wait_indirect_dma semaphore(%run_scoped3A_349 : memref<!tpu.dma_semaphore, #tpu.memory_space<semaphore_mem>>) src(%arg14 : memref<128x32xf32, #tpu.memory_space<vmem>>) dst(%dma_wait3A_361 : memref<10240x32xf32, #tpu.memory_space<vmem_shared>>)
        tpu.yield
      }) : () -> ()
    } else {
    }
    %barrier3A_333 = arith.constant 0 : index
    tpu.barrier barrier_id(%barrier3A_333)
    %mul3A_334 = arith.constant 640 : i32
    %mul3A_335 = arith.muli %arg1, %mul3A_334 : i32
    %mul3A_336 = arith.constant 640 : i32
    %mul3A_337 = arith.muli %arg1, %mul3A_336 : i32
    "tpu.region"() ({
      %run_scoped3A_338 = tpu.sem_alloc : memref<!tpu.dma_semaphore, #tpu.memory_space<semaphore_mem>>
      %dma_start3A_339 = arith.constant 0 : i32
      %dma_start3A_340 = tpu.memref_slice %arg5[%arg0, %mul3A_337, %dma_start3A_339] : memref<2x10240x32xf32, #tpu.memory_space<hbm>> -> memref<1x640x32xf32, #tpu.memory_space<hbm>>
      %dma_start3A_341 = tpu.memref_squeeze %dma_start3A_340 : memref<1x640x32xf32, #tpu.memory_space<hbm>> -> memref<640x32xf32, #tpu.memory_space<hbm>>
      %dma_start3A_342 = arith.constant 0 : i32
      %dma_start3A_343 = tpu.memref_slice %arg16[%mul3A_335, %dma_start3A_342] : memref<10240x32xf32, #tpu.memory_space<vmem_shared>> -> memref<640x32xf32, #tpu.memory_space<vmem_shared>>
      tpu.enqueue_dma source(%dma_start3A_343 : memref<640x32xf32, #tpu.memory_space<vmem_shared>>) target(%dma_start3A_341 : memref<640x32xf32, #tpu.memory_space<hbm>>) target_semaphore(%run_scoped3A_338 : memref<!tpu.dma_semaphore, #tpu.memory_space<semaphore_mem>>)
      %dma_wait3A_344 = arith.constant 0 : i32
      %dma_wait3A_345 = tpu.memref_slice %arg5[%arg0, %mul3A_337, %dma_wait3A_344] : memref<2x10240x32xf32, #tpu.memory_space<hbm>> -> memref<1x640x32xf32, #tpu.memory_space<hbm>>
      %dma_wait3A_346 = tpu.memref_squeeze %dma_wait3A_345 : memref<1x640x32xf32, #tpu.memory_space<hbm>> -> memref<640x32xf32, #tpu.memory_space<hbm>>
      %dma_wait3A_347 = arith.constant 0 : i32
      %dma_wait3A_348 = tpu.memref_slice %arg16[%mul3A_335, %dma_wait3A_347] : memref<10240x32xf32, #tpu.memory_space<vmem_shared>> -> memref<640x32xf32, #tpu.memory_space<vmem_shared>>
      tpu.wait_dma2 semaphore(%run_scoped3A_338 : memref<!tpu.dma_semaphore, #tpu.memory_space<semaphore_mem>>) src(%dma_wait3A_348 : memref<640x32xf32, #tpu.memory_space<vmem_shared>>) dst(%dma_wait3A_346 : memref<640x32xf32, #tpu.memory_space<hbm>>)
      tpu.yield
    }) : () -> ()
    return
  }
}

#map = affine_map<(d0, d1) -> (0, 0)>
#map1 = affine_map<(d0, d1) -> (0)>
#map2 = affine_map<(d0, d1) -> (0, 0, 0)>
module attributes {stable_mosaic.version = 14 : i64} {
  func.func @_spmm_body(%arg0: i32, %arg1: i32, %arg2: memref<10240x128xf32, #tpu.memory_space<hbm>>, %arg3: memref<2504x128xi32, #tpu.memory_space<hbm>>, %arg4: memref<320000xi32, #tpu.memory_space<hbm>>, %arg5: memref<2x10240x128xf32, #tpu.memory_space<hbm>>, %arg6: memref<79x128xi32, #tpu.memory_space<vmem>>, %arg7: memref<128xi32, #tpu.memory_space<vmem>>, %arg8: memref<128x128xf32, #tpu.memory_space<vmem>>, %arg9: memref<128x128xf32, #tpu.memory_space<vmem>>, %arg10: memref<10240x128xf32, #tpu.memory_space<vmem_shared>>, %arg11: memref<2x!tpu.dma_semaphore, #tpu.memory_space<semaphore_mem>>) attributes {dimension_semantics = [#tpu.dimension_semantics<core_parallel>, #tpu.dimension_semantics<subcore_parallel>], iteration_bounds = array<i64: 2, 16>, scalar_prefetch = 0 : i64, scratch_operands = 6 : i64, tpu.core_type = #tpu.core_type<sc_vector_subcore>, window_params = [{transform_indices = #map}, {transform_indices = #map}, {transform_indices = #map1}, {transform_indices = #map2}]} {
    %mul3A = arith.constant 16 : i32
    %mul3A_0 = arith.muli %arg0, %mul3A : i32
    %add3A = arith.addi %mul3A_0, %arg1 : i32
    %scan3A = arith.constant 0 : i32
    %scan3A_1 = arith.constant 0 : i32
    %scan3A_2 = arith.constant 128 : i32
    %scan3A_3 = arith.addi %scan3A_1, %scan3A_2 : i32
    %scan3A_4 = arith.constant 1 : i32
    %scan3A_5 = scf.for %scan3A_93 = %scan3A_1 to %scan3A_3 step %scan3A_4 iter_args(%scan3A_94 = %scan3A) -> (i32)  : i32 {
      %scan3A_95 = arith.constant 0 : i32
      %scan3A_96 = arith.constant 0 : i32
      %scan3A_97 = arith.constant 8 : i32
      %scan3A_98 = arith.addi %scan3A_96, %scan3A_97 : i32
      %scan3A_99 = arith.constant 1 : i32
      %scan3A_100 = scf.for %scan3A_103 = %scan3A_96 to %scan3A_98 step %scan3A_99 iter_args(%scan3A_104 = %scan3A_95) -> (i32)  : i32 {
        %broadcast_in_dim3A = arith.constant 0.000000e+00 : f32
        %broadcast_in_dim3A_105 = vector.broadcast %broadcast_in_dim3A : f32 to vector<16xf32>
        %mul3A_106 = arith.constant 16 : i32
        %mul3A_107 = arith.muli %scan3A_103, %mul3A_106 : i32
        %swap3A = arith.index_cast %scan3A_93 : i32 to index
        %swap3A_108 = arith.index_cast %mul3A_107 : i32 to index
        %swap3A_109 = tpu.vector_load %arg8[%swap3A, %swap3A_108] {strides = array<i32>} : memref<128x128xf32, #tpu.memory_space<vmem>>, vector<1x16xf32>,
        %swap3A_110 = vector.shape_cast %swap3A_109 : vector<1x16xf32> to vector<16xf32>
        %swap3A_111 = vector.shape_cast %broadcast_in_dim3A_105 : vector<16xf32> to vector<1x16xf32>
        tpu.vector_store %arg8[%swap3A, %swap3A_108], %swap3A_111 {strides = array<i32>} : memref<128x128xf32, #tpu.memory_space<vmem>>, vector<1x16xf32>,
        %scan3A_112 = arith.constant 0 : i32
        scf.yield %scan3A_112 : i32
      }
      %scan3A_101 = arith.constant 8 : i32
      %scan3A_102 = arith.constant 0 : i32
      scf.yield %scan3A_102 : i32
    }
    %scan3A_6 = arith.constant 128 : i32
    %mul3A_7 = arith.constant 640 : i32
    %mul3A_8 = arith.muli %arg1, %mul3A_7 : i32
    %add3A_9 = arith.constant 0 : i32
    %add3A_10 = arith.addi %mul3A_8, %add3A_9 : i32
    "tpu.region"() ({
      %run_scoped3A = tpu.sem_alloc : memref<!tpu.dma_semaphore, #tpu.memory_space<semaphore_mem>>
      %dma_start3A_93 = arith.constant 0 : i32
      %dma_start3A_94 = tpu.memref_slice %arg10[%add3A_10, %dma_start3A_93] : memref<10240x128xf32, #tpu.memory_space<vmem_shared>> -> memref<128x128xf32, #tpu.memory_space<vmem_shared>>
      %dma_start3A_95 = arith.constant 0 : i32
      %dma_start3A_96 = tpu.memref_slice %arg10[%add3A_10, %dma_start3A_95] : memref<10240x128xf32, #tpu.memory_space<vmem_shared>> -> memref<128x128xf32, #tpu.memory_space<vmem_shared>>
      tpu.enqueue_dma source(%arg8 : memref<128x128xf32, #tpu.memory_space<vmem>>) target(%dma_start3A_96 : memref<128x128xf32, #tpu.memory_space<vmem_shared>>) target_semaphore(%run_scoped3A : memref<!tpu.dma_semaphore, #tpu.memory_space<semaphore_mem>>)
      %dma_wait3A_97 = arith.constant 0 : i32
      %dma_wait3A_98 = tpu.memref_slice %arg10[%add3A_10, %dma_wait3A_97] : memref<10240x128xf32, #tpu.memory_space<vmem_shared>> -> memref<128x128xf32, #tpu.memory_space<vmem_shared>>
      %dma_wait3A_99 = arith.constant 0 : i32
      %dma_wait3A_100 = tpu.memref_slice %arg10[%add3A_10, %dma_wait3A_99] : memref<10240x128xf32, #tpu.memory_space<vmem_shared>> -> memref<128x128xf32, #tpu.memory_space<vmem_shared>>
      tpu.wait_dma2 semaphore(%run_scoped3A : memref<!tpu.dma_semaphore, #tpu.memory_space<semaphore_mem>>) src(%arg8 : memref<128x128xf32, #tpu.memory_space<vmem>>) dst(%dma_wait3A_100 : memref<128x128xf32, #tpu.memory_space<vmem_shared>>)
      tpu.yield
    }) : () -> ()
    %mul3A_11 = arith.constant 640 : i32
    %mul3A_12 = arith.muli %arg1, %mul3A_11 : i32
    %add3A_13 = arith.constant 128 : i32
    %add3A_14 = arith.addi %mul3A_12, %add3A_13 : i32
    "tpu.region"() ({
      %run_scoped3A = tpu.sem_alloc : memref<!tpu.dma_semaphore, #tpu.memory_space<semaphore_mem>>
      %dma_start3A_93 = arith.constant 0 : i32
      %dma_start3A_94 = tpu.memref_slice %arg10[%add3A_14, %dma_start3A_93] : memref<10240x128xf32, #tpu.memory_space<vmem_shared>> -> memref<128x128xf32, #tpu.memory_space<vmem_shared>>
      %dma_start3A_95 = arith.constant 0 : i32
      %dma_start3A_96 = tpu.memref_slice %arg10[%add3A_14, %dma_start3A_95] : memref<10240x128xf32, #tpu.memory_space<vmem_shared>> -> memref<128x128xf32, #tpu.memory_space<vmem_shared>>
      tpu.enqueue_dma source(%arg8 : memref<128x128xf32, #tpu.memory_space<vmem>>) target(%dma_start3A_96 : memref<128x128xf32, #tpu.memory_space<vmem_shared>>) target_semaphore(%run_scoped3A : memref<!tpu.dma_semaphore, #tpu.memory_space<semaphore_mem>>)
      %dma_wait3A_97 = arith.constant 0 : i32
      %dma_wait3A_98 = tpu.memref_slice %arg10[%add3A_14, %dma_wait3A_97] : memref<10240x128xf32, #tpu.memory_space<vmem_shared>> -> memref<128x128xf32, #tpu.memory_space<vmem_shared>>
      %dma_wait3A_99 = arith.constant 0 : i32
      %dma_wait3A_100 = tpu.memref_slice %arg10[%add3A_14, %dma_wait3A_99] : memref<10240x128xf32, #tpu.memory_space<vmem_shared>> -> memref<128x128xf32, #tpu.memory_space<vmem_shared>>
      tpu.wait_dma2 semaphore(%run_scoped3A : memref<!tpu.dma_semaphore, #tpu.memory_space<semaphore_mem>>) src(%arg8 : memref<128x128xf32, #tpu.memory_space<vmem>>) dst(%dma_wait3A_100 : memref<128x128xf32, #tpu.memory_space<vmem_shared>>)
      tpu.yield
    }) : () -> ()
    %mul3A_15 = arith.constant 640 : i32
    %mul3A_16 = arith.muli %arg1, %mul3A_15 : i32
    %add3A_17 = arith.constant 256 : i32
    %add3A_18 = arith.addi %mul3A_16, %add3A_17 : i32
    "tpu.region"() ({
      %run_scoped3A = tpu.sem_alloc : memref<!tpu.dma_semaphore, #tpu.memory_space<semaphore_mem>>
      %dma_start3A_93 = arith.constant 0 : i32
      %dma_start3A_94 = tpu.memref_slice %arg10[%add3A_18, %dma_start3A_93] : memref<10240x128xf32, #tpu.memory_space<vmem_shared>> -> memref<128x128xf32, #tpu.memory_space<vmem_shared>>
      %dma_start3A_95 = arith.constant 0 : i32
      %dma_start3A_96 = tpu.memref_slice %arg10[%add3A_18, %dma_start3A_95] : memref<10240x128xf32, #tpu.memory_space<vmem_shared>> -> memref<128x128xf32, #tpu.memory_space<vmem_shared>>
      tpu.enqueue_dma source(%arg8 : memref<128x128xf32, #tpu.memory_space<vmem>>) target(%dma_start3A_96 : memref<128x128xf32, #tpu.memory_space<vmem_shared>>) target_semaphore(%run_scoped3A : memref<!tpu.dma_semaphore, #tpu.memory_space<semaphore_mem>>)
      %dma_wait3A_97 = arith.constant 0 : i32
      %dma_wait3A_98 = tpu.memref_slice %arg10[%add3A_18, %dma_wait3A_97] : memref<10240x128xf32, #tpu.memory_space<vmem_shared>> -> memref<128x128xf32, #tpu.memory_space<vmem_shared>>
      %dma_wait3A_99 = arith.constant 0 : i32
      %dma_wait3A_100 = tpu.memref_slice %arg10[%add3A_18, %dma_wait3A_99] : memref<10240x128xf32, #tpu.memory_space<vmem_shared>> -> memref<128x128xf32, #tpu.memory_space<vmem_shared>>
      tpu.wait_dma2 semaphore(%run_scoped3A : memref<!tpu.dma_semaphore, #tpu.memory_space<semaphore_mem>>) src(%arg8 : memref<128x128xf32, #tpu.memory_space<vmem>>) dst(%dma_wait3A_100 : memref<128x128xf32, #tpu.memory_space<vmem_shared>>)
      tpu.yield
    }) : () -> ()
    %mul3A_19 = arith.constant 640 : i32
    %mul3A_20 = arith.muli %arg1, %mul3A_19 : i32
    %add3A_21 = arith.constant 384 : i32
    %add3A_22 = arith.addi %mul3A_20, %add3A_21 : i32
    "tpu.region"() ({
      %run_scoped3A = tpu.sem_alloc : memref<!tpu.dma_semaphore, #tpu.memory_space<semaphore_mem>>
      %dma_start3A_93 = arith.constant 0 : i32
      %dma_start3A_94 = tpu.memref_slice %arg10[%add3A_22, %dma_start3A_93] : memref<10240x128xf32, #tpu.memory_space<vmem_shared>> -> memref<128x128xf32, #tpu.memory_space<vmem_shared>>
      %dma_start3A_95 = arith.constant 0 : i32
      %dma_start3A_96 = tpu.memref_slice %arg10[%add3A_22, %dma_start3A_95] : memref<10240x128xf32, #tpu.memory_space<vmem_shared>> -> memref<128x128xf32, #tpu.memory_space<vmem_shared>>
      tpu.enqueue_dma source(%arg8 : memref<128x128xf32, #tpu.memory_space<vmem>>) target(%dma_start3A_96 : memref<128x128xf32, #tpu.memory_space<vmem_shared>>) target_semaphore(%run_scoped3A : memref<!tpu.dma_semaphore, #tpu.memory_space<semaphore_mem>>)
      %dma_wait3A_97 = arith.constant 0 : i32
      %dma_wait3A_98 = tpu.memref_slice %arg10[%add3A_22, %dma_wait3A_97] : memref<10240x128xf32, #tpu.memory_space<vmem_shared>> -> memref<128x128xf32, #tpu.memory_space<vmem_shared>>
      %dma_wait3A_99 = arith.constant 0 : i32
      %dma_wait3A_100 = tpu.memref_slice %arg10[%add3A_22, %dma_wait3A_99] : memref<10240x128xf32, #tpu.memory_space<vmem_shared>> -> memref<128x128xf32, #tpu.memory_space<vmem_shared>>
      tpu.wait_dma2 semaphore(%run_scoped3A : memref<!tpu.dma_semaphore, #tpu.memory_space<semaphore_mem>>) src(%arg8 : memref<128x128xf32, #tpu.memory_space<vmem>>) dst(%dma_wait3A_100 : memref<128x128xf32, #tpu.memory_space<vmem_shared>>)
      tpu.yield
    }) : () -> ()
    %mul3A_23 = arith.constant 640 : i32
    %mul3A_24 = arith.muli %arg1, %mul3A_23 : i32
    %add3A_25 = arith.constant 512 : i32
    %add3A_26 = arith.addi %mul3A_24, %add3A_25 : i32
    "tpu.region"() ({
      %run_scoped3A = tpu.sem_alloc : memref<!tpu.dma_semaphore, #tpu.memory_space<semaphore_mem>>
      %dma_start3A_93 = arith.constant 0 : i32
      %dma_start3A_94 = tpu.memref_slice %arg10[%add3A_26, %dma_start3A_93] : memref<10240x128xf32, #tpu.memory_space<vmem_shared>> -> memref<128x128xf32, #tpu.memory_space<vmem_shared>>
      %dma_start3A_95 = arith.constant 0 : i32
      %dma_start3A_96 = tpu.memref_slice %arg10[%add3A_26, %dma_start3A_95] : memref<10240x128xf32, #tpu.memory_space<vmem_shared>> -> memref<128x128xf32, #tpu.memory_space<vmem_shared>>
      tpu.enqueue_dma source(%arg8 : memref<128x128xf32, #tpu.memory_space<vmem>>) target(%dma_start3A_96 : memref<128x128xf32, #tpu.memory_space<vmem_shared>>) target_semaphore(%run_scoped3A : memref<!tpu.dma_semaphore, #tpu.memory_space<semaphore_mem>>)
      %dma_wait3A_97 = arith.constant 0 : i32
      %dma_wait3A_98 = tpu.memref_slice %arg10[%add3A_26, %dma_wait3A_97] : memref<10240x128xf32, #tpu.memory_space<vmem_shared>> -> memref<128x128xf32, #tpu.memory_space<vmem_shared>>
      %dma_wait3A_99 = arith.constant 0 : i32
      %dma_wait3A_100 = tpu.memref_slice %arg10[%add3A_26, %dma_wait3A_99] : memref<10240x128xf32, #tpu.memory_space<vmem_shared>> -> memref<128x128xf32, #tpu.memory_space<vmem_shared>>
      tpu.wait_dma2 semaphore(%run_scoped3A : memref<!tpu.dma_semaphore, #tpu.memory_space<semaphore_mem>>) src(%arg8 : memref<128x128xf32, #tpu.memory_space<vmem>>) dst(%dma_wait3A_100 : memref<128x128xf32, #tpu.memory_space<vmem_shared>>)
      tpu.yield
    }) : () -> ()
    %barrier3A = arith.constant 0 : index
    tpu.barrier barrier_id(%barrier3A)
    %mul3A_27 = arith.constant 78 : i32
    %mul3A_28 = arith.muli %add3A, %mul3A_27 : i32
    %min3A = arith.constant 4 : i32
    %min3A_29 = arith.minsi %add3A, %min3A : i32
    %add3A_30 = arith.addi %mul3A_28, %min3A_29 : i32
    %lt3A = arith.constant 4 : i32
    %lt3A_31 = arith.cmpi slt, %add3A, %lt3A : i32
    %jit3A = arith.constant 79 : i32
    %jit3A_32 = arith.constant 78 : i32
    %select_n3A = arith.select %lt3A_31, %jit3A, %jit3A_32 : i32
    "tpu.region"() ({
      %run_scoped3A = tpu.sem_alloc : memref<!tpu.dma_semaphore, #tpu.memory_space<semaphore_mem>>
      %dma_start3A_93 = arith.constant 0 : i32
      %dma_start3A_94 = tpu.memref_slice %arg3[%add3A_30, %dma_start3A_93] : memref<2504x128xi32, #tpu.memory_space<hbm>> -> memref<79x128xi32, #tpu.memory_space<hbm>>
      %dma_start3A_95 = arith.constant 0 : i32
      %dma_start3A_96 = tpu.memref_slice %arg3[%add3A_30, %dma_start3A_95] : memref<2504x128xi32, #tpu.memory_space<hbm>> -> memref<79x128xi32, #tpu.memory_space<hbm>>
      tpu.enqueue_dma source(%dma_start3A_96 : memref<79x128xi32, #tpu.memory_space<hbm>>) target(%arg6 : memref<79x128xi32, #tpu.memory_space<vmem>>) target_semaphore(%run_scoped3A : memref<!tpu.dma_semaphore, #tpu.memory_space<semaphore_mem>>)
      %dma_wait3A_97 = arith.constant 0 : i32
      %dma_wait3A_98 = tpu.memref_slice %arg3[%add3A_30, %dma_wait3A_97] : memref<2504x128xi32, #tpu.memory_space<hbm>> -> memref<79x128xi32, #tpu.memory_space<hbm>>
      %dma_wait3A_99 = arith.constant 0 : i32
      %dma_wait3A_100 = tpu.memref_slice %arg3[%add3A_30, %dma_wait3A_99] : memref<2504x128xi32, #tpu.memory_space<hbm>> -> memref<79x128xi32, #tpu.memory_space<hbm>>
      tpu.wait_dma2 semaphore(%run_scoped3A : memref<!tpu.dma_semaphore, #tpu.memory_space<semaphore_mem>>) src(%dma_wait3A_100 : memref<79x128xi32, #tpu.memory_space<hbm>>) dst(%arg6 : memref<79x128xi32, #tpu.memory_space<vmem>>)
      tpu.yield
    }) : () -> ()
    %dma_start3A = arith.constant 0 : i32
    %dma_start3A_33 = arith.constant 0 : i32
    %dma_start3A_34 = arith.constant 0 : i32
    %dma_start3A_35 = tpu.memref_slice %arg6[%dma_start3A, %dma_start3A_34] : memref<79x128xi32, #tpu.memory_space<vmem>> -> memref<1x128xi32, #tpu.memory_space<vmem>>
    %dma_start3A_36 = tpu.memref_squeeze %dma_start3A_35 : memref<1x128xi32, #tpu.memory_space<vmem>> -> memref<128xi32, #tpu.memory_space<vmem>>
    %dma_start3A_37 = arith.constant 0 : i32
    %dma_start3A_38 = arith.constant 0 : i32
    %dma_start3A_39 = tpu.memref_slice %arg2[%dma_start3A_37, %dma_start3A_38] : memref<10240x128xf32, #tpu.memory_space<hbm>> -> memref<10240x128xf32, #tpu.memory_space<hbm>>
    %dma_start3A_40 = tpu.memref_slice %arg11[%dma_start3A_33] : memref<2x!tpu.dma_semaphore, #tpu.memory_space<semaphore_mem>> -> memref<1x!tpu.dma_semaphore, #tpu.memory_space<semaphore_mem>>
    %dma_start3A_41 = tpu.memref_squeeze %dma_start3A_40 : memref<1x!tpu.dma_semaphore, #tpu.memory_space<semaphore_mem>> -> memref<!tpu.dma_semaphore, #tpu.memory_space<semaphore_mem>>
    tpu.enqueue_indirect_dma source(%dma_start3A_39 : memref<10240x128xf32, #tpu.memory_space<hbm>>) target(%arg8 : memref<128x128xf32, #tpu.memory_space<vmem>>) offsets(%dma_start3A_36 : memref<128xi32, #tpu.memory_space<vmem>>) semaphore(%dma_start3A_41 : memref<!tpu.dma_semaphore, #tpu.memory_space<semaphore_mem>>)
    %scan3A_42 = arith.constant 0 : i32
    %scan3A_43 = arith.constant 0 : i32
    %scan3A_44 = arith.constant 38 : i32
    %scan3A_45 = arith.addi %scan3A_43, %scan3A_44 : i32
    %scan3A_46 = arith.constant 1 : i32
    %scan3A_47 = scf.for %scan3A_93 = %scan3A_43 to %scan3A_45 step %scan3A_46 iter_args(%scan3A_94 = %scan3A_42) -> (i32)  : i32 {
      %mul3A_95 = arith.constant 2 : i32
      %mul3A_96 = arith.muli %mul3A_95, %scan3A_93 : i32
      %add3A_97 = arith.constant 0 : i32
      %add3A_98 = arith.addi %mul3A_96, %add3A_97 : i32
      %add3A_99 = arith.constant 2 : i32
      %add3A_100 = arith.addi %add3A_98, %add3A_99 : i32
      %sub3A = arith.constant 1 : i32
      %sub3A_101 = arith.subi %add3A_100, %sub3A : i32
      %dma_start3A_102 = arith.constant 1 : i32
      %dma_start3A_103 = arith.constant 0 : i32
      %dma_start3A_104 = tpu.memref_slice %arg6[%sub3A_101, %dma_start3A_103] : memref<79x128xi32, #tpu.memory_space<vmem>> -> memref<1x128xi32, #tpu.memory_space<vmem>>
      %dma_start3A_105 = tpu.memref_squeeze %dma_start3A_104 : memref<1x128xi32, #tpu.memory_space<vmem>> -> memref<128xi32, #tpu.memory_space<vmem>>
      %dma_start3A_106 = arith.constant 0 : i32
      %dma_start3A_107 = arith.constant 0 : i32
      %dma_start3A_108 = tpu.memref_slice %arg2[%dma_start3A_106, %dma_start3A_107] : memref<10240x128xf32, #tpu.memory_space<hbm>> -> memref<10240x128xf32, #tpu.memory_space<hbm>>
      %dma_start3A_109 = tpu.memref_slice %arg11[%dma_start3A_102] : memref<2x!tpu.dma_semaphore, #tpu.memory_space<semaphore_mem>> -> memref<1x!tpu.dma_semaphore, #tpu.memory_space<semaphore_mem>>
      %dma_start3A_110 = tpu.memref_squeeze %dma_start3A_109 : memref<1x!tpu.dma_semaphore, #tpu.memory_space<semaphore_mem>> -> memref<!tpu.dma_semaphore, #tpu.memory_space<semaphore_mem>>
      tpu.enqueue_indirect_dma source(%dma_start3A_108 : memref<10240x128xf32, #tpu.memory_space<hbm>>) target(%arg9 : memref<128x128xf32, #tpu.memory_space<vmem>>) offsets(%dma_start3A_105 : memref<128xi32, #tpu.memory_space<vmem>>) semaphore(%dma_start3A_110 : memref<!tpu.dma_semaphore, #tpu.memory_space<semaphore_mem>>)
      %add3A_111 = arith.addi %add3A_30, %add3A_98 : i32
      %mul3A_112 = arith.constant 128 : i32
      %mul3A_113 = arith.muli %add3A_111, %mul3A_112 : i32
      "tpu.region"() ({
        %run_scoped3A = tpu.sem_alloc : memref<!tpu.dma_semaphore, #tpu.memory_space<semaphore_mem>>
        %dma_start3A_153 = tpu.memref_slice %arg4[%mul3A_113] : memref<320000xi32, #tpu.memory_space<hbm>> -> memref<128xi32, #tpu.memory_space<hbm>>
        %dma_start3A_154 = tpu.memref_slice %arg4[%mul3A_113] : memref<320000xi32, #tpu.memory_space<hbm>> -> memref<128xi32, #tpu.memory_space<hbm>>
        tpu.enqueue_dma source(%dma_start3A_154 : memref<128xi32, #tpu.memory_space<hbm>>) target(%arg7 : memref<128xi32, #tpu.memory_space<vmem>>) target_semaphore(%run_scoped3A : memref<!tpu.dma_semaphore, #tpu.memory_space<semaphore_mem>>)
        %dma_wait3A_155 = tpu.memref_slice %arg4[%mul3A_113] : memref<320000xi32, #tpu.memory_space<hbm>> -> memref<128xi32, #tpu.memory_space<hbm>>
        %dma_wait3A_156 = tpu.memref_slice %arg4[%mul3A_113] : memref<320000xi32, #tpu.memory_space<hbm>> -> memref<128xi32, #tpu.memory_space<hbm>>
        tpu.wait_dma2 semaphore(%run_scoped3A : memref<!tpu.dma_semaphore, #tpu.memory_space<semaphore_mem>>) src(%dma_wait3A_156 : memref<128xi32, #tpu.memory_space<hbm>>) dst(%arg7 : memref<128xi32, #tpu.memory_space<vmem>>)
        tpu.yield
      }) : () -> ()
      %dma_wait3A_114 = arith.constant 0 : i32
      %dma_wait3A_115 = arith.constant 0 : i32
      %dma_wait3A_116 = arith.constant 0 : i32
      %dma_wait3A_117 = tpu.memref_slice %arg6[%dma_wait3A_114, %dma_wait3A_116] : memref<79x128xi32, #tpu.memory_space<vmem>> -> memref<1x128xi32, #tpu.memory_space<vmem>>
      %dma_wait3A_118 = tpu.memref_squeeze %dma_wait3A_117 : memref<1x128xi32, #tpu.memory_space<vmem>> -> memref<128xi32, #tpu.memory_space<vmem>>
      %dma_wait3A_119 = arith.constant 0 : i32
      %dma_wait3A_120 = arith.constant 0 : i32
      %dma_wait3A_121 = tpu.memref_slice %arg2[%dma_wait3A_119, %dma_wait3A_120] : memref<10240x128xf32, #tpu.memory_space<hbm>> -> memref<10240x128xf32, #tpu.memory_space<hbm>>
      %dma_wait3A_122 = tpu.memref_slice %arg11[%dma_wait3A_115] : memref<2x!tpu.dma_semaphore, #tpu.memory_space<semaphore_mem>> -> memref<1x!tpu.dma_semaphore, #tpu.memory_space<semaphore_mem>>
      %dma_wait3A_123 = tpu.memref_squeeze %dma_wait3A_122 : memref<1x!tpu.dma_semaphore, #tpu.memory_space<semaphore_mem>> -> memref<!tpu.dma_semaphore, #tpu.memory_space<semaphore_mem>>
      tpu.wait_indirect_dma semaphore(%dma_wait3A_123 : memref<!tpu.dma_semaphore, #tpu.memory_space<semaphore_mem>>) src(%dma_wait3A_121 : memref<10240x128xf32, #tpu.memory_space<hbm>>) dst(%arg8 : memref<128x128xf32, #tpu.memory_space<vmem>>)
      "tpu.region"() ({
        %run_scoped3A = tpu.sem_alloc : memref<!tpu.dma_semaphore, #tpu.memory_space<semaphore_mem>>
        %dma_start3A_153 = arith.constant 0 : i32
        %dma_start3A_154 = arith.constant 0 : i32
        %dma_start3A_155 = tpu.memref_slice %arg10[%dma_start3A_153, %dma_start3A_154] : memref<10240x128xf32, #tpu.memory_space<vmem_shared>> -> memref<10240x128xf32, #tpu.memory_space<vmem_shared>>
        tpu.enqueue_indirect_dma source(%arg8 : memref<128x128xf32, #tpu.memory_space<vmem>>) target(%dma_start3A_155 : memref<10240x128xf32, #tpu.memory_space<vmem_shared>>) offsets(%arg7 : memref<128xi32, #tpu.memory_space<vmem>>) semaphore(%run_scoped3A : memref<!tpu.dma_semaphore, #tpu.memory_space<semaphore_mem>>) {add = true}
        %dma_wait3A_156 = arith.constant 0 : i32
        %dma_wait3A_157 = arith.constant 0 : i32
        %dma_wait3A_158 = tpu.memref_slice %arg10[%dma_wait3A_156, %dma_wait3A_157] : memref<10240x128xf32, #tpu.memory_space<vmem_shared>> -> memref<10240x128xf32, #tpu.memory_space<vmem_shared>>
        tpu.wait_indirect_dma semaphore(%run_scoped3A : memref<!tpu.dma_semaphore, #tpu.memory_space<semaphore_mem>>) src(%arg8 : memref<128x128xf32, #tpu.memory_space<vmem>>) dst(%dma_wait3A_158 : memref<10240x128xf32, #tpu.memory_space<vmem_shared>>)
        tpu.yield
      }) : () -> ()
      %add3A_124 = arith.constant 1 : i32
      %add3A_125 = arith.addi %mul3A_96, %add3A_124 : i32
      %add3A_126 = arith.constant 2 : i32
      %add3A_127 = arith.addi %add3A_125, %add3A_126 : i32
      %sub3A_128 = arith.constant 1 : i32
      %sub3A_129 = arith.subi %add3A_127, %sub3A_128 : i32
      %dma_start3A_130 = arith.constant 0 : i32
      %dma_start3A_131 = arith.constant 0 : i32
      %dma_start3A_132 = tpu.memref_slice %arg6[%sub3A_129, %dma_start3A_131] : memref<79x128xi32, #tpu.memory_space<vmem>> -> memref<1x128xi32, #tpu.memory_space<vmem>>
      %dma_start3A_133 = tpu.memref_squeeze %dma_start3A_132 : memref<1x128xi32, #tpu.memory_space<vmem>> -> memref<128xi32, #tpu.memory_space<vmem>>
      %dma_start3A_134 = arith.constant 0 : i32
      %dma_start3A_135 = arith.constant 0 : i32
      %dma_start3A_136 = tpu.memref_slice %arg2[%dma_start3A_134, %dma_start3A_135] : memref<10240x128xf32, #tpu.memory_space<hbm>> -> memref<10240x128xf32, #tpu.memory_space<hbm>>
      %dma_start3A_137 = tpu.memref_slice %arg11[%dma_start3A_130] : memref<2x!tpu.dma_semaphore, #tpu.memory_space<semaphore_mem>> -> memref<1x!tpu.dma_semaphore, #tpu.memory_space<semaphore_mem>>
      %dma_start3A_138 = tpu.memref_squeeze %dma_start3A_137 : memref<1x!tpu.dma_semaphore, #tpu.memory_space<semaphore_mem>> -> memref<!tpu.dma_semaphore, #tpu.memory_space<semaphore_mem>>
      tpu.enqueue_indirect_dma source(%dma_start3A_136 : memref<10240x128xf32, #tpu.memory_space<hbm>>) target(%arg8 : memref<128x128xf32, #tpu.memory_space<vmem>>) offsets(%dma_start3A_133 : memref<128xi32, #tpu.memory_space<vmem>>) semaphore(%dma_start3A_138 : memref<!tpu.dma_semaphore, #tpu.memory_space<semaphore_mem>>)
      %add3A_139 = arith.addi %add3A_30, %add3A_125 : i32
      %mul3A_140 = arith.constant 128 : i32
      %mul3A_141 = arith.muli %add3A_139, %mul3A_140 : i32
      "tpu.region"() ({
        %run_scoped3A = tpu.sem_alloc : memref<!tpu.dma_semaphore, #tpu.memory_space<semaphore_mem>>
        %dma_start3A_153 = tpu.memref_slice %arg4[%mul3A_141] : memref<320000xi32, #tpu.memory_space<hbm>> -> memref<128xi32, #tpu.memory_space<hbm>>
        %dma_start3A_154 = tpu.memref_slice %arg4[%mul3A_141] : memref<320000xi32, #tpu.memory_space<hbm>> -> memref<128xi32, #tpu.memory_space<hbm>>
        tpu.enqueue_dma source(%dma_start3A_154 : memref<128xi32, #tpu.memory_space<hbm>>) target(%arg7 : memref<128xi32, #tpu.memory_space<vmem>>) target_semaphore(%run_scoped3A : memref<!tpu.dma_semaphore, #tpu.memory_space<semaphore_mem>>)
        %dma_wait3A_155 = tpu.memref_slice %arg4[%mul3A_141] : memref<320000xi32, #tpu.memory_space<hbm>> -> memref<128xi32, #tpu.memory_space<hbm>>
        %dma_wait3A_156 = tpu.memref_slice %arg4[%mul3A_141] : memref<320000xi32, #tpu.memory_space<hbm>> -> memref<128xi32, #tpu.memory_space<hbm>>
        tpu.wait_dma2 semaphore(%run_scoped3A : memref<!tpu.dma_semaphore, #tpu.memory_space<semaphore_mem>>) src(%dma_wait3A_156 : memref<128xi32, #tpu.memory_space<hbm>>) dst(%arg7 : memref<128xi32, #tpu.memory_space<vmem>>)
        tpu.yield
      }) : () -> ()
      %dma_wait3A_142 = arith.constant 0 : i32
      %dma_wait3A_143 = arith.constant 1 : i32
      %dma_wait3A_144 = arith.constant 0 : i32
      %dma_wait3A_145 = tpu.memref_slice %arg6[%dma_wait3A_142, %dma_wait3A_144] : memref<79x128xi32, #tpu.memory_space<vmem>> -> memref<1x128xi32, #tpu.memory_space<vmem>>
      %dma_wait3A_146 = tpu.memref_squeeze %dma_wait3A_145 : memref<1x128xi32, #tpu.memory_space<vmem>> -> memref<128xi32, #tpu.memory_space<vmem>>
      %dma_wait3A_147 = arith.constant 0 : i32
      %dma_wait3A_148 = arith.constant 0 : i32
      %dma_wait3A_149 = tpu.memref_slice %arg2[%dma_wait3A_147, %dma_wait3A_148] : memref<10240x128xf32, #tpu.memory_space<hbm>> -> memref<10240x128xf32, #tpu.memory_space<hbm>>
      %dma_wait3A_150 = tpu.memref_slice %arg11[%dma_wait3A_143] : memref<2x!tpu.dma_semaphore, #tpu.memory_space<semaphore_mem>> -> memref<1x!tpu.dma_semaphore, #tpu.memory_space<semaphore_mem>>
      %dma_wait3A_151 = tpu.memref_squeeze %dma_wait3A_150 : memref<1x!tpu.dma_semaphore, #tpu.memory_space<semaphore_mem>> -> memref<!tpu.dma_semaphore, #tpu.memory_space<semaphore_mem>>
      tpu.wait_indirect_dma semaphore(%dma_wait3A_151 : memref<!tpu.dma_semaphore, #tpu.memory_space<semaphore_mem>>) src(%dma_wait3A_149 : memref<10240x128xf32, #tpu.memory_space<hbm>>) dst(%arg9 : memref<128x128xf32, #tpu.memory_space<vmem>>)
      "tpu.region"() ({
        %run_scoped3A = tpu.sem_alloc : memref<!tpu.dma_semaphore, #tpu.memory_space<semaphore_mem>>
        %dma_start3A_153 = arith.constant 0 : i32
        %dma_start3A_154 = arith.constant 0 : i32
        %dma_start3A_155 = tpu.memref_slice %arg10[%dma_start3A_153, %dma_start3A_154] : memref<10240x128xf32, #tpu.memory_space<vmem_shared>> -> memref<10240x128xf32, #tpu.memory_space<vmem_shared>>
        tpu.enqueue_indirect_dma source(%arg9 : memref<128x128xf32, #tpu.memory_space<vmem>>) target(%dma_start3A_155 : memref<10240x128xf32, #tpu.memory_space<vmem_shared>>) offsets(%arg7 : memref<128xi32, #tpu.memory_space<vmem>>) semaphore(%run_scoped3A : memref<!tpu.dma_semaphore, #tpu.memory_space<semaphore_mem>>) {add = true}
        %dma_wait3A_156 = arith.constant 0 : i32
        %dma_wait3A_157 = arith.constant 0 : i32
        %dma_wait3A_158 = tpu.memref_slice %arg10[%dma_wait3A_156, %dma_wait3A_157] : memref<10240x128xf32, #tpu.memory_space<vmem_shared>> -> memref<10240x128xf32, #tpu.memory_space<vmem_shared>>
        tpu.wait_indirect_dma semaphore(%run_scoped3A : memref<!tpu.dma_semaphore, #tpu.memory_space<semaphore_mem>>) src(%arg9 : memref<128x128xf32, #tpu.memory_space<vmem>>) dst(%dma_wait3A_158 : memref<10240x128xf32, #tpu.memory_space<vmem_shared>>)
        tpu.yield
      }) : () -> ()
      %scan3A_152 = arith.constant 0 : i32
      scf.yield %scan3A_152 : i32
    }
    %scan3A_48 = arith.constant 38 : i32
    %gt3A = arith.constant 77 : i32
    %gt3A_49 = arith.cmpi sgt, %select_n3A, %gt3A : i32
    %convert_element_type3A = arith.extui %gt3A_49 : i1 to i32
    %cond3A = arith.constant 0 : i32
    %cond3A_50 = arith.cmpi ne, %convert_element_type3A, %cond3A : i32
    scf.if %cond3A_50 {
      %dma_start3A_93 = arith.constant 77 : i32
      %dma_start3A_94 = arith.constant 1 : i32
      %dma_start3A_95 = arith.constant 0 : i32
      %dma_start3A_96 = tpu.memref_slice %arg6[%dma_start3A_93, %dma_start3A_95] : memref<79x128xi32, #tpu.memory_space<vmem>> -> memref<1x128xi32, #tpu.memory_space<vmem>>
      %dma_start3A_97 = tpu.memref_squeeze %dma_start3A_96 : memref<1x128xi32, #tpu.memory_space<vmem>> -> memref<128xi32, #tpu.memory_space<vmem>>
      %dma_start3A_98 = arith.constant 0 : i32
      %dma_start3A_99 = arith.constant 0 : i32
      %dma_start3A_100 = tpu.memref_slice %arg2[%dma_start3A_98, %dma_start3A_99] : memref<10240x128xf32, #tpu.memory_space<hbm>> -> memref<10240x128xf32, #tpu.memory_space<hbm>>
      %dma_start3A_101 = tpu.memref_slice %arg11[%dma_start3A_94] : memref<2x!tpu.dma_semaphore, #tpu.memory_space<semaphore_mem>> -> memref<1x!tpu.dma_semaphore, #tpu.memory_space<semaphore_mem>>
      %dma_start3A_102 = tpu.memref_squeeze %dma_start3A_101 : memref<1x!tpu.dma_semaphore, #tpu.memory_space<semaphore_mem>> -> memref<!tpu.dma_semaphore, #tpu.memory_space<semaphore_mem>>
      tpu.enqueue_indirect_dma source(%dma_start3A_100 : memref<10240x128xf32, #tpu.memory_space<hbm>>) target(%arg9 : memref<128x128xf32, #tpu.memory_space<vmem>>) offsets(%dma_start3A_97 : memref<128xi32, #tpu.memory_space<vmem>>) semaphore(%dma_start3A_102 : memref<!tpu.dma_semaphore, #tpu.memory_space<semaphore_mem>>)
    } else {
    }
    %add3A_51 = arith.constant 76 : i32
    %add3A_52 = arith.addi %add3A_30, %add3A_51 : i32
    %mul3A_53 = arith.constant 128 : i32
    %mul3A_54 = arith.muli %add3A_52, %mul3A_53 : i32
    "tpu.region"() ({
      %run_scoped3A = tpu.sem_alloc : memref<!tpu.dma_semaphore, #tpu.memory_space<semaphore_mem>>
      %dma_start3A_93 = tpu.memref_slice %arg4[%mul3A_54] : memref<320000xi32, #tpu.memory_space<hbm>> -> memref<128xi32, #tpu.memory_space<hbm>>
      %dma_start3A_94 = tpu.memref_slice %arg4[%mul3A_54] : memref<320000xi32, #tpu.memory_space<hbm>> -> memref<128xi32, #tpu.memory_space<hbm>>
      tpu.enqueue_dma source(%dma_start3A_94 : memref<128xi32, #tpu.memory_space<hbm>>) target(%arg7 : memref<128xi32, #tpu.memory_space<vmem>>) target_semaphore(%run_scoped3A : memref<!tpu.dma_semaphore, #tpu.memory_space<semaphore_mem>>)
      %dma_wait3A_95 = tpu.memref_slice %arg4[%mul3A_54] : memref<320000xi32, #tpu.memory_space<hbm>> -> memref<128xi32, #tpu.memory_space<hbm>>
      %dma_wait3A_96 = tpu.memref_slice %arg4[%mul3A_54] : memref<320000xi32, #tpu.memory_space<hbm>> -> memref<128xi32, #tpu.memory_space<hbm>>
      tpu.wait_dma2 semaphore(%run_scoped3A : memref<!tpu.dma_semaphore, #tpu.memory_space<semaphore_mem>>) src(%dma_wait3A_96 : memref<128xi32, #tpu.memory_space<hbm>>) dst(%arg7 : memref<128xi32, #tpu.memory_space<vmem>>)
      tpu.yield
    }) : () -> ()
    %dma_wait3A = arith.constant 0 : i32
    %dma_wait3A_55 = arith.constant 0 : i32
    %dma_wait3A_56 = arith.constant 0 : i32
    %dma_wait3A_57 = tpu.memref_slice %arg6[%dma_wait3A, %dma_wait3A_56] : memref<79x128xi32, #tpu.memory_space<vmem>> -> memref<1x128xi32, #tpu.memory_space<vmem>>
    %dma_wait3A_58 = tpu.memref_squeeze %dma_wait3A_57 : memref<1x128xi32, #tpu.memory_space<vmem>> -> memref<128xi32, #tpu.memory_space<vmem>>
    %dma_wait3A_59 = arith.constant 0 : i32
    %dma_wait3A_60 = arith.constant 0 : i32
    %dma_wait3A_61 = tpu.memref_slice %arg2[%dma_wait3A_59, %dma_wait3A_60] : memref<10240x128xf32, #tpu.memory_space<hbm>> -> memref<10240x128xf32, #tpu.memory_space<hbm>>
    %dma_wait3A_62 = tpu.memref_slice %arg11[%dma_wait3A_55] : memref<2x!tpu.dma_semaphore, #tpu.memory_space<semaphore_mem>> -> memref<1x!tpu.dma_semaphore, #tpu.memory_space<semaphore_mem>>
    %dma_wait3A_63 = tpu.memref_squeeze %dma_wait3A_62 : memref<1x!tpu.dma_semaphore, #tpu.memory_space<semaphore_mem>> -> memref<!tpu.dma_semaphore, #tpu.memory_space<semaphore_mem>>
    tpu.wait_indirect_dma semaphore(%dma_wait3A_63 : memref<!tpu.dma_semaphore, #tpu.memory_space<semaphore_mem>>) src(%dma_wait3A_61 : memref<10240x128xf32, #tpu.memory_space<hbm>>) dst(%arg8 : memref<128x128xf32, #tpu.memory_space<vmem>>)
    "tpu.region"() ({
      %run_scoped3A = tpu.sem_alloc : memref<!tpu.dma_semaphore, #tpu.memory_space<semaphore_mem>>
      %dma_start3A_93 = arith.constant 0 : i32
      %dma_start3A_94 = arith.constant 0 : i32
      %dma_start3A_95 = tpu.memref_slice %arg10[%dma_start3A_93, %dma_start3A_94] : memref<10240x128xf32, #tpu.memory_space<vmem_shared>> -> memref<10240x128xf32, #tpu.memory_space<vmem_shared>>
      tpu.enqueue_indirect_dma source(%arg8 : memref<128x128xf32, #tpu.memory_space<vmem>>) target(%dma_start3A_95 : memref<10240x128xf32, #tpu.memory_space<vmem_shared>>) offsets(%arg7 : memref<128xi32, #tpu.memory_space<vmem>>) semaphore(%run_scoped3A : memref<!tpu.dma_semaphore, #tpu.memory_space<semaphore_mem>>) {add = true}
      %dma_wait3A_96 = arith.constant 0 : i32
      %dma_wait3A_97 = arith.constant 0 : i32
      %dma_wait3A_98 = tpu.memref_slice %arg10[%dma_wait3A_96, %dma_wait3A_97] : memref<10240x128xf32, #tpu.memory_space<vmem_shared>> -> memref<10240x128xf32, #tpu.memory_space<vmem_shared>>
      tpu.wait_indirect_dma semaphore(%run_scoped3A : memref<!tpu.dma_semaphore, #tpu.memory_space<semaphore_mem>>) src(%arg8 : memref<128x128xf32, #tpu.memory_space<vmem>>) dst(%dma_wait3A_98 : memref<10240x128xf32, #tpu.memory_space<vmem_shared>>)
      tpu.yield
    }) : () -> ()
    %gt3A_64 = arith.constant 78 : i32
    %gt3A_65 = arith.cmpi sgt, %select_n3A, %gt3A_64 : i32
    %convert_element_type3A_66 = arith.extui %gt3A_65 : i1 to i32
    %cond3A_67 = arith.constant 0 : i32
    %cond3A_68 = arith.cmpi ne, %convert_element_type3A_66, %cond3A_67 : i32
    scf.if %cond3A_68 {
      %dma_start3A_93 = arith.constant 78 : i32
      %dma_start3A_94 = arith.constant 0 : i32
      %dma_start3A_95 = arith.constant 0 : i32
      %dma_start3A_96 = tpu.memref_slice %arg6[%dma_start3A_93, %dma_start3A_95] : memref<79x128xi32, #tpu.memory_space<vmem>> -> memref<1x128xi32, #tpu.memory_space<vmem>>
      %dma_start3A_97 = tpu.memref_squeeze %dma_start3A_96 : memref<1x128xi32, #tpu.memory_space<vmem>> -> memref<128xi32, #tpu.memory_space<vmem>>
      %dma_start3A_98 = arith.constant 0 : i32
      %dma_start3A_99 = arith.constant 0 : i32
      %dma_start3A_100 = tpu.memref_slice %arg2[%dma_start3A_98, %dma_start3A_99] : memref<10240x128xf32, #tpu.memory_space<hbm>> -> memref<10240x128xf32, #tpu.memory_space<hbm>>
      %dma_start3A_101 = tpu.memref_slice %arg11[%dma_start3A_94] : memref<2x!tpu.dma_semaphore, #tpu.memory_space<semaphore_mem>> -> memref<1x!tpu.dma_semaphore, #tpu.memory_space<semaphore_mem>>
      %dma_start3A_102 = tpu.memref_squeeze %dma_start3A_101 : memref<1x!tpu.dma_semaphore, #tpu.memory_space<semaphore_mem>> -> memref<!tpu.dma_semaphore, #tpu.memory_space<semaphore_mem>>
      tpu.enqueue_indirect_dma source(%dma_start3A_100 : memref<10240x128xf32, #tpu.memory_space<hbm>>) target(%arg8 : memref<128x128xf32, #tpu.memory_space<vmem>>) offsets(%dma_start3A_97 : memref<128xi32, #tpu.memory_space<vmem>>) semaphore(%dma_start3A_102 : memref<!tpu.dma_semaphore, #tpu.memory_space<semaphore_mem>>)
    } else {
    }
    %add3A_69 = arith.constant 77 : i32
    %add3A_70 = arith.addi %add3A_30, %add3A_69 : i32
    %mul3A_71 = arith.constant 128 : i32
    %mul3A_72 = arith.muli %add3A_70, %mul3A_71 : i32
    "tpu.region"() ({
      %run_scoped3A = tpu.sem_alloc : memref<!tpu.dma_semaphore, #tpu.memory_space<semaphore_mem>>
      %dma_start3A_93 = tpu.memref_slice %arg4[%mul3A_72] : memref<320000xi32, #tpu.memory_space<hbm>> -> memref<128xi32, #tpu.memory_space<hbm>>
      %dma_start3A_94 = tpu.memref_slice %arg4[%mul3A_72] : memref<320000xi32, #tpu.memory_space<hbm>> -> memref<128xi32, #tpu.memory_space<hbm>>
      tpu.enqueue_dma source(%dma_start3A_94 : memref<128xi32, #tpu.memory_space<hbm>>) target(%arg7 : memref<128xi32, #tpu.memory_space<vmem>>) target_semaphore(%run_scoped3A : memref<!tpu.dma_semaphore, #tpu.memory_space<semaphore_mem>>)
      %dma_wait3A_95 = tpu.memref_slice %arg4[%mul3A_72] : memref<320000xi32, #tpu.memory_space<hbm>> -> memref<128xi32, #tpu.memory_space<hbm>>
      %dma_wait3A_96 = tpu.memref_slice %arg4[%mul3A_72] : memref<320000xi32, #tpu.memory_space<hbm>> -> memref<128xi32, #tpu.memory_space<hbm>>
      tpu.wait_dma2 semaphore(%run_scoped3A : memref<!tpu.dma_semaphore, #tpu.memory_space<semaphore_mem>>) src(%dma_wait3A_96 : memref<128xi32, #tpu.memory_space<hbm>>) dst(%arg7 : memref<128xi32, #tpu.memory_space<vmem>>)
      tpu.yield
    }) : () -> ()
    %dma_wait3A_73 = arith.constant 0 : i32
    %dma_wait3A_74 = arith.constant 1 : i32
    %dma_wait3A_75 = arith.constant 0 : i32
    %dma_wait3A_76 = tpu.memref_slice %arg6[%dma_wait3A_73, %dma_wait3A_75] : memref<79x128xi32, #tpu.memory_space<vmem>> -> memref<1x128xi32, #tpu.memory_space<vmem>>
    %dma_wait3A_77 = tpu.memref_squeeze %dma_wait3A_76 : memref<1x128xi32, #tpu.memory_space<vmem>> -> memref<128xi32, #tpu.memory_space<vmem>>
    %dma_wait3A_78 = arith.constant 0 : i32
    %dma_wait3A_79 = arith.constant 0 : i32
    %dma_wait3A_80 = tpu.memref_slice %arg2[%dma_wait3A_78, %dma_wait3A_79] : memref<10240x128xf32, #tpu.memory_space<hbm>> -> memref<10240x128xf32, #tpu.memory_space<hbm>>
    %dma_wait3A_81 = tpu.memref_slice %arg11[%dma_wait3A_74] : memref<2x!tpu.dma_semaphore, #tpu.memory_space<semaphore_mem>> -> memref<1x!tpu.dma_semaphore, #tpu.memory_space<semaphore_mem>>
    %dma_wait3A_82 = tpu.memref_squeeze %dma_wait3A_81 : memref<1x!tpu.dma_semaphore, #tpu.memory_space<semaphore_mem>> -> memref<!tpu.dma_semaphore, #tpu.memory_space<semaphore_mem>>
    tpu.wait_indirect_dma semaphore(%dma_wait3A_82 : memref<!tpu.dma_semaphore, #tpu.memory_space<semaphore_mem>>) src(%dma_wait3A_80 : memref<10240x128xf32, #tpu.memory_space<hbm>>) dst(%arg9 : memref<128x128xf32, #tpu.memory_space<vmem>>)
    "tpu.region"() ({
      %run_scoped3A = tpu.sem_alloc : memref<!tpu.dma_semaphore, #tpu.memory_space<semaphore_mem>>
      %dma_start3A_93 = arith.constant 0 : i32
      %dma_start3A_94 = arith.constant 0 : i32
      %dma_start3A_95 = tpu.memref_slice %arg10[%dma_start3A_93, %dma_start3A_94] : memref<10240x128xf32, #tpu.memory_space<vmem_shared>> -> memref<10240x128xf32, #tpu.memory_space<vmem_shared>>
      tpu.enqueue_indirect_dma source(%arg9 : memref<128x128xf32, #tpu.memory_space<vmem>>) target(%dma_start3A_95 : memref<10240x128xf32, #tpu.memory_space<vmem_shared>>) offsets(%arg7 : memref<128xi32, #tpu.memory_space<vmem>>) semaphore(%run_scoped3A : memref<!tpu.dma_semaphore, #tpu.memory_space<semaphore_mem>>) {add = true}
      %dma_wait3A_96 = arith.constant 0 : i32
      %dma_wait3A_97 = arith.constant 0 : i32
      %dma_wait3A_98 = tpu.memref_slice %arg10[%dma_wait3A_96, %dma_wait3A_97] : memref<10240x128xf32, #tpu.memory_space<vmem_shared>> -> memref<10240x128xf32, #tpu.memory_space<vmem_shared>>
      tpu.wait_indirect_dma semaphore(%run_scoped3A : memref<!tpu.dma_semaphore, #tpu.memory_space<semaphore_mem>>) src(%arg9 : memref<128x128xf32, #tpu.memory_space<vmem>>) dst(%dma_wait3A_98 : memref<10240x128xf32, #tpu.memory_space<vmem_shared>>)
      tpu.yield
    }) : () -> ()
    %gt3A_83 = arith.constant 78 : i32
    %gt3A_84 = arith.cmpi sgt, %select_n3A, %gt3A_83 : i32
    %convert_element_type3A_85 = arith.extui %gt3A_84 : i1 to i32
    %cond3A_86 = arith.constant 0 : i32
    %cond3A_87 = arith.cmpi ne, %convert_element_type3A_85, %cond3A_86 : i32
    scf.if %cond3A_87 {
      %add3A_93 = arith.constant 78 : i32
      %add3A_94 = arith.addi %add3A_30, %add3A_93 : i32
      %mul3A_95 = arith.constant 128 : i32
      %mul3A_96 = arith.muli %add3A_94, %mul3A_95 : i32
      "tpu.region"() ({
        %run_scoped3A = tpu.sem_alloc : memref<!tpu.dma_semaphore, #tpu.memory_space<semaphore_mem>>
        %dma_start3A_107 = tpu.memref_slice %arg4[%mul3A_96] : memref<320000xi32, #tpu.memory_space<hbm>> -> memref<128xi32, #tpu.memory_space<hbm>>
        %dma_start3A_108 = tpu.memref_slice %arg4[%mul3A_96] : memref<320000xi32, #tpu.memory_space<hbm>> -> memref<128xi32, #tpu.memory_space<hbm>>
        tpu.enqueue_dma source(%dma_start3A_108 : memref<128xi32, #tpu.memory_space<hbm>>) target(%arg7 : memref<128xi32, #tpu.memory_space<vmem>>) target_semaphore(%run_scoped3A : memref<!tpu.dma_semaphore, #tpu.memory_space<semaphore_mem>>)
        %dma_wait3A_109 = tpu.memref_slice %arg4[%mul3A_96] : memref<320000xi32, #tpu.memory_space<hbm>> -> memref<128xi32, #tpu.memory_space<hbm>>
        %dma_wait3A_110 = tpu.memref_slice %arg4[%mul3A_96] : memref<320000xi32, #tpu.memory_space<hbm>> -> memref<128xi32, #tpu.memory_space<hbm>>
        tpu.wait_dma2 semaphore(%run_scoped3A : memref<!tpu.dma_semaphore, #tpu.memory_space<semaphore_mem>>) src(%dma_wait3A_110 : memref<128xi32, #tpu.memory_space<hbm>>) dst(%arg7 : memref<128xi32, #tpu.memory_space<vmem>>)
        tpu.yield
      }) : () -> ()
      %dma_wait3A_97 = arith.constant 0 : i32
      %dma_wait3A_98 = arith.constant 0 : i32
      %dma_wait3A_99 = arith.constant 0 : i32
      %dma_wait3A_100 = tpu.memref_slice %arg6[%dma_wait3A_97, %dma_wait3A_99] : memref<79x128xi32, #tpu.memory_space<vmem>> -> memref<1x128xi32, #tpu.memory_space<vmem>>
      %dma_wait3A_101 = tpu.memref_squeeze %dma_wait3A_100 : memref<1x128xi32, #tpu.memory_space<vmem>> -> memref<128xi32, #tpu.memory_space<vmem>>
      %dma_wait3A_102 = arith.constant 0 : i32
      %dma_wait3A_103 = arith.constant 0 : i32
      %dma_wait3A_104 = tpu.memref_slice %arg2[%dma_wait3A_102, %dma_wait3A_103] : memref<10240x128xf32, #tpu.memory_space<hbm>> -> memref<10240x128xf32, #tpu.memory_space<hbm>>
      %dma_wait3A_105 = tpu.memref_slice %arg11[%dma_wait3A_98] : memref<2x!tpu.dma_semaphore, #tpu.memory_space<semaphore_mem>> -> memref<1x!tpu.dma_semaphore, #tpu.memory_space<semaphore_mem>>
      %dma_wait3A_106 = tpu.memref_squeeze %dma_wait3A_105 : memref<1x!tpu.dma_semaphore, #tpu.memory_space<semaphore_mem>> -> memref<!tpu.dma_semaphore, #tpu.memory_space<semaphore_mem>>
      tpu.wait_indirect_dma semaphore(%dma_wait3A_106 : memref<!tpu.dma_semaphore, #tpu.memory_space<semaphore_mem>>) src(%dma_wait3A_104 : memref<10240x128xf32, #tpu.memory_space<hbm>>) dst(%arg8 : memref<128x128xf32, #tpu.memory_space<vmem>>)
      "tpu.region"() ({
        %run_scoped3A = tpu.sem_alloc : memref<!tpu.dma_semaphore, #tpu.memory_space<semaphore_mem>>
        %dma_start3A_107 = arith.constant 0 : i32
        %dma_start3A_108 = arith.constant 0 : i32
        %dma_start3A_109 = tpu.memref_slice %arg10[%dma_start3A_107, %dma_start3A_108] : memref<10240x128xf32, #tpu.memory_space<vmem_shared>> -> memref<10240x128xf32, #tpu.memory_space<vmem_shared>>
        tpu.enqueue_indirect_dma source(%arg8 : memref<128x128xf32, #tpu.memory_space<vmem>>) target(%dma_start3A_109 : memref<10240x128xf32, #tpu.memory_space<vmem_shared>>) offsets(%arg7 : memref<128xi32, #tpu.memory_space<vmem>>) semaphore(%run_scoped3A : memref<!tpu.dma_semaphore, #tpu.memory_space<semaphore_mem>>) {add = true}
        %dma_wait3A_110 = arith.constant 0 : i32
        %dma_wait3A_111 = arith.constant 0 : i32
        %dma_wait3A_112 = tpu.memref_slice %arg10[%dma_wait3A_110, %dma_wait3A_111] : memref<10240x128xf32, #tpu.memory_space<vmem_shared>> -> memref<10240x128xf32, #tpu.memory_space<vmem_shared>>
        tpu.wait_indirect_dma semaphore(%run_scoped3A : memref<!tpu.dma_semaphore, #tpu.memory_space<semaphore_mem>>) src(%arg8 : memref<128x128xf32, #tpu.memory_space<vmem>>) dst(%dma_wait3A_112 : memref<10240x128xf32, #tpu.memory_space<vmem_shared>>)
        tpu.yield
      }) : () -> ()
    } else {
    }
    %barrier3A_88 = arith.constant 0 : index
    tpu.barrier barrier_id(%barrier3A_88)
    %mul3A_89 = arith.constant 640 : i32
    %mul3A_90 = arith.muli %arg1, %mul3A_89 : i32
    %mul3A_91 = arith.constant 640 : i32
    %mul3A_92 = arith.muli %arg1, %mul3A_91 : i32
    "tpu.region"() ({
      %run_scoped3A = tpu.sem_alloc : memref<!tpu.dma_semaphore, #tpu.memory_space<semaphore_mem>>
      %dma_start3A_93 = arith.constant 0 : i32
      %dma_start3A_94 = tpu.memref_slice %arg5[%arg0, %mul3A_92, %dma_start3A_93] : memref<2x10240x128xf32, #tpu.memory_space<hbm>> -> memref<1x640x128xf32, #tpu.memory_space<hbm>>
      %dma_start3A_95 = tpu.memref_squeeze %dma_start3A_94 : memref<1x640x128xf32, #tpu.memory_space<hbm>> -> memref<640x128xf32, #tpu.memory_space<hbm>>
      %dma_start3A_96 = arith.constant 0 : i32
      %dma_start3A_97 = tpu.memref_slice %arg10[%mul3A_90, %dma_start3A_96] : memref<10240x128xf32, #tpu.memory_space<vmem_shared>> -> memref<640x128xf32, #tpu.memory_space<vmem_shared>>
      tpu.enqueue_dma source(%dma_start3A_97 : memref<640x128xf32, #tpu.memory_space<vmem_shared>>) target(%dma_start3A_95 : memref<640x128xf32, #tpu.memory_space<hbm>>) target_semaphore(%run_scoped3A : memref<!tpu.dma_semaphore, #tpu.memory_space<semaphore_mem>>)
      %dma_wait3A_98 = arith.constant 0 : i32
      %dma_wait3A_99 = tpu.memref_slice %arg5[%arg0, %mul3A_92, %dma_wait3A_98] : memref<2x10240x128xf32, #tpu.memory_space<hbm>> -> memref<1x640x128xf32, #tpu.memory_space<hbm>>
      %dma_wait3A_100 = tpu.memref_squeeze %dma_wait3A_99 : memref<1x640x128xf32, #tpu.memory_space<hbm>> -> memref<640x128xf32, #tpu.memory_space<hbm>>
      %dma_wait3A_101 = arith.constant 0 : i32
      %dma_wait3A_102 = tpu.memref_slice %arg10[%mul3A_90, %dma_wait3A_101] : memref<10240x128xf32, #tpu.memory_space<vmem_shared>> -> memref<640x128xf32, #tpu.memory_space<vmem_shared>>
      tpu.wait_dma2 semaphore(%run_scoped3A : memref<!tpu.dma_semaphore, #tpu.memory_space<semaphore_mem>>) src(%dma_wait3A_102 : memref<640x128xf32, #tpu.memory_space<vmem_shared>>) dst(%dma_wait3A_100 : memref<640x128xf32, #tpu.memory_space<hbm>>)
      tpu.yield
    }) : () -> ()
    return
  }
}

module attributes {stable_mosaic.version = 14 : i64} {
  func.func @_prep_body(%arg0: memref<32x10240xf32, #tpu.memory_space<vmem>>, %arg1: memref<10000x128xf32, #tpu.memory_space<vmem>>, %arg2: memref<10240x128xf32, #tpu.memory_space<vmem>>, %arg3: memref<10240x1xf32, #tpu.memory_space<vmem>>) attributes {dimension_semantics = [], scalar_prefetch = 0 : i64, scratch_operands = 0 : i64, tpu.core_type = #tpu.core_type<tc>} {
    %get3A = arith.constant 0 : index
    %get3A_0 = arith.constant 0 : index
    %get3A_1 = vector.load %arg0[%get3A, %get3A_0] : memref<32x10240xf32, #tpu.memory_space<vmem>>, vector<32x10240xf32>
    %reduce_sum3A = arith.constant dense<0.000000e+00> : vector<10240xf32>
    %reduce_sum3A_2 = vector.multi_reduction <add>, %get3A_1, %reduce_sum3A [0] : vector<32x10240xf32> to vector<10240xf32>
    %broadcast_in_dim3A = vector.shape_cast %reduce_sum3A_2 : vector<10240xf32> to vector<1x10240xf32>
    %add3A = arith.constant 1.000000e+00 : f32
    %add3A_3 = vector.broadcast %add3A : f32 to vector<1x10240xf32>
    %add3A_4 = arith.addf %add3A_3, %broadcast_in_dim3A : vector<1x10240xf32>
    %max3A = arith.constant 9.99999996E-13 : f32
    %max3A_5 = vector.broadcast %max3A : f32 to vector<1x10240xf32>
    %max3A_6 = arith.maximumf %add3A_4, %max3A_5 : vector<1x10240xf32>
    %rsqrt3A = math.rsqrt %max3A_6 : vector<1x10240xf32>
    %reshape3A = vector.shape_cast %rsqrt3A : vector<1x10240xf32> to vector<10240x1xf32>
    %swap3A = arith.constant 0 : index
    %swap3A_7 = arith.constant 0 : index
    %swap3A_8 = vector.load %arg3[%swap3A, %swap3A_7] : memref<10240x1xf32, #tpu.memory_space<vmem>>, vector<10240x1xf32>
    tpu.vector_store %arg3[%swap3A, %swap3A_7], %reshape3A {strides = array<i32>} : memref<10240x1xf32, #tpu.memory_space<vmem>>, vector<10240x1xf32>,
    %get3A_9 = arith.constant 0 : index
    %get3A_10 = arith.constant 0 : index
    %get3A_11 = vector.load %arg1[%get3A_9, %get3A_10] : memref<10000x128xf32, #tpu.memory_space<vmem>>, vector<10000x128xf32>
    %slice3A = vector.extract_strided_slice %reshape3A {offsets = [0, 0], sizes = [10000, 1], strides = [1, 1]} : vector<10240x1xf32> to vector<10000x1xf32>
    %mul3A = vector.broadcast %slice3A : vector<10000x1xf32> to vector<10000x128xf32>
    %mul3A_12 = arith.mulf %get3A_11, %mul3A : vector<10000x128xf32>
    %swap3A_13 = arith.constant 0 : index
    %swap3A_14 = arith.constant 0 : index
    %swap3A_15 = vector.load %arg2[%swap3A_13, %swap3A_14] : memref<10240x128xf32, #tpu.memory_space<vmem>>, vector<10000x128xf32>
    tpu.vector_store %arg2[%swap3A_13, %swap3A_14], %mul3A_12 {strides = array<i32>} : memref<10240x128xf32, #tpu.memory_space<vmem>>, vector<10000x128xf32>,
    %broadcast_in_dim3A_16 = arith.constant 0.000000e+00 : f32
    %broadcast_in_dim3A_17 = vector.broadcast %broadcast_in_dim3A_16 : f32 to vector<240x128xf32>
    %swap3A_18 = arith.constant 10000 : index
    %swap3A_19 = arith.constant 0 : index
    %swap3A_20 = vector.load %arg2[%swap3A_18, %swap3A_19] : memref<10240x128xf32, #tpu.memory_space<vmem>>, vector<240x128xf32>
    tpu.vector_store %arg2[%swap3A_18, %swap3A_19], %broadcast_in_dim3A_17 {strides = array<i32>} : memref<10240x128xf32, #tpu.memory_space<vmem>>, vector<240x128xf32>,
    return
  }
}

module attributes {stable_mosaic.version = 14 : i64} {
  func.func @_mid_body(%arg0: i32, %arg1: memref<1280x128xf32, #tpu.memory_space<vmem>>, %arg2: memref<1280x128xf32, #tpu.memory_space<vmem>>, %arg3: memref<1280x128xf32, #tpu.memory_space<vmem>>, %arg4: memref<1280x1xf32, #tpu.memory_space<vmem>>, %arg5: memref<128x128xf32, #tpu.memory_space<vmem>>, %arg6: memref<1x128xf32, #tpu.memory_space<vmem>>, %arg7: memref<128x32xf32, #tpu.memory_space<vmem>>, %arg8: memref<1280x32xf32, #tpu.memory_space<vmem>>) attributes {dimension_semantics = [#tpu.dimension_semantics<arbitrary>], iteration_bounds = array<i64: 8>, scalar_prefetch = 0 : i64, scratch_operands = 0 : i64, tpu.core_type = #tpu.core_type<tc>, window_params = [{transform_indices = @transform_0, window_bounds = array<i64: 1280, 128>}, {transform_indices = @transform_1, window_bounds = array<i64: 1280, 128>}, {transform_indices = @transform_2, window_bounds = array<i64: 1280, 128>}, {transform_indices = @transform_3, window_bounds = array<i64: 1280, 1>}, {pipeline_mode = #tpu.pipeline_mode<synchronous>, transform_indices = @transform_4, window_bounds = array<i64: 128, 128>}, {pipeline_mode = #tpu.pipeline_mode<synchronous>, transform_indices = @transform_5, window_bounds = array<i64: 1, 128>}, {pipeline_mode = #tpu.pipeline_mode<synchronous>, transform_indices = @transform_6, window_bounds = array<i64: 128, 32>}, {transform_indices = @transform_7, window_bounds = array<i64: 1280, 32>}]} {
    %get3A = arith.constant 0 : index
    %get3A_0 = arith.constant 0 : index
    %get3A_1 = vector.load %arg4[%get3A, %get3A_0] : memref<1280x1xf32, #tpu.memory_space<vmem>>, vector<1280x1xf32>
    %get3A_2 = arith.constant 0 : index
    %get3A_3 = arith.constant 0 : index
    %get3A_4 = vector.load %arg1[%get3A_2, %get3A_3] : memref<1280x128xf32, #tpu.memory_space<vmem>>, vector<1280x128xf32>
    %get3A_5 = arith.constant 0 : index
    %get3A_6 = arith.constant 0 : index
    %get3A_7 = vector.load %arg2[%get3A_5, %get3A_6] : memref<1280x128xf32, #tpu.memory_space<vmem>>, vector<1280x128xf32>
    %add3A = arith.addf %get3A_4, %get3A_7 : vector<1280x128xf32>
    %get3A_8 = arith.constant 0 : index
    %get3A_9 = arith.constant 0 : index
    %get3A_10 = vector.load %arg3[%get3A_8, %get3A_9] : memref<1280x128xf32, #tpu.memory_space<vmem>>, vector<1280x128xf32>
    %add3A_11 = arith.addf %add3A, %get3A_10 : vector<1280x128xf32>
    %mul3A = vector.broadcast %get3A_1 : vector<1280x1xf32> to vector<1280x128xf32>
    %mul3A_12 = arith.mulf %mul3A, %add3A_11 : vector<1280x128xf32>
    %get3A_13 = arith.constant 0 : index
    %get3A_14 = arith.constant 0 : index
    %get3A_15 = vector.load %arg5[%get3A_13, %get3A_14] : memref<128x128xf32, #tpu.memory_space<vmem>>, vector<128x128xf32>
    %dot_general3A = arith.constant dense<0.000000e+00> : vector<1280x128xf32>
    %dot_general3A_16 = tpu.matmul %mul3A_12, %get3A_15, %dot_general3A {dimension_numbers = #tpu.dot_dimension_numbers<[1], [0], [0], [1], [0, 0, 1, 1], [], []>, transpose_lhs_hint = false} : vector<1280x128xf32>, vector<128x128xf32>, vector<1280x128xf32> -> vector<1280x128xf32>
    %get3A_17 = arith.constant 0 : index
    %get3A_18 = arith.constant 0 : index
    %get3A_19 = vector.load %arg6[%get3A_17, %get3A_18] : memref<1x128xf32, #tpu.memory_space<vmem>>, vector<1x128xf32>
    %add3A_20 = vector.broadcast %get3A_19 : vector<1x128xf32> to vector<1280x128xf32>
    %add3A_21 = arith.addf %dot_general3A_16, %add3A_20 : vector<1280x128xf32>
    %max3A = arith.constant 0.000000e+00 : f32
    %max3A_22 = vector.broadcast %max3A : f32 to vector<1280x128xf32>
    %max3A_23 = arith.maximumf %add3A_21, %max3A_22 : vector<1280x128xf32>
    %get3A_24 = arith.constant 0 : index
    %get3A_25 = arith.constant 0 : index
    %get3A_26 = vector.load %arg7[%get3A_24, %get3A_25] : memref<128x32xf32, #tpu.memory_space<vmem>>, vector<128x32xf32>
    %dot_general3A_27 = arith.constant dense<0.000000e+00> : vector<1280x32xf32>
    %dot_general3A_28 = tpu.matmul %max3A_23, %get3A_26, %dot_general3A_27 {dimension_numbers = #tpu.dot_dimension_numbers<[1], [0], [0], [1], [0, 0, 1, 1], [], []>, transpose_lhs_hint = false} : vector<1280x128xf32>, vector<128x32xf32>, vector<1280x32xf32> -> vector<1280x32xf32>
    %get3A_29 = arith.constant 0 : index
    %get3A_30 = arith.constant 0 : index
    %get3A_31 = vector.load %arg4[%get3A_29, %get3A_30] : memref<1280x1xf32, #tpu.memory_space<vmem>>, vector<1280x1xf32>
    %mul3A_32 = vector.broadcast %get3A_31 : vector<1280x1xf32> to vector<1280x32xf32>
    %mul3A_33 = arith.mulf %dot_general3A_28, %mul3A_32 : vector<1280x32xf32>
    %swap3A = arith.constant 0 : index
    %swap3A_34 = arith.constant 0 : index
    %swap3A_35 = vector.load %arg8[%swap3A, %swap3A_34] : memref<1280x32xf32, #tpu.memory_space<vmem>>, vector<1280x32xf32>
    tpu.vector_store %arg8[%swap3A, %swap3A_34], %mul3A_33 {strides = array<i32>} : memref<1280x32xf32, #tpu.memory_space<vmem>>, vector<1280x32xf32>,
    return
  }
  func.func @transform_0(%arg0: i32) -> (i32, i32) {
    %c0_i32 = arith.constant 0 : i32
    %c0_i32_0 = arith.constant 0 : i32
    return %arg0, %c0_i32 : i32, i32
  }
  func.func @transform_1(%arg0: i32) -> (i32, i32) {
    %c0_i32 = arith.constant 0 : i32
    %c0_i32_0 = arith.constant 0 : i32
    return %arg0, %c0_i32 : i32, i32
  }
  func.func @transform_2(%arg0: i32) -> (i32, i32) {
    %c0_i32 = arith.constant 0 : i32
    %c0_i32_0 = arith.constant 0 : i32
    return %arg0, %c0_i32 : i32, i32
  }
  func.func @transform_3(%arg0: i32) -> (i32, i32) {
    %c0_i32 = arith.constant 0 : i32
    %c0_i32_0 = arith.constant 0 : i32
    return %arg0, %c0_i32 : i32, i32
  }
  func.func @transform_4(%arg0: i32) -> (i32, i32) {
    %c0_i32 = arith.constant 0 : i32
    %c0_i32_0 = arith.constant 0 : i32
    %c0_i32_1 = arith.constant 0 : i32
    return %c0_i32, %c0_i32_0 : i32, i32
  }
  func.func @transform_5(%arg0: i32) -> (i32, i32) {
    %c0_i32 = arith.constant 0 : i32
    %c0_i32_0 = arith.constant 0 : i32
    %c0_i32_1 = arith.constant 0 : i32
    return %c0_i32, %c0_i32_0 : i32, i32
  }
  func.func @transform_6(%arg0: i32) -> (i32, i32) {
    %c0_i32 = arith.constant 0 : i32
    %c0_i32_0 = arith.constant 0 : i32
    %c0_i32_1 = arith.constant 0 : i32
    return %c0_i32, %c0_i32_0 : i32, i32
  }
  func.func @transform_7(%arg0: i32) -> (i32, i32) {
    %c0_i32 = arith.constant 0 : i32
    %c0_i32_0 = arith.constant 0 : i32
    return %arg0, %c0_i32 : i32, i32
  }
}

module attributes {stable_mosaic.version = 14 : i64} {
  func.func @_head_body(%arg0: memref<10240x32xf32, #tpu.memory_space<vmem>>, %arg1: memref<10240x32xf32, #tpu.memory_space<vmem>>, %arg2: memref<10240x32xf32, #tpu.memory_space<vmem>>, %arg3: memref<10240x1xf32, #tpu.memory_space<vmem>>, %arg4: memref<1x32xf32, #tpu.memory_space<vmem>>, %arg5: memref<1x10240xi32, #tpu.memory_space<vmem>>, %arg6: memref<32x16xf32, #tpu.memory_space<vmem>>, %arg7: memref<1x16xf32, #tpu.memory_space<vmem>>, %arg8: memref<16x1xf32, #tpu.memory_space<vmem>>, %arg9: memref<1x1xf32, #tpu.memory_space<vmem>>, %arg10: memref<64x1xf32, #tpu.memory_space<vmem>>) attributes {dimension_semantics = [], scalar_prefetch = 0 : i64, scratch_operands = 0 : i64, tpu.core_type = #tpu.core_type<tc>} {
    %get3A = arith.constant 0 : index
    %get3A_0 = arith.constant 0 : index
    %get3A_1 = vector.load %arg3[%get3A, %get3A_0] : memref<10240x1xf32, #tpu.memory_space<vmem>>, vector<10240x1xf32>
    %get3A_2 = arith.constant 0 : index
    %get3A_3 = arith.constant 0 : index
    %get3A_4 = vector.load %arg0[%get3A_2, %get3A_3] : memref<10240x32xf32, #tpu.memory_space<vmem>>, vector<10240x32xf32>
    %get3A_5 = arith.constant 0 : index
    %get3A_6 = arith.constant 0 : index
    %get3A_7 = vector.load %arg1[%get3A_5, %get3A_6] : memref<10240x32xf32, #tpu.memory_space<vmem>>, vector<10240x32xf32>
    %add3A = arith.addf %get3A_4, %get3A_7 : vector<10240x32xf32>
    %get3A_8 = arith.constant 0 : index
    %get3A_9 = arith.constant 0 : index
    %get3A_10 = vector.load %arg2[%get3A_8, %get3A_9] : memref<10240x32xf32, #tpu.memory_space<vmem>>, vector<10240x32xf32>
    %add3A_11 = arith.addf %add3A, %get3A_10 : vector<10240x32xf32>
    %mul3A = vector.broadcast %get3A_1 : vector<10240x1xf32> to vector<10240x32xf32>
    %mul3A_12 = arith.mulf %mul3A, %add3A_11 : vector<10240x32xf32>
    %get3A_13 = arith.constant 0 : index
    %get3A_14 = arith.constant 0 : index
    %get3A_15 = vector.load %arg4[%get3A_13, %get3A_14] : memref<1x32xf32, #tpu.memory_space<vmem>>, vector<1x32xf32>
    %add3A_16 = vector.broadcast %get3A_15 : vector<1x32xf32> to vector<10240x32xf32>
    %add3A_17 = arith.addf %mul3A_12, %add3A_16 : vector<10240x32xf32>
    %max3A = arith.constant 0.000000e+00 : f32
    %max3A_18 = vector.broadcast %max3A : f32 to vector<10240x32xf32>
    %max3A_19 = arith.maximumf %add3A_17, %max3A_18 : vector<10240x32xf32>
    %iota3A = tpu.iota {dimensions = array<i32: 0>} : vector<64x10240xi32>
    %get3A_20 = arith.constant 0 : index
    %get3A_21 = arith.constant 0 : index
    %get3A_22 = vector.load %arg5[%get3A_20, %get3A_21] : memref<1x10240xi32, #tpu.memory_space<vmem>>, vector<1x10240xi32>
    %eq3A = vector.broadcast %get3A_22 : vector<1x10240xi32> to vector<64x10240xi32>
    %eq3A_23 = arith.cmpi eq, %iota3A, %eq3A : vector<64x10240xi32>
    %convert_element_type3A = arith.extui %eq3A_23 : vector<64x10240xi1> to vector<64x10240xi32>
    %convert_element_type3A_24 = arith.sitofp %convert_element_type3A : vector<64x10240xi32> to vector<64x10240xf32>
    %dot_general3A = arith.constant dense<0.000000e+00> : vector<64x32xf32>
    %dot_general3A_25 = tpu.matmul %convert_element_type3A_24, %max3A_19, %dot_general3A {dimension_numbers = #tpu.dot_dimension_numbers<[1], [0], [0], [1], [0, 0, 1, 1], [], []>, transpose_lhs_hint = false} : vector<64x10240xf32>, vector<10240x32xf32>, vector<64x32xf32> -> vector<64x32xf32>
    %reduce_sum3A = arith.constant dense<0.000000e+00> : vector<64xf32>
    %reduce_sum3A_26 = vector.multi_reduction <add>, %convert_element_type3A_24, %reduce_sum3A [1] : vector<64x10240xf32> to vector<64xf32>
    %broadcast_in_dim3A = vector.shape_cast %reduce_sum3A_26 : vector<64xf32> to vector<64x1xf32>
    %max3A_27 = arith.constant 1.000000e+00 : f32
    %max3A_28 = vector.broadcast %max3A_27 : f32 to vector<64x1xf32>
    %max3A_29 = arith.maximumf %broadcast_in_dim3A, %max3A_28 : vector<64x1xf32>
    %div3A = vector.broadcast %max3A_29 : vector<64x1xf32> to vector<64x32xf32>
    %div3A_30 = arith.divf %dot_general3A_25, %div3A : vector<64x32xf32>
    %get3A_31 = arith.constant 0 : index
    %get3A_32 = arith.constant 0 : index
    %get3A_33 = vector.load %arg6[%get3A_31, %get3A_32] : memref<32x16xf32, #tpu.memory_space<vmem>>, vector<32x16xf32>
    %dot_general3A_34 = arith.constant dense<0.000000e+00> : vector<64x16xf32>
    %dot_general3A_35 = tpu.matmul %div3A_30, %get3A_33, %dot_general3A_34 {dimension_numbers = #tpu.dot_dimension_numbers<[1], [0], [0], [1], [0, 0, 1, 1], [], []>, transpose_lhs_hint = false} : vector<64x32xf32>, vector<32x16xf32>, vector<64x16xf32> -> vector<64x16xf32>
    %get3A_36 = arith.constant 0 : index
    %get3A_37 = arith.constant 0 : index
    %get3A_38 = vector.load %arg7[%get3A_36, %get3A_37] : memref<1x16xf32, #tpu.memory_space<vmem>>, vector<1x16xf32>
    %add3A_39 = vector.broadcast %get3A_38 : vector<1x16xf32> to vector<64x16xf32>
    %add3A_40 = arith.addf %dot_general3A_35, %add3A_39 : vector<64x16xf32>
    %tanh3A = math.tanh %add3A_40 : vector<64x16xf32>
    %get3A_41 = arith.constant 0 : index
    %get3A_42 = arith.constant 0 : index
    %get3A_43 = vector.load %arg8[%get3A_41, %get3A_42] : memref<16x1xf32, #tpu.memory_space<vmem>>, vector<16x1xf32>
    %dot_general3A_44 = arith.constant dense<0.000000e+00> : vector<64x1xf32>
    %dot_general3A_45 = tpu.matmul %tanh3A, %get3A_43, %dot_general3A_44 {dimension_numbers = #tpu.dot_dimension_numbers<[1], [0], [0], [1], [0, 0, 1, 1], [], []>, transpose_lhs_hint = false} : vector<64x16xf32>, vector<16x1xf32>, vector<64x1xf32> -> vector<64x1xf32>
    %get3A_46 = arith.constant 0 : index
    %get3A_47 = arith.constant 0 : index
    %get3A_48 = vector.load %arg9[%get3A_46, %get3A_47] : memref<1x1xf32, #tpu.memory_space<vmem>>, vector<1x1xf32>
    %add3A_49 = vector.broadcast %get3A_48 : vector<1x1xf32> to vector<64x1xf32>
    %add3A_50 = arith.addf %dot_general3A_45, %add3A_49 : vector<64x1xf32>
    %logistic3A = arith.negf %add3A_50 : vector<64x1xf32>
    %logistic3A_51 = math.exp %logistic3A : vector<64x1xf32>
    %logistic3A_52 = arith.constant 1.000000e+00 : f32
    %logistic3A_53 = vector.broadcast %logistic3A_52 : f32 to vector<64x1xf32>
    %logistic3A_54 = arith.addf %logistic3A_53, %logistic3A_51 : vector<64x1xf32>
    %logistic3A_55 = arith.divf %logistic3A_53, %logistic3A_54 : vector<64x1xf32>
    %swap3A = arith.constant 0 : index
    %swap3A_56 = arith.constant 0 : index
    %swap3A_57 = vector.load %arg10[%swap3A, %swap3A_56] : memref<64x1xf32, #tpu.memory_space<vmem>>, vector<64x1xf32>
    tpu.vector_store %arg10[%swap3A, %swap3A_56], %logistic3A_55 {strides = array<i32>} : memref<64x1xf32, #tpu.memory_space<vmem>>, vector<64x1xf32>,
    return
  }
}

</mosaic_0001>

<sc_bundles>
// kernel: kernel.11.cloned.1.call-start
scs
__scs_entry_jumppad:
0x0: {  	(pc) =	sbr.rel $0x88, $3  }
0x1: {  	(tag) =	ssettag $0x0;
	lr =	simm.s32 $0x1  }
0x2: {  	[smem:$0x3F96] =	sst lr;
	_ =	strace $0xD0000000  }
0x3: {  	_ = 	snop  }
0x4: {  	_ = 	snop  }
0x5: {  	_ = 	snop  }
0x6: {  	_ = 	snop  }
0x7: {  	_ = 	snop  }
__scs_overlays_trampoline_lowered:
0x8: {  	[smem:$0x3FA5] =	sst s0  }
0x9: {  	[smem:$0x3FA6] =	sst s1  }
0xa: {  	[smem:$0x3FA7] =	sst s2  }
0xb: {  	[smem:$0x3FA8] =	sst s3  }
0xc: {  	[smem:$0x3FA9] =	sst s4  }
0xd: {  	[smem:$0x3FAA] =	sst s5  }
0xe: {  	[smem:$0x3FAB] =	sst s6  }
0xf: {  	[smem:$0x3FAC] =	sst s7  }
0x10: {  	[smem:$0x3FAD] =	sst s8  }
0x11: {  	[smem:$0x3FAE] =	sst s9;
	s0 =	simm.s32 @!p0 $0x0  }
0x12: {  	s1 =	sld [smem:$0x3F94];
	s0 =	simm.s32 @p0 $0x1  }
0x13: {  	[smem:$0x3FAF] =	sst s0;
	s0 =	simm.s32 @!p1 $0x0  }
0x14: {  	s2 =	sld [smem:$0x3F93];
	s0 =	simm.s32 @p1 $0x1  }
0x15: {  	[smem:$0x3FB0] =	sst s0;
	s0 =	simm.s32 @!p2 $0x0  }
0x16: {  	s3 =	sld [smem:$0x3FDB];
	s0 =	simm.s32 @p2 $0x1  }
0x17: {  	s4 =	simm.s32 $0x1BF5;
	[smem:$0x3FB2] =	sst s0  }
0x18: {  	s0 =	sld [smem:$0x3F95];
	_ =	swait.ge [sflag:s4], $0x0  }
0x19: {  	s7 =	sld [smem:$0x3F96]  }
0x1a: {  	s8 =	sadd.s32 $0xFFFFE003, lr  }
0x1b: {  	s9 =	sadd.s32 $0xFFFFFEF7, lr;
	s5 =	simm.s32 $0xFFFFFFFF;
	p2 =	slt.u32 s8, $0xFFFFF086  }
0x1c: {  	p1 =	slt.u32 s9, $0xF7A;
	s5 =	simm.s32 @!p2 $0x0  }
0x1d: {  	s5 =	simm.s32 @p1 $0x1;
	p0 =	seq.s32 s7, s2  }
0x1e: {  	s7 =	smul.u32 @!p0 $0xF7A, s2;
	p2 =	seq.s32 @!p0 s5, $0x0  }
0x1f: {  	s9 =	smul.u32 $0xF7A, s1;
	s8 =	simm.s32 @!p0 $0x1BF5;
	p2 =	por !p2, p0  }
0x20: {  	[sflag:s8] =	ssyncset.s32 @!p0 $0xFFFFF086;
	s6 =	sadd.s32 @!p0 s3, s7;
	s7 =	simm.s32 @!p0 $0x108  }
0x21: {  	s3 =	sadd.s32 s3, s9;
	s6 =	sadd.s32 @!p0 $0x88, s6;
	s7 =	simm.s32 @p2 $0x1082  }
0x22: {  	[simem:s7], [sflag:s8] =	dma.local @!p0 [hbm:s6], $0xF7A  }
0x23: {  	s9 =	sor.u32 $0xD0000000, s2;
	s6 =	simm.s32 $0x108;
	_ =	swait.ge @!p0 [sflag:s8], $0x0  }
0x24: {  	s3 =	sadd.s32 $0x88, s3;
	s6 =	simm.s32 @!p1 $0x1082;
	[sflag:s4] =	ssyncset.s32 $0xFFFFF086  }
0x25: {  	[simem:s6], [sflag:s4] =	dma.local [hbm:s3], $0xF7A  }
0x26: {  	[smem:$0x3F96] =	sst s1;
	(tag) =	ssettag s2;
	_ =	strace s9  }
0x27: {  	s1 =	sld [smem:$0x3FA6]  }
0x28: {  	s2 =	sld [smem:$0x3FA7]  }
0x29: {  	s4 =	sld [smem:$0x3FA9]  }
0x2a: {  	p0 =	seq.s32 s5, $0x0;
	s5 =	sld [smem:$0x3FAA]  }
0x2b: {  	s6 =	sld [smem:$0x3FAB]  }
0x2c: {  	s7 =	sld [smem:$0x3FAC]  }
0x2d: {  	s3 =	simm.s32 $0x108;
	s8 =	sld [smem:$0x3FAD]  }
0x2e: {  	s3 =	simm.s32 @!p0 $0x1082;
	s9 =	sld [smem:$0x3FAE]  }
0x2f: {  	lr =	sadd.s32 s0, s3;
	s0 =	sld [smem:$0x3FA5]  }
0x30: {  	s3 =	sld [smem:$0x3FA8]  }
0x31: {  	[smem:$0x3FB1] =	sst s10  }
0x32: {  	s10 =	sld [smem:$0x3FAF];
	_ =	sdelay $0x3  }
0x33: {  	p0 =	seq.s32 s10, $0x1;
	s10 =	sld [smem:$0x3FB1];
	_ =	sdelay $0x3  }
0x34: {  	[smem:$0x3FB1] =	sst s10  }
0x35: {  	s10 =	sld [smem:$0x3FB0];
	_ =	sdelay $0x3  }
0x36: {  	p1 =	seq.s32 s10, $0x1;
	s10 =	sld [smem:$0x3FB1];
	_ =	sdelay $0x3  }
0x37: {  	[smem:$0x3FB1] =	sst s10  }
0x38: {  	s10 =	sld [smem:$0x3FB2]  }
0x39: {  	_ = 	snop;
	(pc) =	sbr.ind lr, $3  }
0x3a: {  	_ = 	snop  }
0x3b: {  	_ = 	snop  }
0x3c: {  	p2 =	seq.s32 s10, $0x1;
	s10 =	sld [smem:$0x3FB1]  }
0x3d: {  	_ =	shalt  }
0x3e: {  	_ =	shalt  }
0x3f: {  	_ =	shalt  }
0x40: {  	_ =	shalt  }
0x41: {  	_ =	shalt  }
0x42: {  	_ =	shalt  }
0x43: {  	_ =	shalt  }
0x44: {  	_ =	shalt  }
0x45: {  	_ =	shalt  }
0x46: {  	_ =	shalt  }
0x47: {  	_ =	shalt  }
0x48: {  	_ =	shalt  }
0x49: {  	_ =	shalt  }
0x4a: {  	_ =	shalt  }
0x4b: {  	_ =	shalt  }
0x4c: {  	_ =	shalt  }
0x4d: {  	_ =	shalt  }
0x4e: {  	_ =	shalt  }
0x4f: {  	_ =	shalt  }
0x50: {  	_ =	shalt  }
0x51: {  	_ =	shalt  }
0x52: {  	_ =	shalt  }
0x53: {  	_ =	shalt  }
0x54: {  	_ =	shalt  }
0x55: {  	_ =	shalt  }
0x56: {  	_ =	shalt  }
0x57: {  	_ =	shalt  }
0x58: {  	_ =	shalt  }
0x59: {  	_ =	shalt  }
0x5a: {  	_ =	shalt  }
0x5b: {  	_ =	shalt  }
0x5c: {  	_ =	shalt  }
0x5d: {  	_ =	shalt  }
0x5e: {  	_ =	shalt  }
0x5f: {  	_ =	shalt  }
0x60: {  	_ =	shalt  }
0x61: {  	_ =	shalt  }
0x62: {  	_ =	shalt  }
0x63: {  	_ =	shalt  }
0x64: {  	_ =	shalt  }
0x65: {  	_ =	shalt  }
0x66: {  	_ =	shalt  }
0x67: {  	_ =	shalt  }
0x68: {  	_ =	shalt  }
0x69: {  	_ =	shalt  }
0x6a: {  	_ =	shalt  }
0x6b: {  	_ =	shalt  }
0x6c: {  	_ =	shalt  }
0x6d: {  	_ =	shalt  }
0x6e: {  	_ =	shalt  }
0x6f: {  	_ =	shalt  }
0x70: {  	_ =	shalt  }
0x71: {  	_ =	shalt  }
0x72: {  	_ =	shalt  }
0x73: {  	_ =	shalt  }
0x74: {  	_ =	shalt  }
0x75: {  	_ =	shalt  }
0x76: {  	_ =	shalt  }
0x77: {  	_ =	shalt  }
0x78: {  	_ =	shalt  }
0x79: {  	_ =	shalt  }
0x7a: {  	_ =	shalt  }
0x7b: {  	_ =	shalt  }
0x7c: {  	_ =	shalt  }
0x7d: {  	_ =	shalt  }
0x7e: {  	_ =	shalt  }
0x7f: {  	_ =	shalt  }
0x80: {  	_ =	shalt  }
0x81: {  	_ =	shalt  }
0x82: {  	_ =	shalt  }
0x83: {  	_ =	shalt  }
0x84: {  	_ =	shalt  }
0x85: {  	_ =	shalt  }
0x86: {  	_ =	shalt  }
0x87: {  	_ =	shalt  }
.Lfunc_end0:
.L_simem_size_0:
called_computation.1_lowered:
.L_overlay_start_0:
0x88: {  	s2 =	sld [smem:$0x3FD9]  }
0x89: {  	s3 =	sld [smem:$0x3FFE];
	_ =	sdelay $0x1  }
0x8a: {  	s1 =	srdreg.scid  }
0x8b: {  	s0 =	sand.u32 $0x1, s1  }
0x8c: {  	s16 =	sshll.u32 s0, $0xA;
	s2 =	sadd.s32 s3, s2  }
0x8d: {  	s2 =	sadd.s32 s2, s16  }
0x8e: {  	[smem:$0x3FBD] =	sst s2  }
0x8f: {  	_ = 	snop  }
0x90: {  	(tm) =	ssettm $0x1  }
0x91: {  	s17 =	sld [smem:$0x3FFB];
	_ =	sdelay $0x3  }
0x92: {  	_ =	strace s17  }
0x93: {  	s2 =	sld [smem:$0x3FFC];
	_ =	sdelay $0x3  }
0x94: {  	_ =	strace s2  }
0x95: {  	s2 =	sld [smem:$0x3FFD];
	_ =	sdelay $0x3  }
0x96: {  	_ =	strace s2  }
0x97: {  	_ =	strace $0x8FFFFFFF  }
0x98: {  	s18 =	sld [smem:$0x3FDB];
	_ =	sdelay $0x1  }
0x99: {  	s19 =	simm.s32 $_scs_section_size  }
0x9a: {  	s4 =	simm.s32 $_size__tile_overlayer_lowered;
	s5 =	simm.s32 $_tile_overlayer_lowered  }
0x9b: {  	s22 =	simm.s32 $0x1BFF;
	s21 =	sshll.u32 s5, $0x1;
	s2 =	sadd.s32 s19, s18  }
0x9c: {  	s6 =	simm.s32 $0x0;
	s20 =	sshll.u32 s4, $0x1;
	s4 =	sadd.s32 s21, s2  }
0x9d: {  	[timem:s6], [sflag:s22] =	dma.local [hbm:s4], s20  }
0x9e: {  	_ =	swait.ge [sflag:s22], s20  }
0x9f: {  	s3 =	ssub.s32 $0x0, s20;
	[sflag:s22] =	ssyncset.done $0x0  }
0xa0: {  	[sflag:s22] =	ssyncadd.s32 s3;
	_ =	sdelay $0x1  }
0xa1: {  	s23 =	simm.s32 $0x1B8B  }
0xa2: {  	_ =	swait.ge [sflag:s23], $0x1  }
0xa3: {  	[sflag:s23] =	ssyncset.done $0x0  }
0xa4: {  	s25 =	simm.s32 $0x1B8E;
	s24 =	sld [smem:$0x3FFE];
	[sflag:s23] =	ssyncadd.s32 $0xFFFFFFFF  }
0xa5: {  	s26 =	simm.s32 $execute0_lowered;
	[smem:$0x3FD2] =	sst s25  }
0xa6: {  	s4 =	sshll.u32 s26, $0x1;
	_ =	strace $0x80000049;
	[dreg:$0x1] =	wrdreg $0xFFFFFFFF  }
0xa7: {  	s28 =	simm.s32 $_size_execute0_lowered;
	s2 =	sadd.s32 s2, s4;
	[dreg:$0x0] =	wrdreg $0x0  }
0xa8: {  	s4 =	sshll.u32 s28, $0x1;
	[dreg:$0x2] =	wrdreg s2  }
0xa9: {  	[dreg:$0x3] =	wrdreg s4  }
0xaa: {  	[dreg:$0x4] =	wrdreg $0xC0  }
0xab: {  	_ =	task [dreg:s6], $0x5FFFF  }
0xac: {  	[dreg:$0x1] =	wrdreg $0xFFFFFFFF  }
0xad: {  	[dreg:$0x0] =	wrdreg $0x60  }
0xae: {  	[dreg:$0x2] =	wrdreg s24  }
0xaf: {  	[dreg:$0x3] =	wrdreg $0xA8000  }
0xb0: {  	[dreg:$0x4] =	wrdreg $0x9  }
0xb1: {  	_ =	task.clear_ibuf [dreg:s6], $0x5FFFF;
	_ =	strace $0x90000049  }
0xb2: {  	s29 =	simm.s32 $0x9;
	_ =	strace $0x8000004B  }
0xb3: {  	_ =	swait.ge [sflag:s29], $0x1  }
0xb4: {  	[sflag:s29] =	ssyncadd.s32 $0xFFFFFFFF  }
0xb5: {  	_ =	strace $0x9000004B  }
0xb6: {  	_ =	sfence  }
0xb7: {  	s30 =	sld [smem:$0x0];
	_ =	sdelay $0x2  }
0xb8: {  	s31 =	sshll.u32 s1, $0xD;
	s1 =	sshrl.u32 s1, $0x2  }
0xb9: {  	s3 =	sand.u32 $0x4000, s31;
	s1 =	sadd.s32 s1, s30  }
0xba: {  	s0 =	sor.u32 s3, s0;
	s1 =	sshll.u32 s1, $0x11  }
0xbb: {  	s0 =	sor.u32 s1, s0  }
0xbc: {  	s0 =	sadd.s32 $0x8F2B, s0  }
0xbd: {  	[sflag:s0] =	ssyncadd.remote.s32 $0x1  }
0xbe: {  	_ =	sfence.sel $0xFFFF  }
0xbf: {  	[dreg:$0x0] =	wrdreg $0xFFFFFFFF;
	(pc) =	sbr.abs _section_cstart, $3  }
0xc0: {  	[dreg:$0x1] =	wrdreg $0xFFFFFFFF  }
0xc1: {  	_ =	task.clear_ibuf [dreg:s6], $0x2FFFF;
	_ =	strace $0x9FFFFFFF  }
0xc2: {  	(tm) =	ssettm $0x7FFFFFFF  }
0xc3: {  	_ =	shalt  }
tec
execute0_lowered:
.L_overlay_start_1:
0x0: {  	(tag) =	ssettag $0x1  }
0x1: {  	s6 =	rddreg [dreg:$0x0]  }
0x2: {  	s0 =	srdreg.scid;
	s2 =	rddreg [dreg:$0x1]  }
0x3: {  	s3 =	simm.s32 $0x0;
	s19 =	simm.s32 $0x3;
	s20 =	simm.s32 $0x80  }
0x4: {  	s21 =	simm.s32 $0x6800;
	s5 =	sand.u32 $0x1, s0;
	s0 =	stileid.u32  }
0x5: {  	s22 =	simm.s32 $0x2780;
	s23 =	simm.s32 $0x1;
	s7 =	smul.u32 $0x14000, s0  }
0x6: {  	s24 =	simm.s32 $0x2;
	s26 =	simm.s32 $0x0;
	s8 =	smul.u32 $0x140000, s5  }
0x7: {  	[smem:$0x7FF] =	sst s3;
	s15 =	sadd.s32 $0x3A00, s6;
	s28 =	smul.u32 $0x50000, s0  }
0x8: {  	s1 =	sshll.u32 s5, $0x4;
	_ =	strace $0x8000004A;
	s13 =	smul.u32 $0x4E0, s5  }
0x9: {  	s29 =	ssub.s32 $0x2, s5;
	s17 =	smul.u32 $0x4E, s0;
	s25 =	sor.u32 s0, s1  }
0xa: {  	s30 =	sshrl.u32 s29, $0x1;
	s4 =	smul.u32 $0x4E, s25;
	s11 =	smin.u32 s25, $0x4  }
0xb: {  	s8 =	sadd.s32 s7, s8;
	s16 =	ssub.s32 s29, s30;
	s5 =	sadd.s32 s7, s2  }
0xc: {  	s13 =	sadd.s32 s17, s13;
	p0 =	sgt.u32 s25, $0x3;
	s25 =	simm.s32 $0x2680  }
0xd: {  	s8 =	sshrl.u32 s8, $0x3;
	s13 =	sadd.s32 s11, s13;
	s16 =	smax.u32 s16, $0x1  }
0xe: {  	s9 =	sadd.s32 s11, s4;
	s4 =	sadd.s32 $0x21600, s6;
	s14 =	sadd.s32 s8, s6  }
0xf: {  	s18 =	sshll.u32 s13, $0x4;
	s12 =	sshll.u32 s9, $0x4;
	s9 =	sshrl.u32 s28, $0x2  }
0x10: {  	s14 =	sadd.s32 $0x71600, s14;
	s10 =	sadd.s32 s12, s6;
	s9 =	sadd.s32 s9, s2  }
0x11: {  	s31 =	sadd.s32 s15, s12;
	s15 =	sadd.s32 s18, s15;
	s18 =	simm.s32 $0x2800  }
0x12: {  	s6 =	sadd.s32 $0x4000, s9;
	s7 =	sadd.s32 $0x8000, s9;
	s8 =	sadd.s32 $0xC000, s9  }
0x13: {  	s9 =	sadd.s32 $0x10000, s9;
	s10 =	sadd.s32 $0x17800, s10;
	s11 =	sadd.s32 $0x4C0, s31  }
0x14: {  	v0 =	vimm.f32 $0.0e+00;
	s12 =	sadd.s32 $0x4D0, s31;
	s13 =	sadd.s32 $0x4E0, s31;
	s17 =	sadd.s32 $0x10, s15  }
.LBB2_1:
0x15: {  	s28 =	simm.s32 $0x0;
	s29 =	simm.s32 $0x200  }
.LBB2_2:
0x16: {  	p1 =	sne.s32 s29, $0xFE00;
	[tilespmem:s28+$0x2870] =	vst v0  }
0x17: {  	[tilespmem:s28+$0x2800] =	vst v0  }
0x18: {  	[tilespmem:s28+$0x2810] =	vst v0  }
.Ltmp0:
0x19: {  	[tilespmem:s28+$0x2820] =	vst v0;
	(pc) =	sbr.rel @p1 .LBB2_2-.Ltmp0, $4  }
0x1a: {  	[tilespmem:s28+$0x2830] =	vst v0  }
0x1b: {  	[tilespmem:s28+$0x2840] =	vst v0  }
0x1c: {  	[tilespmem:s28+$0x2850] =	vst v0  }
0x1d: {  	[tilespmem:s28+$0x2860] =	vst v0;
	s28 =	sshra.s32 s29, $0x2;
	s29 =	sadd.s32 $0x200, s29  }
0x1e: {  	[tilespmem:s28+$0x2870] =	vst v0  }
0x1f: {  	[tilespmem:s28+$0x2800] =	vst v0  }
0x20: {  	[tilespmem:s28+$0x2810] =	vst v0  }
0x21: {  	[tilespmem:s28+$0x2820] =	vst v0  }
0x22: {  	[tilespmem:s28+$0x2830] =	vst v0  }
0x23: {  	[tilespmem:s28+$0x2840] =	vst v0  }
0x24: {  	[tilespmem:s28+$0x2850] =	vst v0  }
0x25: {  	[tilespmem:s28+$0x2860] =	vst v0  }
0x26: {  	[spmem:s5] =	stream.linear.scatter [tilespmem:s18], [sflag:$0x3], $0x4000, $0x38;
	[tilespmem:$0x1E800] =	vst v63  }
0x27: {  	_ =	swait.ge [sflag:s19], $0x4000  }
0x28: {  	[sflag:s19] =	ssyncset.done $0x0  }
0x29: {  	[sflag:s19] =	ssyncadd.s32 $0xFFFFC000  }
0x2a: {  	[spmem:s6] =	stream.linear.scatter [tilespmem:s18], [sflag:$0x3], $0x4000, $0x38;
	[tilespmem:$0x1E800] =	vst v63  }
0x2b: {  	_ =	swait.ge [sflag:s19], $0x4000  }
0x2c: {  	[sflag:s19] =	ssyncset.done $0x0  }
0x2d: {  	[sflag:s19] =	ssyncadd.s32 $0xFFFFC000  }
0x2e: {  	[spmem:s7] =	stream.linear.scatter [tilespmem:s18], [sflag:$0x3], $0x4000, $0x38;
	[tilespmem:$0x1E800] =	vst v63  }
0x2f: {  	_ =	swait.ge [sflag:s19], $0x4000  }
0x30: {  	[sflag:s19] =	ssyncset.done $0x0  }
0x31: {  	[sflag:s19] =	ssyncadd.s32 $0xFFFFC000  }
0x32: {  	[spmem:s8] =	stream.linear.scatter [tilespmem:s18], [sflag:$0x3], $0x4000, $0x38;
	[tilespmem:$0x1E800] =	vst v63  }
0x33: {  	_ =	swait.ge [sflag:s19], $0x4000  }
0x34: {  	[sflag:s19] =	ssyncset.done $0x0  }
0x35: {  	[sflag:s19] =	ssyncadd.s32 $0xFFFFC000  }
0x36: {  	[spmem:s9] =	stream.linear.scatter [tilespmem:s18], [sflag:$0x3], $0x4000, $0x38;
	[tilespmem:$0x1E800] =	vst v63  }
0x37: {  	_ =	swait.ge [sflag:s19], $0x4000  }
0x38: {  	[sflag:s19] =	ssyncset.done $0x0  }
0x39: {  	[sflag:s19] =	ssyncadd.s32 $0xFFFFC000  }
0x3a: {  	s28 =	simm.s32 $0x0;
	[bflag:$0x0] =	sbarrier.arrive $0xFFFF  }
0x3b: {  	[tilespmem:s28], [sflag:$0x3] =	stream.linear.gather [hbm4b:s10+s28], $0x2780, $0x38;
	[tilespmem:$0x1E800] =	vst v63  }
0x3c: {  	_ =	swait.ge [sflag:s19], $0x2780  }
0x3d: {  	[sflag:s19] =	ssyncset.done $0x0  }
0x3e: {  	[sflag:s19] =	ssyncadd.s32 $0xFFFFD880  }
0x3f: {  	[tilespmem:s18], [sflag:$0x1] =	stream.indirect.gather [hbm4b:s4+s20], $0x80, s28, s20, $0xb8;
	[tilespmem:$0x1E800] =	vst v63  }
0x40: {  	s28 =	simm.s32 $0x80  }
0x41: {  	[tilespmem:s21], [sflag:$0x2] =	stream.indirect.gather [hbm4b:s4+s20], $0x80, s28, s20, $0xb8;
	[tilespmem:$0x1E800] =	vst v63  }
0x42: {  	s28 =	sadd.s32 $0x0, s15  }
0x43: {  	[tilespmem:s22], [sflag:$0x3] =	stream.linear.gather [hbm4b:s28+s3], $0x80, $0x38;
	[tilespmem:$0x1E800] =	vst v63  }
0x44: {  	_ =	swait.ge [sflag:s19], $0x80  }
0x45: {  	[sflag:s19] =	ssyncset.done $0x0  }
0x46: {  	[sflag:s19] =	ssyncadd.s32 $0xFFFFFF80  }
0x47: {  	_ =	swait.ge [sflag:s23], $0x4000  }
0x48: {  	[sflag:s23] =	ssyncset.done $0x0  }
0x49: {  	[sflag:s23] =	ssyncadd.s32 $0xFFFFC000  }
0x4a: {  	[spmem:s2] =	stream.indirect.scatter.add.f32 [tilespmem:s18], [sflag:$0x3], $0x80, s22, s20, $0xb8;
	[tilespmem:$0x1E800] =	vst v63  }
0x4b: {  	_ =	swait.ge [sflag:s19], $0x4000  }
0x4c: {  	[sflag:s19] =	ssyncset.done $0x0  }
0x4d: {  	s28 =	simm.s32 $0x100;
	[sflag:s19] =	ssyncadd.s32 $0xFFFFC000  }
0x4e: {  	[tilespmem:s18], [sflag:$0x1] =	stream.indirect.gather [hbm4b:s4+s20], $0x80, s28, s20, $0xb8;
	[tilespmem:$0x1E800] =	vst v63  }
0x4f: {  	s28 =	sadd.s32 $0x0, s17  }
0x50: {  	[tilespmem:s22], [sflag:$0x3] =	stream.linear.gather [hbm4b:s28+s3], $0x80, $0x38;
	[tilespmem:$0x1E800] =	vst v63  }
0x51: {  	_ =	swait.ge [sflag:s19], $0x80  }
0x52: {  	[sflag:s19] =	ssyncset.done $0x0  }
0x53: {  	[sflag:s19] =	ssyncadd.s32 $0xFFFFFF80  }
0x54: {  	_ =	swait.ge [sflag:s24], $0x4000  }
0x55: {  	[sflag:s24] =	ssyncset.done $0x0  }
0x56: {  	[sflag:s24] =	ssyncadd.s32 $0xFFFFC000  }
0x57: {  	[spmem:s2] =	stream.indirect.scatter.add.f32 [tilespmem:s21], [sflag:$0x3], $0x80, s22, s20, $0xb8;
	[tilespmem:$0x1E800] =	vst v63  }
0x58: {  	s30 =	simm.s32 $0x40;
	_ =	swait.ge [sflag:s19], $0x4000  }
0x59: {  	s29 =	simm.s32 $0x200;
	s28 =	simm.s32 $0x20;
	[sflag:s19] =	ssyncset.done $0x0  }
.LBB2_4:
0x5a: {  	p1 =	sne.s32 s30, $0x4A0;
	s31 =	sadd.s32 $0xFFFFFF80, s29;
	[sflag:s19] =	ssyncadd.s32 $0xFFFFC000  }
0x5b: {  	[tilespmem:s21], [sflag:$0x2] =	stream.indirect.gather [hbm4b:s4+s20], $0x80, s31, s20, $0xb8;
	[tilespmem:$0x1E800] =	vst v63  }
0x5c: {  	s1 =	smov.u32 s30;
	s30 =	sadd.s32 $0x20, s30;
	s31 =	sadd.s32 s28, s15  }
0x5d: {  	[tilespmem:s22], [sflag:$0x3] =	stream.linear.gather [hbm4b:s31+s3], $0x80, $0x38;
	[tilespmem:$0x1E800] =	vst v63  }
0x5e: {  	_ =	swait.ge [sflag:s19], $0x80  }
0x5f: {  	[sflag:s19] =	ssyncset.done $0x0  }
0x60: {  	[sflag:s19] =	ssyncadd.s32 $0xFFFFFF80  }
0x61: {  	_ =	swait.ge [sflag:s23], $0x4000  }
0x62: {  	[sflag:s23] =	ssyncset.done $0x0  }
0x63: {  	[sflag:s23] =	ssyncadd.s32 $0xFFFFC000  }
0x64: {  	[spmem:s2] =	stream.indirect.scatter.add.f32 [tilespmem:s18], [sflag:$0x3], $0x80, s22, s20, $0xb8;
	[tilespmem:$0x1E800] =	vst v63  }
0x65: {  	_ =	swait.ge [sflag:s19], $0x4000  }
0x66: {  	[sflag:s19] =	ssyncset.done $0x0  }
0x67: {  	[sflag:s19] =	ssyncadd.s32 $0xFFFFC000  }
0x68: {  	[tilespmem:s18], [sflag:$0x1] =	stream.indirect.gather [hbm4b:s4+s20], $0x80, s29, s20, $0xb8;
	[tilespmem:$0x1E800] =	vst v63  }
0x69: {  	s31 =	sadd.s32 s28, s17;
	s28 =	smov.u32 s1  }
0x6a: {  	[tilespmem:s22], [sflag:$0x3] =	stream.linear.gather [hbm4b:s31+s3], $0x80, $0x38;
	[tilespmem:$0x1E800] =	vst v63  }
0x6b: {  	_ =	swait.ge [sflag:s19], $0x80  }
0x6c: {  	[sflag:s19] =	ssyncset.done $0x0  }
0x6d: {  	[sflag:s19] =	ssyncadd.s32 $0xFFFFFF80  }
0x6e: {  	_ =	swait.ge [sflag:s24], $0x4000  }
.Ltmp1:
0x6f: {  	[sflag:s24] =	ssyncset.done $0x0;
	(pc) =	sbr.rel @p1 .LBB2_4-.Ltmp1, $4  }
0x70: {  	[sflag:s24] =	ssyncadd.s32 $0xFFFFC000  }
0x71: {  	[spmem:s2] =	stream.indirect.scatter.add.f32 [tilespmem:s21], [sflag:$0x3], $0x80, s22, s20, $0xb8;
	[tilespmem:$0x1E800] =	vst v63  }
0x72: {  	_ =	swait.ge [sflag:s19], $0x4000  }
0x73: {  	s29 =	sadd.s32 $0x100, s29;
	[sflag:s19] =	ssyncset.done $0x0  }
0x74: {  	s1 =	sadd.s32 $0xFFFFFF80, s29;
	[sflag:s19] =	ssyncadd.s32 $0xFFFFC000  }
0x75: {  	[tilespmem:s21], [sflag:$0x2] =	stream.indirect.gather [hbm4b:s4+s20], $0x80, s1, s20, $0xb8;
	[tilespmem:$0x1E800] =	vst v63  }
0x76: {  	s31 =	sadd.s32 s28, s15  }
0x77: {  	[tilespmem:s22], [sflag:$0x3] =	stream.linear.gather [hbm4b:s31+s3], $0x80, $0x38;
	[tilespmem:$0x1E800] =	vst v63  }
0x78: {  	_ =	swait.ge [sflag:s19], $0x80  }
0x79: {  	[sflag:s19] =	ssyncset.done $0x0  }
0x7a: {  	[sflag:s19] =	ssyncadd.s32 $0xFFFFFF80  }
0x7b: {  	_ =	swait.ge [sflag:s23], $0x4000  }
0x7c: {  	[sflag:s23] =	ssyncset.done $0x0  }
0x7d: {  	[sflag:s23] =	ssyncadd.s32 $0xFFFFC000  }
0x7e: {  	[spmem:s2] =	stream.indirect.scatter.add.f32 [tilespmem:s18], [sflag:$0x3], $0x80, s22, s20, $0xb8;
	[tilespmem:$0x1E800] =	vst v63  }
0x7f: {  	_ =	swait.ge [sflag:s19], $0x4000  }
0x80: {  	[sflag:s19] =	ssyncset.done $0x0  }
0x81: {  	[sflag:s19] =	ssyncadd.s32 $0xFFFFC000  }
0x82: {  	[tilespmem:s18], [sflag:$0x1] =	stream.indirect.gather [hbm4b:s4+s20], $0x80, s29, s20, $0xb8;
	[tilespmem:$0x1E800] =	vst v63  }
0x83: {  	s29 =	sadd.s32 s28, s17  }
0x84: {  	[tilespmem:s22], [sflag:$0x3] =	stream.linear.gather [hbm4b:s29+s3], $0x80, $0x38;
	[tilespmem:$0x1E800] =	vst v63  }
0x85: {  	_ =	swait.ge [sflag:s19], $0x80  }
0x86: {  	[sflag:s19] =	ssyncset.done $0x0  }
0x87: {  	[sflag:s19] =	ssyncadd.s32 $0xFFFFFF80  }
0x88: {  	_ =	swait.ge [sflag:s24], $0x4000  }
0x89: {  	[sflag:s24] =	ssyncset.done $0x0  }
0x8a: {  	[sflag:s24] =	ssyncadd.s32 $0xFFFFC000  }
0x8b: {  	[spmem:s2] =	stream.indirect.scatter.add.f32 [tilespmem:s21], [sflag:$0x3], $0x80, s22, s20, $0xb8;
	[tilespmem:$0x1E800] =	vst v63  }
0x8c: {  	_ =	swait.ge [sflag:s19], $0x4000  }
0x8d: {  	[sflag:s19] =	ssyncset.done $0x0  }
0x8e: {  	[sflag:s19] =	ssyncadd.s32 $0xFFFFC000  }
0x8f: {  	[tilespmem:s21], [sflag:$0x2] =	stream.indirect.gather [hbm4b:s4+s20], $0x80, s25, s20, $0xb8;
	[tilespmem:$0x1E800] =	vst v63  }
0x90: {  	_ = 	snop  }
0x91: {  	[tilespmem:s22], [sflag:$0x3] =	stream.linear.gather [hbm4b:s11+s3], $0x80, $0x38;
	[tilespmem:$0x1E800] =	vst v63  }
0x92: {  	_ =	swait.ge [sflag:s19], $0x80  }
0x93: {  	[sflag:s19] =	ssyncset.done $0x0  }
0x94: {  	[sflag:s19] =	ssyncadd.s32 $0xFFFFFF80  }
0x95: {  	_ =	swait.ge [sflag:s23], $0x4000  }
0x96: {  	[sflag:s23] =	ssyncset.done $0x0  }
0x97: {  	[sflag:s23] =	ssyncadd.s32 $0xFFFFC000  }
0x98: {  	[spmem:s2] =	stream.indirect.scatter.add.f32 [tilespmem:s18], [sflag:$0x3], $0x80, s22, s20, $0xb8;
	[tilespmem:$0x1E800] =	vst v63  }
0x99: {  	_ =	swait.ge [sflag:s19], $0x4000  }
0x9a: {  	s1 =	simm.s32 @!p0 $0x80;
	[sflag:s19] =	ssyncset.done $0x0  }
0x9b: {  	s28 =	simm.s32 @!p0 $0x2700;
	s29 =	simm.s32 @!p0 $0x2800;
	[sflag:s19] =	ssyncadd.s32 $0xFFFFC000  }
0x9c: {  	[tilespmem:s29], [sflag:$0x1] =	stream.indirect.gather @!p0 [hbm4b:s4+s1], $0x80, s28, s1, $0xb8;
	[tilespmem:$0x1E800] =	vst v63  }
0x9d: {  	_ = 	snop  }
0x9e: {  	[tilespmem:s22], [sflag:$0x3] =	stream.linear.gather [hbm4b:s12+s3], $0x80, $0x38;
	[tilespmem:$0x1E800] =	vst v63  }
0x9f: {  	_ =	swait.ge [sflag:s19], $0x80  }
0xa0: {  	[sflag:s19] =	ssyncset.done $0x0  }
0xa1: {  	[sflag:s19] =	ssyncadd.s32 $0xFFFFFF80  }
0xa2: {  	_ =	swait.ge [sflag:s24], $0x4000  }
0xa3: {  	[sflag:s24] =	ssyncset.done $0x0  }
0xa4: {  	[sflag:s24] =	ssyncadd.s32 $0xFFFFC000  }
0xa5: {  	[spmem:s2] =	stream.indirect.scatter.add.f32 [tilespmem:s21], [sflag:$0x3], $0x80, s22, s20, $0xb8;
	[tilespmem:$0x1E800] =	vst v63  }
0xa6: {  	_ =	swait.ge [sflag:s19], $0x4000  }
0xa7: {  	[sflag:s19] =	ssyncset.done $0x0  }
0xa8: {  	s30 =	simm.s32 @!p0 $0x2780;
	s28 =	simm.s32 @!p0 $0x0;
	[sflag:s19] =	ssyncadd.s32 $0xFFFFC000  }
0xa9: {  	[tilespmem:s30], [sflag:$0x3] =	stream.linear.gather @!p0 [hbm4b:s13+s28], $0x80, $0x38;
	[tilespmem:$0x1E800] =	vst v63  }
0xaa: {  	s28 =	simm.s32 @!p0 $0x3  }
0xab: {  	_ =	swait.ge @!p0 [sflag:s28], $0x80  }
0xac: {  	[sflag:s28] =	ssyncset.done @!p0 $0x0  }
0xad: {  	s31 =	simm.s32 @!p0 $0x1;
	[sflag:s28] =	ssyncadd.s32 @!p0 $0xFFFFFF80  }
0xae: {  	_ =	swait.ge @!p0 [sflag:s31], $0x4000  }
0xaf: {  	[sflag:s31] =	ssyncset.done @!p0 $0x0  }
0xb0: {  	[sflag:s31] =	ssyncadd.s32 @!p0 $0xFFFFC000  }
0xb1: {  	[spmem:s2] =	stream.indirect.scatter.add.f32 @!p0 [tilespmem:s29], [sflag:$0x3], $0x80, s30, s1, $0xb8;
	[tilespmem:$0x1E800] =	vst v63  }
0xb2: {  	s26 =	sadd.s32 $0x1, s26;
	_ =	swait.ge @!p0 [sflag:s28], $0x4000  }
0xb3: {  	p1 =	sne.s32 s26, s16;
	[sflag:s28] =	ssyncset.done @!p0 $0x0  }
0xb4: {  	s31 =	sshrl.u32 s5, $0x3;
	s30 =	sshll.u32 s0, $0x6;
	[sflag:s28] =	ssyncadd.s32 @!p0 $0xFFFFC000  }
.Ltmp2:
0xb5: {  	s1 =	sor.u32 $0x1C03, s30;
	[bflag:$0x0] =	sbarrier.arrive $0xFFFF;
	(pc) =	sbr.rel @p1 .LBB2_1-.Ltmp2, $4  }
0xb6: {  	[hbm:s14], [sflag:s1] =	dma.local [spmem:s31], $0x2800  }
0xb7: {  	_ =	swait.ge [sflag:s19], $0x2800  }
0xb8: {  	[sflag:s19] =	ssyncset.done $0x0  }
0xb9: {  	[sflag:s19] =	ssyncadd.s32 $0xFFFFD800  }
0xba: {  	_ =	sfence.sel $0x180000  }
0xbb: {  	[bflag:$0x0] =	sbarrier.arrive $0xFFFF  }
0xbc: {  	_ =	strace $0x9000004A  }
0xbd: {  	[bflag:$0x2] =	sbarrier.arrive $0xFFFF  }
0xbe: {  	p0 =	sne.s32 s0, $0x0;
	s0 =	rddreg [dreg:$0x2]  }
0xbf: {  	s0 =	sadd.s32 @!p0 $0x100000, s0  }
0xc0: {  	[sflag:s0] =	ssyncadd.tile.s32 @!p0 $0x1;
	_ =	shalt  }
.Lfunc_end2:
_tile_overlayer_lowered:
.L_overlay_start_2:
0xc1: {  	(tag) =	ssettag $0x2  }
0xc2: {  	s0 =	rddreg [dreg:$0x0];
	s2 =	stileid.u32  }
0xc3: {  	s1 =	rddreg [dreg:$0x1];
	p0 =	sne.s32 s2, $0x0  }
0xc4: {  	s3 =	rddreg [dreg:$0x2];
	[bflag:$0x3] =	sbarrier.arrive $0xFFFF;
	s2 =	simm.s32 @!p0 $0x1C03  }
0xc5: {  	[timem:s3], [sflag:s2] =	dma.local @!p0 [hbm:s0], s1  }
0xc6: {  	s0 =	simm.s32 @!p0 $0x3  }
0xc7: {  	_ =	swait.ge @!p0 [sflag:s0], s1  }
0xc8: {  	s1 =	ssub.s32 @!p0 $0x0, s1;
	[sflag:s0] =	ssyncset.done @!p0 $0x0  }
0xc9: {  	[sflag:s0] =	ssyncadd.s32 @!p0 s1  }
0xca: {  	[bflag:$0x3] =	sbarrier.arrive $0xFFFF  }
0xcb: {  	_ =	shalt  }

// kernel: kernel.14.cloned.1.call-start
scs
__scs_entry_jumppad:
0x0: {  	(pc) =	sbr.rel $0x88, $3  }
0x1: {  	(tag) =	ssettag $0x0;
	lr =	simm.s32 $0x1  }
0x2: {  	[smem:$0x3F96] =	sst lr;
	_ =	strace $0xD0000000  }
0x3: {  	_ = 	snop  }
0x4: {  	_ = 	snop  }
0x5: {  	_ = 	snop  }
0x6: {  	_ = 	snop  }
0x7: {  	_ = 	snop  }
__scs_overlays_trampoline_lowered:
0x8: {  	[smem:$0x3FA5] =	sst s0  }
0x9: {  	[smem:$0x3FA6] =	sst s1  }
0xa: {  	[smem:$0x3FA7] =	sst s2  }
0xb: {  	[smem:$0x3FA8] =	sst s3  }
0xc: {  	[smem:$0x3FA9] =	sst s4  }
0xd: {  	[smem:$0x3FAA] =	sst s5  }
0xe: {  	[smem:$0x3FAB] =	sst s6  }
0xf: {  	[smem:$0x3FAC] =	sst s7  }
0x10: {  	[smem:$0x3FAD] =	sst s8  }
0x11: {  	[smem:$0x3FAE] =	sst s9;
	s0 =	simm.s32 @!p0 $0x0  }
0x12: {  	s1 =	sld [smem:$0x3F94];
	s0 =	simm.s32 @p0 $0x1  }
0x13: {  	[smem:$0x3FAF] =	sst s0;
	s0 =	simm.s32 @!p1 $0x0  }
0x14: {  	s2 =	sld [smem:$0x3F93];
	s0 =	simm.s32 @p1 $0x1  }
0x15: {  	[smem:$0x3FB0] =	sst s0;
	s0 =	simm.s32 @!p2 $0x0  }
0x16: {  	s3 =	sld [smem:$0x3FDB];
	s0 =	simm.s32 @p2 $0x1  }
0x17: {  	s4 =	simm.s32 $0x1BF5;
	[smem:$0x3FB2] =	sst s0  }
0x18: {  	s0 =	sld [smem:$0x3F95];
	_ =	swait.ge [sflag:s4], $0x0  }
0x19: {  	s7 =	sld [smem:$0x3F96]  }
0x1a: {  	s8 =	sadd.s32 $0xFFFFE003, lr  }
0x1b: {  	s9 =	sadd.s32 $0xFFFFFEF7, lr;
	s5 =	simm.s32 $0xFFFFFFFF;
	p2 =	slt.u32 s8, $0xFFFFF086  }
0x1c: {  	p1 =	slt.u32 s9, $0xF7A;
	s5 =	simm.s32 @!p2 $0x0  }
0x1d: {  	s5 =	simm.s32 @p1 $0x1;
	p0 =	seq.s32 s7, s2  }
0x1e: {  	s7 =	smul.u32 @!p0 $0xF7A, s2;
	p2 =	seq.s32 @!p0 s5, $0x0  }
0x1f: {  	s9 =	smul.u32 $0xF7A, s1;
	s8 =	simm.s32 @!p0 $0x1BF5;
	p2 =	por !p2, p0  }
0x20: {  	[sflag:s8] =	ssyncset.s32 @!p0 $0xFFFFF086;
	s6 =	sadd.s32 @!p0 s3, s7;
	s7 =	simm.s32 @!p0 $0x108  }
0x21: {  	s3 =	sadd.s32 s3, s9;
	s6 =	sadd.s32 @!p0 $0x88, s6;
	s7 =	simm.s32 @p2 $0x1082  }
0x22: {  	[simem:s7], [sflag:s8] =	dma.local @!p0 [hbm:s6], $0xF7A  }
0x23: {  	s9 =	sor.u32 $0xD0000000, s2;
	s6 =	simm.s32 $0x108;
	_ =	swait.ge @!p0 [sflag:s8], $0x0  }
0x24: {  	s3 =	sadd.s32 $0x88, s3;
	s6 =	simm.s32 @!p1 $0x1082;
	[sflag:s4] =	ssyncset.s32 $0xFFFFF086  }
0x25: {  	[simem:s6], [sflag:s4] =	dma.local [hbm:s3], $0xF7A  }
0x26: {  	[smem:$0x3F96] =	sst s1;
	(tag) =	ssettag s2;
	_ =	strace s9  }
0x27: {  	s1 =	sld [smem:$0x3FA6]  }
0x28: {  	s2 =	sld [smem:$0x3FA7]  }
0x29: {  	s4 =	sld [smem:$0x3FA9]  }
0x2a: {  	p0 =	seq.s32 s5, $0x0;
	s5 =	sld [smem:$0x3FAA]  }
0x2b: {  	s6 =	sld [smem:$0x3FAB]  }
0x2c: {  	s7 =	sld [smem:$0x3FAC]  }
0x2d: {  	s3 =	simm.s32 $0x108;
	s8 =	sld [smem:$0x3FAD]  }
0x2e: {  	s3 =	simm.s32 @!p0 $0x1082;
	s9 =	sld [smem:$0x3FAE]  }
0x2f: {  	lr =	sadd.s32 s0, s3;
	s0 =	sld [smem:$0x3FA5]  }
0x30: {  	s3 =	sld [smem:$0x3FA8]  }
0x31: {  	[smem:$0x3FB1] =	sst s10  }
0x32: {  	s10 =	sld [smem:$0x3FAF];
	_ =	sdelay $0x3  }
0x33: {  	p0 =	seq.s32 s10, $0x1;
	s10 =	sld [smem:$0x3FB1];
	_ =	sdelay $0x3  }
0x34: {  	[smem:$0x3FB1] =	sst s10  }
0x35: {  	s10 =	sld [smem:$0x3FB0];
	_ =	sdelay $0x3  }
0x36: {  	p1 =	seq.s32 s10, $0x1;
	s10 =	sld [smem:$0x3FB1];
	_ =	sdelay $0x3  }
0x37: {  	[smem:$0x3FB1] =	sst s10  }
0x38: {  	s10 =	sld [smem:$0x3FB2]  }
0x39: {  	_ = 	snop;
	(pc) =	sbr.ind lr, $3  }
0x3a: {  	_ = 	snop  }
0x3b: {  	_ = 	snop  }
0x3c: {  	p2 =	seq.s32 s10, $0x1;
	s10 =	sld [smem:$0x3FB1]  }
0x3d: {  	_ =	shalt  }
0x3e: {  	_ =	shalt  }
0x3f: {  	_ =	shalt  }
0x40: {  	_ =	shalt  }
0x41: {  	_ =	shalt  }
0x42: {  	_ =	shalt  }
0x43: {  	_ =	shalt  }
0x44: {  	_ =	shalt  }
0x45: {  	_ =	shalt  }
0x46: {  	_ =	shalt  }
0x47: {  	_ =	shalt  }
0x48: {  	_ =	shalt  }
0x49: {  	_ =	shalt  }
0x4a: {  	_ =	shalt  }
0x4b: {  	_ =	shalt  }
0x4c: {  	_ =	shalt  }
0x4d: {  	_ =	shalt  }
0x4e: {  	_ =	shalt  }
0x4f: {  	_ =	shalt  }
0x50: {  	_ =	shalt  }
0x51: {  	_ =	shalt  }
0x52: {  	_ =	shalt  }
0x53: {  	_ =	shalt  }
0x54: {  	_ =	shalt  }
0x55: {  	_ =	shalt  }
0x56: {  	_ =	shalt  }
0x57: {  	_ =	shalt  }
0x58: {  	_ =	shalt  }
0x59: {  	_ =	shalt  }
0x5a: {  	_ =	shalt  }
0x5b: {  	_ =	shalt  }
0x5c: {  	_ =	shalt  }
0x5d: {  	_ =	shalt  }
0x5e: {  	_ =	shalt  }
0x5f: {  	_ =	shalt  }
0x60: {  	_ =	shalt  }
0x61: {  	_ =	shalt  }
0x62: {  	_ =	shalt  }
0x63: {  	_ =	shalt  }
0x64: {  	_ =	shalt  }
0x65: {  	_ =	shalt  }
0x66: {  	_ =	shalt  }
0x67: {  	_ =	shalt  }
0x68: {  	_ =	shalt  }
0x69: {  	_ =	shalt  }
0x6a: {  	_ =	shalt  }
0x6b: {  	_ =	shalt  }
0x6c: {  	_ =	shalt  }
0x6d: {  	_ =	shalt  }
0x6e: {  	_ =	shalt  }
0x6f: {  	_ =	shalt  }
0x70: {  	_ =	shalt  }
0x71: {  	_ =	shalt  }
0x72: {  	_ =	shalt  }
0x73: {  	_ =	shalt  }
0x74: {  	_ =	shalt  }
0x75: {  	_ =	shalt  }
0x76: {  	_ =	shalt  }
0x77: {  	_ =	shalt  }
0x78: {  	_ =	shalt  }
0x79: {  	_ =	shalt  }
0x7a: {  	_ =	shalt  }
0x7b: {  	_ =	shalt  }
0x7c: {  	_ =	shalt  }
0x7d: {  	_ =	shalt  }
0x7e: {  	_ =	shalt  }
0x7f: {  	_ =	shalt  }
0x80: {  	_ =	shalt  }
0x81: {  	_ =	shalt  }
0x82: {  	_ =	shalt  }
0x83: {  	_ =	shalt  }
0x84: {  	_ =	shalt  }
0x85: {  	_ =	shalt  }
0x86: {  	_ =	shalt  }
0x87: {  	_ =	shalt  }
.Lfunc_end0:
.L_simem_size_0:
called_computation.2_lowered:
.L_overlay_start_0:
0x88: {  	s2 =	sld [smem:$0x3FD9]  }
0x89: {  	s3 =	sld [smem:$0x3FFE];
	_ =	sdelay $0x1  }
0x8a: {  	s1 =	srdreg.scid  }
0x8b: {  	s0 =	sand.u32 $0x1, s1  }
0x8c: {  	s16 =	sshll.u32 s0, $0xA;
	s2 =	sadd.s32 s3, s2  }
0x8d: {  	s2 =	sadd.s32 s2, s16  }
0x8e: {  	[smem:$0x3FBD] =	sst s2  }
0x8f: {  	_ = 	snop  }
0x90: {  	(tm) =	ssettm $0x1  }
0x91: {  	s17 =	sld [smem:$0x3FFB];
	_ =	sdelay $0x3  }
0x92: {  	_ =	strace s17  }
0x93: {  	s2 =	sld [smem:$0x3FFC];
	_ =	sdelay $0x3  }
0x94: {  	_ =	strace s2  }
0x95: {  	s2 =	sld [smem:$0x3FFD];
	_ =	sdelay $0x3  }
0x96: {  	_ =	strace s2  }
0x97: {  	_ =	strace $0x8FFFFFFF  }
0x98: {  	s18 =	sld [smem:$0x3FDB];
	_ =	sdelay $0x1  }
0x99: {  	s19 =	simm.s32 $_scs_section_size  }
0x9a: {  	s4 =	simm.s32 $_size__tile_overlayer_lowered;
	s5 =	simm.s32 $_tile_overlayer_lowered  }
0x9b: {  	s22 =	simm.s32 $0x1BFF;
	s21 =	sshll.u32 s5, $0x1;
	s2 =	sadd.s32 s19, s18  }
0x9c: {  	s6 =	simm.s32 $0x0;
	s20 =	sshll.u32 s4, $0x1;
	s4 =	sadd.s32 s21, s2  }
0x9d: {  	[timem:s6], [sflag:s22] =	dma.local [hbm:s4], s20  }
0x9e: {  	_ =	swait.ge [sflag:s22], s20  }
0x9f: {  	s3 =	ssub.s32 $0x0, s20;
	[sflag:s22] =	ssyncset.done $0x0  }
0xa0: {  	[sflag:s22] =	ssyncadd.s32 s3;
	_ =	sdelay $0x1  }
0xa1: {  	s23 =	simm.s32 $0x1B8B  }
0xa2: {  	_ =	swait.ge [sflag:s23], $0x1  }
0xa3: {  	[sflag:s23] =	ssyncset.done $0x0  }
0xa4: {  	s25 =	simm.s32 $0x1B8E;
	s24 =	sld [smem:$0x3FFE];
	[sflag:s23] =	ssyncadd.s32 $0xFFFFFFFF  }
0xa5: {  	s26 =	simm.s32 $execute0_lowered;
	[smem:$0x3FD2] =	sst s25  }
0xa6: {  	s4 =	sshll.u32 s26, $0x1;
	_ =	strace $0x8000004C;
	[dreg:$0x1] =	wrdreg $0xFFFFFFFF  }
0xa7: {  	s28 =	simm.s32 $_size_execute0_lowered;
	s2 =	sadd.s32 s2, s4;
	[dreg:$0x0] =	wrdreg $0x0  }
0xa8: {  	s4 =	sshll.u32 s28, $0x1;
	[dreg:$0x2] =	wrdreg s2  }
0xa9: {  	[dreg:$0x3] =	wrdreg s4  }
0xaa: {  	[dreg:$0x4] =	wrdreg $0xC0  }
0xab: {  	_ =	task [dreg:s6], $0x5FFFF  }
0xac: {  	[dreg:$0x1] =	wrdreg $0xFFFFFFFF  }
0xad: {  	[dreg:$0x0] =	wrdreg $0x60  }
0xae: {  	[dreg:$0x2] =	wrdreg s24  }
0xaf: {  	[dreg:$0x3] =	wrdreg $0xCF000  }
0xb0: {  	[dreg:$0x4] =	wrdreg $0x9  }
0xb1: {  	_ =	task.clear_ibuf [dreg:s6], $0x5FFFF;
	_ =	strace $0x9000004C  }
0xb2: {  	s29 =	simm.s32 $0x9;
	_ =	strace $0x8000004E  }
0xb3: {  	_ =	swait.ge [sflag:s29], $0x1  }
0xb4: {  	[sflag:s29] =	ssyncadd.s32 $0xFFFFFFFF  }
0xb5: {  	_ =	strace $0x9000004E  }
0xb6: {  	_ =	sfence  }
0xb7: {  	s30 =	sld [smem:$0x0];
	_ =	sdelay $0x2  }
0xb8: {  	s31 =	sshll.u32 s1, $0xD;
	s1 =	sshrl.u32 s1, $0x2  }
0xb9: {  	s3 =	sand.u32 $0x4000, s31;
	s1 =	sadd.s32 s1, s30  }
0xba: {  	s0 =	sor.u32 s3, s0;
	s1 =	sshll.u32 s1, $0x11  }
0xbb: {  	s0 =	sor.u32 s1, s0  }
0xbc: {  	s0 =	sadd.s32 $0x8F2B, s0  }
0xbd: {  	[sflag:s0] =	ssyncadd.remote.s32 $0x1  }
0xbe: {  	_ =	sfence.sel $0xFFFF  }
0xbf: {  	[dreg:$0x0] =	wrdreg $0xFFFFFFFF;
	(pc) =	sbr.abs _section_cstart, $3  }
0xc0: {  	[dreg:$0x1] =	wrdreg $0xFFFFFFFF  }
0xc1: {  	_ =	task.clear_ibuf [dreg:s6], $0x2FFFF;
	_ =	strace $0x9FFFFFFF  }
0xc2: {  	(tm) =	ssettm $0x7FFFFFFF  }
0xc3: {  	_ =	shalt  }
tec
execute0_lowered:
.L_overlay_start_1:
0x0: {  	(tag) =	ssettag $0x1  }
0x1: {  	s0 =	srdreg.scid;
	s5 =	rddreg [dreg:$0x0]  }
0x2: {  	s10 =	stileid.u32;
	s2 =	rddreg [dreg:$0x1];
	s3 =	simm.s32 $0x0  }
0x3: {  	s14 =	simm.s32 $0x4F00;
	s15 =	simm.s32 $0x9;
	s17 =	simm.s32 $0x80  }
0x4: {  	s18 =	simm.s32 $0x5F00;
	s20 =	simm.s32 $0x6F00;
	s29 =	simm.s32 $0xAF00  }
0x5: {  	s30 =	simm.s32 $0xBF00;
	s31 =	simm.s32 $0x1;
	s16 =	simm.s32 $0x3  }
0x6: {  	s19 =	simm.s32 $0x4;
	s28 =	simm.s32 $0x8;
	s7 =	smul.u32 $0x5000, s10  }
0x7: {  	s0 =	sand.u32 $0x1, s0;
	[smem:$0x7FF] =	sst s3;
	s22 =	smul.u32 $0x14000, s10  }
0x8: {  	s4 =	sadd.s32 $0x21600, s5;
	s1 =	sshll.u32 s0, $0x4;
	s9 =	smul.u32 $0x50000, s0  }
0x9: {  	_ =	strace $0x8000004D;
	s0 =	ssub.s32 $0x2, s0;
	s1 =	sor.u32 s10, s1  }
0xa: {  	s23 =	sshrl.u32 s0, $0x1;
	s6 =	smul.u32 $0x4E, s1;
	s8 =	smin.u32 s1, $0x4  }
0xb: {  	s21 =	sadd.s32 s7, s9;
	s9 =	sshrl.u32 s22, $0x2;
	s0 =	ssub.s32 s0, s23  }
0xc: {  	s22 =	simm.s32 $0x7F00;
	p0 =	sgt.u32 s1, $0x3;
	s1 =	simm.s32 $0x2  }
0xd: {  	s23 =	simm.s32 $0x6;
	s24 =	sadd.s32 s9, s2;
	s13 =	smax.u32 s0, $0x1  }
0xe: {  	s6 =	sadd.s32 s8, s6;
	s8 =	sshrl.u32 s21, $0x3;
	s9 =	sadd.s32 $0x1000, s24  }
0xf: {  	s25 =	sadd.s32 $0x2000, s24;
	s26 =	sadd.s32 $0x3000, s24;
	[dreg:$0x3] =	wrdreg s9  }
0x10: {  	s21 =	simm.s32 $0x5;
	s6 =	sshll.u32 s6, $0x4;
	[dreg:$0x4] =	wrdreg s25  }
0x11: {  	s8 =	sadd.s32 s8, s5;
	[dreg:$0x5] =	wrdreg s26;
	s26 =	simm.s32 $0x9F00  }
0x12: {  	s25 =	simm.s32 $0x7;
	s6 =	sadd.s32 s6, s5;
	s5 =	sadd.s32 s7, s2  }
0x13: {  	s7 =	sadd.s32 $0x4000, s24;
	s12 =	sadd.s32 $0x2B600, s8;
	s24 =	simm.s32 $0x8F00  }
0x14: {  	v0 =	vimm.f32 $0.0e+00;
	[dreg:$0x6] =	wrdreg s7;
	s10 =	sadd.s32 $0x17800, s6;
	s11 =	sadd.s32 $0xD800, s6  }
.LBB2_1:
0x15: {  	s0 =	simm.s32 $0x80;
	s6 =	simm.s32 $0x0  }
.LBB2_2:
0x16: {  	p1 =	sne.s32 s0, $0x3F80;
	[tilespmem:s6+$0x4F00] =	vst v0;
	s7 =	smov.u32 s0;
	s0 =	sadd.s32 $0x80, s0  }
.Ltmp0:
0x17: {  	[tilespmem:s6+$0x4F10] =	vst v0;
	(pc) =	sbr.rel @p1 .LBB2_2-.Ltmp0, $2  }
0x18: {  	_ =	sdelay $0x2  }
0x19: {  	s6 =	sshra.s32 s7, $0x2  }
0x1a: {  	[tilespmem:s6+$0x4F00] =	vst v0  }
0x1b: {  	[tilespmem:s6+$0x4F10] =	vst v0  }
0x1c: {  	[spmem:s5] =	stream.linear.scatter [tilespmem:s14], [sflag:$0x9], $0x1000, $0x38;
	[tilespmem:$0x11F00] =	vst v63  }
0x1d: {  	_ =	swait.ge [sflag:s15], $0x1000  }
0x1e: {  	[sflag:s15] =	ssyncset.done $0x0  }
0x1f: {  	s0 =	rddreg [dreg:$0x3];
	[sflag:s15] =	ssyncadd.s32 $0xFFFFF000  }
0x20: {  	[spmem:s0] =	stream.linear.scatter [tilespmem:s14], [sflag:$0x9], $0x1000, $0x38;
	[tilespmem:$0x11F00] =	vst v63  }
0x21: {  	_ =	swait.ge [sflag:s15], $0x1000  }
0x22: {  	[sflag:s15] =	ssyncset.done $0x0  }
0x23: {  	s8 =	rddreg [dreg:$0x4];
	[sflag:s15] =	ssyncadd.s32 $0xFFFFF000  }
0x24: {  	[spmem:s8] =	stream.linear.scatter [tilespmem:s14], [sflag:$0x9], $0x1000, $0x38;
	[tilespmem:$0x11F00] =	vst v63  }
0x25: {  	_ =	swait.ge [sflag:s15], $0x1000  }
0x26: {  	[sflag:s15] =	ssyncset.done $0x0  }
0x27: {  	s9 =	rddreg [dreg:$0x5];
	[sflag:s15] =	ssyncadd.s32 $0xFFFFF000  }
0x28: {  	[spmem:s9] =	stream.linear.scatter [tilespmem:s14], [sflag:$0x9], $0x1000, $0x38;
	[tilespmem:$0x11F00] =	vst v63  }
0x29: {  	_ =	swait.ge [sflag:s15], $0x1000  }
0x2a: {  	[sflag:s15] =	ssyncset.done $0x0  }
0x2b: {  	s6 =	rddreg [dreg:$0x6];
	[sflag:s15] =	ssyncadd.s32 $0xFFFFF000  }
0x2c: {  	[spmem:s6] =	stream.linear.scatter [tilespmem:s14], [sflag:$0x9], $0x1000, $0x38;
	[tilespmem:$0x11F00] =	vst v63  }
0x2d: {  	_ =	swait.ge [sflag:s15], $0x1000  }
0x2e: {  	[sflag:s15] =	ssyncset.done $0x0  }
0x2f: {  	[sflag:s15] =	ssyncadd.s32 $0xFFFFF000  }
0x30: {  	s7 =	simm.s32 $0x0;
	[bflag:$0x0] =	sbarrier.arrive $0xFFFF  }
0x31: {  	[tilespmem:s7], [sflag:$0x9] =	stream.linear.gather [hbm4b:s10+s7], $0x2780, $0x38;
	[tilespmem:$0x11F00] =	vst v63  }
0x32: {  	_ =	swait.ge [sflag:s15], $0x2780  }
0x33: {  	[sflag:s15] =	ssyncset.done $0x0  }
0x34: {  	s8 =	simm.s32 $0x2780;
	[sflag:s15] =	ssyncadd.s32 $0xFFFFD880  }
0x35: {  	[tilespmem:s8], [sflag:$0x9] =	stream.linear.gather [hbm4b:s11+s7], $0x2780, $0x38;
	[tilespmem:$0x11F00] =	vst v63  }
0x36: {  	_ =	swait.ge [sflag:s15], $0x2780  }
0x37: {  	[sflag:s15] =	ssyncset.done $0x0  }
0x38: {  	[sflag:s15] =	ssyncadd.s32 $0xFFFFD880  }
0x39: {  	[tilespmem:s14], [sflag:$0x1] =	stream.indirect.gather [hbm4b:s4+s17], $0x20, s7, s17, $0xb8;
	[tilespmem:$0x11F00] =	vst v63  }
0x3a: {  	_ = 	snop  }
0x3b: {  	[tilespmem:s18], [sflag:$0x2] =	stream.indirect.gather [hbm4b:s4+s17], $0x20, s17, s17, $0xb8;
	[tilespmem:$0x11F00] =	vst v63  }
0x3c: {  	s9 =	simm.s32 $0x100  }
0x3d: {  	[tilespmem:s20], [sflag:$0x3] =	stream.indirect.gather [hbm4b:s4+s17], $0x20, s9, s17, $0xb8;
	[tilespmem:$0x11F00] =	vst v63  }
0x3e: {  	s6 =	simm.s32 $0x180  }
0x3f: {  	[tilespmem:s22], [sflag:$0x4] =	stream.indirect.gather [hbm4b:s4+s17], $0x20, s6, s17, $0xb8;
	[tilespmem:$0x11F00] =	vst v63  }
0x40: {  	s7 =	simm.s32 $0x200  }
0x41: {  	[tilespmem:s24], [sflag:$0x5] =	stream.indirect.gather [hbm4b:s4+s17], $0x20, s7, s17, $0xb8;
	[tilespmem:$0x11F00] =	vst v63  }
0x42: {  	s8 =	simm.s32 $0x280  }
0x43: {  	[tilespmem:s26], [sflag:$0x6] =	stream.indirect.gather [hbm4b:s4+s17], $0x20, s8, s17, $0xb8;
	[tilespmem:$0x11F00] =	vst v63  }
0x44: {  	s9 =	simm.s32 $0x300  }
0x45: {  	[tilespmem:s29], [sflag:$0x7] =	stream.indirect.gather [hbm4b:s4+s17], $0x20, s9, s17, $0xb8;
	[tilespmem:$0x11F00] =	vst v63  }
0x46: {  	s6 =	simm.s32 $0x380  }
0x47: {  	[tilespmem:s30], [sflag:$0x8] =	stream.indirect.gather [hbm4b:s4+s17], $0x20, s6, s17, $0xb8;
	[tilespmem:$0x11F00] =	vst v63  }
0x48: {  	_ =	swait.ge [sflag:s31], $0x1000  }
0x49: {  	[sflag:s31] =	ssyncset.done $0x0  }
0x4a: {  	s7 =	simm.s32 $0x2780;
	[sflag:s31] =	ssyncadd.s32 $0xFFFFF000  }
0x4b: {  	[spmem:s2] =	stream.indirect.scatter.add.f32 [tilespmem:s14], [sflag:$0x9], $0x20, s7, s17, $0xb8;
	[tilespmem:$0x11F00] =	vst v63  }
0x4c: {  	_ =	swait.ge [sflag:s15], $0x1000  }
0x4d: {  	[sflag:s15] =	ssyncset.done $0x0  }
0x4e: {  	s8 =	simm.s32 $0x400;
	[sflag:s15] =	ssyncadd.s32 $0xFFFFF000  }
0x4f: {  	[tilespmem:s14], [sflag:$0x1] =	stream.indirect.gather [hbm4b:s4+s17], $0x20, s8, s17, $0xb8;
	[tilespmem:$0x11F00] =	vst v63  }
0x50: {  	_ =	swait.ge [sflag:s1], $0x1000  }
0x51: {  	[sflag:s1] =	ssyncset.done $0x0  }
0x52: {  	s9 =	simm.s32 $0x2800;
	[sflag:s1] =	ssyncadd.s32 $0xFFFFF000  }
0x53: {  	[spmem:s2] =	stream.indirect.scatter.add.f32 [tilespmem:s18], [sflag:$0x9], $0x20, s9, s17, $0xb8;
	[tilespmem:$0x11F00] =	vst v63  }
0x54: {  	_ =	swait.ge [sflag:s15], $0x1000  }
0x55: {  	[sflag:s15] =	ssyncset.done $0x0  }
0x56: {  	s6 =	simm.s32 $0x480;
	[sflag:s15] =	ssyncadd.s32 $0xFFFFF000  }
0x57: {  	[tilespmem:s18], [sflag:$0x2] =	stream.indirect.gather [hbm4b:s4+s17], $0x20, s6, s17, $0xb8;
	[tilespmem:$0x11F00] =	vst v63  }
0x58: {  	_ =	swait.ge [sflag:s16], $0x1000  }
0x59: {  	[sflag:s16] =	ssyncset.done $0x0  }
0x5a: {  	s7 =	simm.s32 $0x2880;
	[sflag:s16] =	ssyncadd.s32 $0xFFFFF000  }
0x5b: {  	[spmem:s2] =	stream.indirect.scatter.add.f32 [tilespmem:s20], [sflag:$0x9], $0x20, s7, s17, $0xb8;
	[tilespmem:$0x11F00] =	vst v63  }
0x5c: {  	_ =	swait.ge [sflag:s15], $0x1000  }
0x5d: {  	[sflag:s15] =	ssyncset.done $0x0  }
0x5e: {  	s8 =	simm.s32 $0x500;
	[sflag:s15] =	ssyncadd.s32 $0xFFFFF000  }
0x5f: {  	[tilespmem:s20], [sflag:$0x3] =	stream.indirect.gather [hbm4b:s4+s17], $0x20, s8, s17, $0xb8;
	[tilespmem:$0x11F00] =	vst v63  }
0x60: {  	_ =	swait.ge [sflag:s19], $0x1000  }
0x61: {  	[sflag:s19] =	ssyncset.done $0x0  }
0x62: {  	s9 =	simm.s32 $0x2900;
	[sflag:s19] =	ssyncadd.s32 $0xFFFFF000  }
0x63: {  	[spmem:s2] =	stream.indirect.scatter.add.f32 [tilespmem:s22], [sflag:$0x9], $0x20, s9, s17, $0xb8;
	[tilespmem:$0x11F00] =	vst v63  }
0x64: {  	_ =	swait.ge [sflag:s15], $0x1000  }
0x65: {  	[sflag:s15] =	ssyncset.done $0x0  }
0x66: {  	s6 =	simm.s32 $0x580;
	[sflag:s15] =	ssyncadd.s32 $0xFFFFF000  }
0x67: {  	[tilespmem:s22], [sflag:$0x4] =	stream.indirect.gather [hbm4b:s4+s17], $0x20, s6, s17, $0xb8;
	[tilespmem:$0x11F00] =	vst v63  }
0x68: {  	_ =	swait.ge [sflag:s21], $0x1000  }
0x69: {  	[sflag:s21] =	ssyncset.done $0x0  }
0x6a: {  	s7 =	simm.s32 $0x2980;
	[sflag:s21] =	ssyncadd.s32 $0xFFFFF000  }
0x6b: {  	[spmem:s2] =	stream.indirect.scatter.add.f32 [tilespmem:s24], [sflag:$0x9], $0x20, s7, s17, $0xb8;
	[tilespmem:$0x11F00] =	vst v63  }
0x6c: {  	_ =	swait.ge [sflag:s15], $0x1000  }
0x6d: {  	[sflag:s15] =	ssyncset.done $0x0  }
0x6e: {  	s8 =	simm.s32 $0x600;
	[sflag:s15] =	ssyncadd.s32 $0xFFFFF000  }
0x6f: {  	[tilespmem:s24], [sflag:$0x5] =	stream.indirect.gather [hbm4b:s4+s17], $0x20, s8, s17, $0xb8;
	[tilespmem:$0x11F00] =	vst v63  }
0x70: {  	_ =	swait.ge [sflag:s23], $0x1000  }
0x71: {  	[sflag:s23] =	ssyncset.done $0x0  }
0x72: {  	s9 =	simm.s32 $0x2A00;
	[sflag:s23] =	ssyncadd.s32 $0xFFFFF000  }
0x73: {  	[spmem:s2] =	stream.indirect.scatter.add.f32 [tilespmem:s26], [sflag:$0x9], $0x20, s9, s17, $0xb8;
	[tilespmem:$0x11F00] =	vst v63  }
0x74: {  	_ =	swait.ge [sflag:s15], $0x1000  }
0x75: {  	[sflag:s15] =	ssyncset.done $0x0  }
0x76: {  	s6 =	simm.s32 $0x680;
	[sflag:s15] =	ssyncadd.s32 $0xFFFFF000  }
0x77: {  	[tilespmem:s26], [sflag:$0x6] =	stream.indirect.gather [hbm4b:s4+s17], $0x20, s6, s17, $0xb8;
	[tilespmem:$0x11F00] =	vst v63  }
0x78: {  	_ =	swait.ge [sflag:s25], $0x1000  }
0x79: {  	[sflag:s25] =	ssyncset.done $0x0  }
0x7a: {  	s7 =	simm.s32 $0x2A80;
	[sflag:s25] =	ssyncadd.s32 $0xFFFFF000  }
0x7b: {  	[spmem:s2] =	stream.indirect.scatter.add.f32 [tilespmem:s29], [sflag:$0x9], $0x20, s7, s17, $0xb8;
	[tilespmem:$0x11F00] =	vst v63  }
0x7c: {  	_ =	swait.ge [sflag:s15], $0x1000  }
0x7d: {  	[sflag:s15] =	ssyncset.done $0x0  }
0x7e: {  	s8 =	simm.s32 $0x700;
	[sflag:s15] =	ssyncadd.s32 $0xFFFFF000  }
0x7f: {  	[tilespmem:s29], [sflag:$0x7] =	stream.indirect.gather [hbm4b:s4+s17], $0x20, s8, s17, $0xb8;
	[tilespmem:$0x11F00] =	vst v63  }
0x80: {  	_ =	swait.ge [sflag:s28], $0x1000  }
0x81: {  	[sflag:s28] =	ssyncset.done $0x0  }
0x82: {  	s9 =	simm.s32 $0x2B00;
	[sflag:s28] =	ssyncadd.s32 $0xFFFFF000  }
0x83: {  	[spmem:s2] =	stream.indirect.scatter.add.f32 [tilespmem:s30], [sflag:$0x9], $0x20, s9, s17, $0xb8;
	[tilespmem:$0x11F00] =	vst v63  }
0x84: {  	_ =	swait.ge [sflag:s15], $0x1000  }
0x85: {  	s0 =	simm.s32 $0x400;
	s6 =	simm.s32 $0x2000;
	[sflag:s15] =	ssyncset.done $0x0  }
.LBB2_4:
0x86: {  	s9 =	sadd.s32 $0x380, s0  }
0x87: {  	[sflag:s15] =	ssyncadd.s32 $0xFFFFF000;
	s7 =	smov.u32 s6;
	s8 =	sadd.s32 $0x1000, s6  }
0x88: {  	[tilespmem:s30], [sflag:$0x8] =	stream.indirect.gather [hbm4b:s4+s17], $0x20, s9, s17, $0xb8;
	[tilespmem:$0x11F00] =	vst v63  }
0x89: {  	p1 =	sne.s32 s6, $0x7000;
	_ =	swait.ge [sflag:s31], $0x1000  }
0x8a: {  	[sflag:s31] =	ssyncset.done $0x0  }
0x8b: {  	s6 =	sadd.s32 $0x2780, s0;
	[sflag:s31] =	ssyncadd.s32 $0xFFFFF000  }
0x8c: {  	[spmem:s2] =	stream.indirect.scatter.add.f32 [tilespmem:s14], [sflag:$0x9], $0x20, s6, s17, $0xb8;
	[tilespmem:$0x11F00] =	vst v63  }
0x8d: {  	_ =	swait.ge [sflag:s15], $0x1000  }
0x8e: {  	[sflag:s15] =	ssyncset.done $0x0  }
0x8f: {  	s6 =	sadd.s32 $0x400, s0;
	[sflag:s15] =	ssyncadd.s32 $0xFFFFF000  }
0x90: {  	[tilespmem:s14], [sflag:$0x1] =	stream.indirect.gather [hbm4b:s4+s17], $0x20, s6, s17, $0xb8;
	[tilespmem:$0x11F00] =	vst v63  }
0x91: {  	_ =	swait.ge [sflag:s1], $0x1000  }
0x92: {  	[sflag:s1] =	ssyncset.done $0x0  }
0x93: {  	s6 =	sadd.s32 $0x2800, s0;
	[sflag:s1] =	ssyncadd.s32 $0xFFFFF000  }
0x94: {  	[spmem:s2] =	stream.indirect.scatter.add.f32 [tilespmem:s18], [sflag:$0x9], $0x20, s6, s17, $0xb8;
	[tilespmem:$0x11F00] =	vst v63  }
0x95: {  	_ =	swait.ge [sflag:s15], $0x1000  }
0x96: {  	[sflag:s15] =	ssyncset.done $0x0  }
0x97: {  	s6 =	sadd.s32 $0x480, s0;
	[sflag:s15] =	ssyncadd.s32 $0xFFFFF000  }
0x98: {  	[tilespmem:s18], [sflag:$0x2] =	stream.indirect.gather [hbm4b:s4+s17], $0x20, s6, s17, $0xb8;
	[tilespmem:$0x11F00] =	vst v63  }
0x99: {  	_ =	swait.ge [sflag:s16], $0x1000  }
0x9a: {  	[sflag:s16] =	ssyncset.done $0x0  }
0x9b: {  	s6 =	sadd.s32 $0x2880, s0;
	[sflag:s16] =	ssyncadd.s32 $0xFFFFF000  }
0x9c: {  	[spmem:s2] =	stream.indirect.scatter.add.f32 [tilespmem:s20], [sflag:$0x9], $0x20, s6, s17, $0xb8;
	[tilespmem:$0x11F00] =	vst v63  }
0x9d: {  	_ =	swait.ge [sflag:s15], $0x1000  }
0x9e: {  	[sflag:s15] =	ssyncset.done $0x0  }
0x9f: {  	s6 =	sadd.s32 $0x500, s0;
	[sflag:s15] =	ssyncadd.s32 $0xFFFFF000  }
0xa0: {  	[tilespmem:s20], [sflag:$0x3] =	stream.indirect.gather [hbm4b:s4+s17], $0x20, s6, s17, $0xb8;
	[tilespmem:$0x11F00] =	vst v63  }
0xa1: {  	_ =	swait.ge [sflag:s19], $0x1000  }
0xa2: {  	[sflag:s19] =	ssyncset.done $0x0  }
0xa3: {  	s6 =	sadd.s32 $0x2900, s0;
	[sflag:s19] =	ssyncadd.s32 $0xFFFFF000  }
0xa4: {  	[spmem:s2] =	stream.indirect.scatter.add.f32 [tilespmem:s22], [sflag:$0x9], $0x20, s6, s17, $0xb8;
	[tilespmem:$0x11F00] =	vst v63  }
0xa5: {  	_ =	swait.ge [sflag:s15], $0x1000  }
0xa6: {  	[sflag:s15] =	ssyncset.done $0x0  }
0xa7: {  	s6 =	sadd.s32 $0x580, s0;
	[sflag:s15] =	ssyncadd.s32 $0xFFFFF000  }
0xa8: {  	[tilespmem:s22], [sflag:$0x4] =	stream.indirect.gather [hbm4b:s4+s17], $0x20, s6, s17, $0xb8;
	[tilespmem:$0x11F00] =	vst v63  }
0xa9: {  	_ =	swait.ge [sflag:s21], $0x1000  }
0xaa: {  	[sflag:s21] =	ssyncset.done $0x0  }
0xab: {  	s6 =	sadd.s32 $0x2980, s0;
	[sflag:s21] =	ssyncadd.s32 $0xFFFFF000  }
0xac: {  	[spmem:s2] =	stream.indirect.scatter.add.f32 [tilespmem:s24], [sflag:$0x9], $0x20, s6, s17, $0xb8;
	[tilespmem:$0x11F00] =	vst v63  }
0xad: {  	_ =	swait.ge [sflag:s15], $0x1000  }
0xae: {  	[sflag:s15] =	ssyncset.done $0x0  }
0xaf: {  	s6 =	sadd.s32 $0x600, s0;
	[sflag:s15] =	ssyncadd.s32 $0xFFFFF000  }
0xb0: {  	[tilespmem:s24], [sflag:$0x5] =	stream.indirect.gather [hbm4b:s4+s17], $0x20, s6, s17, $0xb8;
	[tilespmem:$0x11F00] =	vst v63  }
0xb1: {  	_ =	swait.ge [sflag:s23], $0x1000  }
0xb2: {  	[sflag:s23] =	ssyncset.done $0x0  }
0xb3: {  	s6 =	sadd.s32 $0x2A00, s0;
	[sflag:s23] =	ssyncadd.s32 $0xFFFFF000  }
0xb4: {  	[spmem:s2] =	stream.indirect.scatter.add.f32 [tilespmem:s26], [sflag:$0x9], $0x20, s6, s17, $0xb8;
	[tilespmem:$0x11F00] =	vst v63  }
0xb5: {  	_ =	swait.ge [sflag:s15], $0x1000  }
0xb6: {  	[sflag:s15] =	ssyncset.done $0x0  }
0xb7: {  	s6 =	sadd.s32 $0x680, s0;
	[sflag:s15] =	ssyncadd.s32 $0xFFFFF000  }
0xb8: {  	[tilespmem:s26], [sflag:$0x6] =	stream.indirect.gather [hbm4b:s4+s17], $0x20, s6, s17, $0xb8;
	[tilespmem:$0x11F00] =	vst v63  }
0xb9: {  	_ =	swait.ge [sflag:s25], $0x1000  }
0xba: {  	[sflag:s25] =	ssyncset.done $0x0  }
0xbb: {  	s6 =	sadd.s32 $0x2A80, s0;
	[sflag:s25] =	ssyncadd.s32 $0xFFFFF000  }
0xbc: {  	[spmem:s2] =	stream.indirect.scatter.add.f32 [tilespmem:s29], [sflag:$0x9], $0x20, s6, s17, $0xb8;
	[tilespmem:$0x11F00] =	vst v63  }
0xbd: {  	_ =	swait.ge [sflag:s15], $0x1000  }
0xbe: {  	[sflag:s15] =	ssyncset.done $0x0  }
0xbf: {  	s6 =	sadd.s32 $0x700, s0;
	[sflag:s15] =	ssyncadd.s32 $0xFFFFF000  }
0xc0: {  	[tilespmem:s29], [sflag:$0x7] =	stream.indirect.gather [hbm4b:s4+s17], $0x20, s6, s17, $0xb8;
	[tilespmem:$0x11F00] =	vst v63  }
0xc1: {  	_ =	swait.ge [sflag:s28], $0x1000  }
.Ltmp1:
0xc2: {  	[sflag:s28] =	ssyncset.done $0x0;
	(pc) =	sbr.rel @p1 .LBB2_4-.Ltmp1, $4  }
0xc3: {  	s0 =	sadd.s32 $0x2B00, s0;
	[sflag:s28] =	ssyncadd.s32 $0xFFFFF000  }
0xc4: {  	[spmem:s2] =	stream.indirect.scatter.add.f32 [tilespmem:s30], [sflag:$0x9], $0x20, s0, s17, $0xb8;
	[tilespmem:$0x11F00] =	vst v63  }
0xc5: {  	_ =	swait.ge [sflag:s15], $0x1000  }
0xc6: {  	s6 =	smov.u32 s8;
	s0 =	sshra.s32 s7, $0x2;
	[sflag:s15] =	ssyncset.done $0x0  }
0xc7: {  	s6 =	sadd.s32 $0x380, s0;
	[sflag:s15] =	ssyncadd.s32 $0xFFFFF000  }
0xc8: {  	[tilespmem:s30], [sflag:$0x8] =	stream.indirect.gather [hbm4b:s4+s17], $0x20, s6, s17, $0xb8;
	[tilespmem:$0x11F00] =	vst v63  }
0xc9: {  	_ =	swait.ge [sflag:s31], $0x1000  }
0xca: {  	[sflag:s31] =	ssyncset.done $0x0  }
0xcb: {  	s8 =	sadd.s32 $0x2780, s0;
	[sflag:s31] =	ssyncadd.s32 $0xFFFFF000  }
0xcc: {  	[spmem:s2] =	stream.indirect.scatter.add.f32 [tilespmem:s14], [sflag:$0x9], $0x20, s8, s17, $0xb8;
	[tilespmem:$0x11F00] =	vst v63  }
0xcd: {  	_ =	swait.ge [sflag:s15], $0x1000  }
0xce: {  	[sflag:s15] =	ssyncset.done $0x0  }
0xcf: {  	s9 =	sadd.s32 $0x400, s0;
	[sflag:s15] =	ssyncadd.s32 $0xFFFFF000  }
0xd0: {  	[tilespmem:s14], [sflag:$0x1] =	stream.indirect.gather [hbm4b:s4+s17], $0x20, s9, s17, $0xb8;
	[tilespmem:$0x11F00] =	vst v63  }
0xd1: {  	_ =	swait.ge [sflag:s1], $0x1000  }
0xd2: {  	[sflag:s1] =	ssyncset.done $0x0  }
0xd3: {  	s7 =	sadd.s32 $0x2800, s0;
	[sflag:s1] =	ssyncadd.s32 $0xFFFFF000  }
0xd4: {  	[spmem:s2] =	stream.indirect.scatter.add.f32 [tilespmem:s18], [sflag:$0x9], $0x20, s7, s17, $0xb8;
	[tilespmem:$0x11F00] =	vst v63  }
0xd5: {  	_ =	swait.ge [sflag:s15], $0x1000  }
0xd6: {  	[sflag:s15] =	ssyncset.done $0x0  }
0xd7: {  	s8 =	sadd.s32 $0x480, s0;
	[sflag:s15] =	ssyncadd.s32 $0xFFFFF000  }
0xd8: {  	[tilespmem:s18], [sflag:$0x2] =	stream.indirect.gather [hbm4b:s4+s17], $0x20, s8, s17, $0xb8;
	[tilespmem:$0x11F00] =	vst v63  }
0xd9: {  	_ =	swait.ge [sflag:s16], $0x1000  }
0xda: {  	[sflag:s16] =	ssyncset.done $0x0  }
0xdb: {  	s9 =	sadd.s32 $0x2880, s0;
	[sflag:s16] =	ssyncadd.s32 $0xFFFFF000  }
0xdc: {  	[spmem:s2] =	stream.indirect.scatter.add.f32 [tilespmem:s20], [sflag:$0x9], $0x20, s9, s17, $0xb8;
	[tilespmem:$0x11F00] =	vst v63  }
0xdd: {  	_ =	swait.ge [sflag:s15], $0x1000  }
0xde: {  	[sflag:s15] =	ssyncset.done $0x0  }
0xdf: {  	s7 =	sadd.s32 $0x500, s0;
	[sflag:s15] =	ssyncadd.s32 $0xFFFFF000  }
0xe0: {  	[tilespmem:s20], [sflag:$0x3] =	stream.indirect.gather [hbm4b:s4+s17], $0x20, s7, s17, $0xb8;
	[tilespmem:$0x11F00] =	vst v63  }
0xe1: {  	_ =	swait.ge [sflag:s19], $0x1000  }
0xe2: {  	[sflag:s19] =	ssyncset.done $0x0  }
0xe3: {  	s8 =	sadd.s32 $0x2900, s0;
	[sflag:s19] =	ssyncadd.s32 $0xFFFFF000  }
0xe4: {  	[spmem:s2] =	stream.indirect.scatter.add.f32 [tilespmem:s22], [sflag:$0x9], $0x20, s8, s17, $0xb8;
	[tilespmem:$0x11F00] =	vst v63  }
0xe5: {  	_ =	swait.ge [sflag:s15], $0x1000  }
0xe6: {  	[sflag:s15] =	ssyncset.done $0x0  }
0xe7: {  	s9 =	sadd.s32 $0x580, s0;
	[sflag:s15] =	ssyncadd.s32 $0xFFFFF000  }
0xe8: {  	[tilespmem:s22], [sflag:$0x4] =	stream.indirect.gather [hbm4b:s4+s17], $0x20, s9, s17, $0xb8;
	[tilespmem:$0x11F00] =	vst v63  }
0xe9: {  	_ =	swait.ge [sflag:s21], $0x1000  }
0xea: {  	[sflag:s21] =	ssyncset.done $0x0  }
0xeb: {  	s7 =	sadd.s32 $0x2980, s0;
	[sflag:s21] =	ssyncadd.s32 $0xFFFFF000  }
0xec: {  	[spmem:s2] =	stream.indirect.scatter.add.f32 [tilespmem:s24], [sflag:$0x9], $0x20, s7, s17, $0xb8;
	[tilespmem:$0x11F00] =	vst v63  }
0xed: {  	_ =	swait.ge [sflag:s15], $0x1000  }
0xee: {  	[sflag:s15] =	ssyncset.done $0x0  }
0xef: {  	s8 =	sadd.s32 $0x600, s0;
	[sflag:s15] =	ssyncadd.s32 $0xFFFFF000  }
0xf0: {  	[tilespmem:s24], [sflag:$0x5] =	stream.indirect.gather [hbm4b:s4+s17], $0x20, s8, s17, $0xb8;
	[tilespmem:$0x11F00] =	vst v63  }
0xf1: {  	_ =	swait.ge [sflag:s23], $0x1000  }
0xf2: {  	[sflag:s23] =	ssyncset.done $0x0  }
0xf3: {  	s9 =	sadd.s32 $0x2A00, s0;
	[sflag:s23] =	ssyncadd.s32 $0xFFFFF000  }
0xf4: {  	[spmem:s2] =	stream.indirect.scatter.add.f32 [tilespmem:s26], [sflag:$0x9], $0x20, s9, s17, $0xb8;
	[tilespmem:$0x11F00] =	vst v63  }
0xf5: {  	_ =	swait.ge [sflag:s15], $0x1000  }
0xf6: {  	[sflag:s15] =	ssyncset.done $0x0  }
0xf7: {  	s7 =	sadd.s32 $0x680, s0;
	[sflag:s15] =	ssyncadd.s32 $0xFFFFF000  }
0xf8: {  	[tilespmem:s26], [sflag:$0x6] =	stream.indirect.gather [hbm4b:s4+s17], $0x20, s7, s17, $0xb8;
	[tilespmem:$0x11F00] =	vst v63  }
0xf9: {  	_ =	swait.ge [sflag:s25], $0x1000  }
0xfa: {  	[sflag:s25] =	ssyncset.done $0x0  }
0xfb: {  	s8 =	sadd.s32 $0x2A80, s0;
	[sflag:s25] =	ssyncadd.s32 $0xFFFFF000  }
0xfc: {  	[spmem:s2] =	stream.indirect.scatter.add.f32 [tilespmem:s29], [sflag:$0x9], $0x20, s8, s17, $0xb8;
	[tilespmem:$0x11F00] =	vst v63  }
0xfd: {  	_ =	swait.ge [sflag:s15], $0x1000  }
0xfe: {  	[sflag:s15] =	ssyncset.done $0x0  }
0xff: {  	s9 =	sadd.s32 $0x700, s0;
	[sflag:s15] =	ssyncadd.s32 $0xFFFFF000  }
0x100: {  	[tilespmem:s29], [sflag:$0x7] =	stream.indirect.gather [hbm4b:s4+s17], $0x20, s9, s17, $0xb8;
	[tilespmem:$0x11F00] =	vst v63  }
0x101: {  	_ =	swait.ge [sflag:s28], $0x1000  }
0x102: {  	[sflag:s28] =	ssyncset.done $0x0  }
0x103: {  	s6 =	sadd.s32 $0x2B00, s0;
	[sflag:s28] =	ssyncadd.s32 $0xFFFFF000  }
0x104: {  	[spmem:s2] =	stream.indirect.scatter.add.f32 [tilespmem:s30], [sflag:$0x9], $0x20, s6, s17, $0xb8;
	[tilespmem:$0x11F00] =	vst v63  }
0x105: {  	_ =	swait.ge [sflag:s15], $0x1000  }
0x106: {  	[sflag:s15] =	ssyncset.done $0x0  }
0x107: {  	s7 =	simm.s32 $0x2380;
	[sflag:s15] =	ssyncadd.s32 $0xFFFFF000  }
0x108: {  	[tilespmem:s30], [sflag:$0x8] =	stream.indirect.gather [hbm4b:s4+s17], $0x20, s7, s17, $0xb8;
	[tilespmem:$0x11F00] =	vst v63  }
0x109: {  	_ =	swait.ge [sflag:s31], $0x1000  }
0x10a: {  	[sflag:s31] =	ssyncset.done $0x0  }
0x10b: {  	s8 =	simm.s32 $0x4780;
	[sflag:s31] =	ssyncadd.s32 $0xFFFFF000  }
0x10c: {  	[spmem:s2] =	stream.indirect.scatter.add.f32 [tilespmem:s14], [sflag:$0x9], $0x20, s8, s17, $0xb8;
	[tilespmem:$0x11F00] =	vst v63  }
0x10d: {  	_ =	swait.ge [sflag:s15], $0x1000  }
0x10e: {  	[sflag:s15] =	ssyncset.done $0x0  }
0x10f: {  	s9 =	simm.s32 $0x2400;
	[sflag:s15] =	ssyncadd.s32 $0xFFFFF000  }
0x110: {  	[tilespmem:s14], [sflag:$0x1] =	stream.indirect.gather [hbm4b:s4+s17], $0x20, s9, s17, $0xb8;
	[tilespmem:$0x11F00] =	vst v63  }
0x111: {  	_ =	swait.ge [sflag:s1], $0x1000  }
0x112: {  	[sflag:s1] =	ssyncset.done $0x0  }
0x113: {  	s6 =	simm.s32 $0x4800;
	[sflag:s1] =	ssyncadd.s32 $0xFFFFF000  }
0x114: {  	[spmem:s2] =	stream.indirect.scatter.add.f32 [tilespmem:s18], [sflag:$0x9], $0x20, s6, s17, $0xb8;
	[tilespmem:$0x11F00] =	vst v63  }
0x115: {  	_ =	swait.ge [sflag:s15], $0x1000  }
0x116: {  	[sflag:s15] =	ssyncset.done $0x0  }
0x117: {  	s7 =	simm.s32 $0x2480;
	[sflag:s15] =	ssyncadd.s32 $0xFFFFF000  }
0x118: {  	[tilespmem:s18], [sflag:$0x2] =	stream.indirect.gather [hbm4b:s4+s17], $0x20, s7, s17, $0xb8;
	[tilespmem:$0x11F00] =	vst v63  }
0x119: {  	_ =	swait.ge [sflag:s16], $0x1000  }
0x11a: {  	[sflag:s16] =	ssyncset.done $0x0  }
0x11b: {  	s8 =	simm.s32 $0x4880;
	[sflag:s16] =	ssyncadd.s32 $0xFFFFF000  }
0x11c: {  	[spmem:s2] =	stream.indirect.scatter.add.f32 [tilespmem:s20], [sflag:$0x9], $0x20, s8, s17, $0xb8;
	[tilespmem:$0x11F00] =	vst v63  }
0x11d: {  	_ =	swait.ge [sflag:s15], $0x1000  }
0x11e: {  	[sflag:s15] =	ssyncset.done $0x0  }
0x11f: {  	s9 =	simm.s32 $0x2500;
	[sflag:s15] =	ssyncadd.s32 $0xFFFFF000  }
0x120: {  	[tilespmem:s20], [sflag:$0x3] =	stream.indirect.gather [hbm4b:s4+s17], $0x20, s9, s17, $0xb8;
	[tilespmem:$0x11F00] =	vst v63  }
0x121: {  	_ =	swait.ge [sflag:s19], $0x1000  }
0x122: {  	[sflag:s19] =	ssyncset.done $0x0  }
0x123: {  	s6 =	simm.s32 $0x4900;
	[sflag:s19] =	ssyncadd.s32 $0xFFFFF000  }
0x124: {  	[spmem:s2] =	stream.indirect.scatter.add.f32 [tilespmem:s22], [sflag:$0x9], $0x20, s6, s17, $0xb8;
	[tilespmem:$0x11F00] =	vst v63  }
0x125: {  	_ =	swait.ge [sflag:s15], $0x1000  }
0x126: {  	[sflag:s15] =	ssyncset.done $0x0  }
0x127: {  	s7 =	simm.s32 $0x2580;
	[sflag:s15] =	ssyncadd.s32 $0xFFFFF000  }
0x128: {  	[tilespmem:s22], [sflag:$0x4] =	stream.indirect.gather [hbm4b:s4+s17], $0x20, s7, s17, $0xb8;
	[tilespmem:$0x11F00] =	vst v63  }
0x129: {  	_ =	swait.ge [sflag:s21], $0x1000  }
0x12a: {  	[sflag:s21] =	ssyncset.done $0x0  }
0x12b: {  	s8 =	simm.s32 $0x4980;
	[sflag:s21] =	ssyncadd.s32 $0xFFFFF000  }
0x12c: {  	[spmem:s2] =	stream.indirect.scatter.add.f32 [tilespmem:s24], [sflag:$0x9], $0x20, s8, s17, $0xb8;
	[tilespmem:$0x11F00] =	vst v63  }
0x12d: {  	_ =	swait.ge [sflag:s15], $0x1000  }
0x12e: {  	[sflag:s15] =	ssyncset.done $0x0  }
0x12f: {  	s9 =	simm.s32 $0x2600;
	[sflag:s15] =	ssyncadd.s32 $0xFFFFF000  }
0x130: {  	[tilespmem:s24], [sflag:$0x5] =	stream.indirect.gather [hbm4b:s4+s17], $0x20, s9, s17, $0xb8;
	[tilespmem:$0x11F00] =	vst v63  }
0x131: {  	_ =	swait.ge [sflag:s23], $0x1000  }
0x132: {  	[sflag:s23] =	ssyncset.done $0x0  }
0x133: {  	s6 =	simm.s32 $0x4A00;
	[sflag:s23] =	ssyncadd.s32 $0xFFFFF000  }
0x134: {  	[spmem:s2] =	stream.indirect.scatter.add.f32 [tilespmem:s26], [sflag:$0x9], $0x20, s6, s17, $0xb8;
	[tilespmem:$0x11F00] =	vst v63  }
0x135: {  	_ =	swait.ge [sflag:s15], $0x1000  }
0x136: {  	[sflag:s15] =	ssyncset.done $0x0  }
0x137: {  	s7 =	simm.s32 $0x2680;
	[sflag:s15] =	ssyncadd.s32 $0xFFFFF000  }
0x138: {  	[tilespmem:s26], [sflag:$0x6] =	stream.indirect.gather [hbm4b:s4+s17], $0x20, s7, s17, $0xb8;
	[tilespmem:$0x11F00] =	vst v63  }
0x139: {  	_ =	swait.ge [sflag:s25], $0x1000  }
0x13a: {  	[sflag:s25] =	ssyncset.done $0x0  }
0x13b: {  	s8 =	simm.s32 $0x4A80;
	[sflag:s25] =	ssyncadd.s32 $0xFFFFF000  }
0x13c: {  	[spmem:s2] =	stream.indirect.scatter.add.f32 [tilespmem:s29], [sflag:$0x9], $0x20, s8, s17, $0xb8;
	[tilespmem:$0x11F00] =	vst v63  }
0x13d: {  	_ =	swait.ge [sflag:s15], $0x1000  }
0x13e: {  	s0 =	simm.s32 @!p0 $0x80;
	[sflag:s15] =	ssyncset.done $0x0  }
0x13f: {  	s6 =	simm.s32 @!p0 $0x2700;
	s7 =	simm.s32 @!p0 $0xAF00;
	[sflag:s15] =	ssyncadd.s32 $0xFFFFF000  }
0x140: {  	[tilespmem:s7], [sflag:$0x7] =	stream.indirect.gather @!p0 [hbm4b:s4+s0], $0x20, s6, s0, $0xb8;
	[tilespmem:$0x11F00] =	vst v63  }
0x141: {  	_ =	swait.ge [sflag:s28], $0x1000  }
0x142: {  	[sflag:s28] =	ssyncset.done $0x0  }
0x143: {  	s9 =	simm.s32 $0x4B00;
	[sflag:s28] =	ssyncadd.s32 $0xFFFFF000  }
0x144: {  	[spmem:s2] =	stream.indirect.scatter.add.f32 [tilespmem:s30], [sflag:$0x9], $0x20, s9, s17, $0xb8;
	[tilespmem:$0x11F00] =	vst v63  }
0x145: {  	_ =	swait.ge [sflag:s15], $0x1000  }
0x146: {  	[sflag:s15] =	ssyncset.done $0x0  }
0x147: {  	[sflag:s15] =	ssyncadd.s32 $0xFFFFF000  }
0x148: {  	_ =	swait.ge [sflag:s31], $0x1000  }
0x149: {  	[sflag:s31] =	ssyncset.done $0x0  }
0x14a: {  	s8 =	simm.s32 $0x4B80;
	[sflag:s31] =	ssyncadd.s32 $0xFFFFF000  }
0x14b: {  	[spmem:s2] =	stream.indirect.scatter.add.f32 [tilespmem:s14], [sflag:$0x9], $0x20, s8, s17, $0xb8;
	[tilespmem:$0x11F00] =	vst v63  }
0x14c: {  	_ =	swait.ge [sflag:s15], $0x1000  }
0x14d: {  	[sflag:s15] =	ssyncset.done $0x0  }
0x14e: {  	[sflag:s15] =	ssyncadd.s32 $0xFFFFF000  }
0x14f: {  	_ =	swait.ge [sflag:s1], $0x1000  }
0x150: {  	[sflag:s1] =	ssyncset.done $0x0  }
0x151: {  	s9 =	simm.s32 $0x4C00;
	[sflag:s1] =	ssyncadd.s32 $0xFFFFF000  }
0x152: {  	[spmem:s2] =	stream.indirect.scatter.add.f32 [tilespmem:s18], [sflag:$0x9], $0x20, s9, s17, $0xb8;
	[tilespmem:$0x11F00] =	vst v63  }
0x153: {  	_ =	swait.ge [sflag:s15], $0x1000  }
0x154: {  	[sflag:s15] =	ssyncset.done $0x0  }
0x155: {  	[sflag:s15] =	ssyncadd.s32 $0xFFFFF000  }
0x156: {  	_ =	swait.ge [sflag:s16], $0x1000  }
0x157: {  	[sflag:s16] =	ssyncset.done $0x0  }
0x158: {  	s8 =	simm.s32 $0x4C80;
	[sflag:s16] =	ssyncadd.s32 $0xFFFFF000  }
0x159: {  	[spmem:s2] =	stream.indirect.scatter.add.f32 [tilespmem:s20], [sflag:$0x9], $0x20, s8, s17, $0xb8;
	[tilespmem:$0x11F00] =	vst v63  }
0x15a: {  	_ =	swait.ge [sflag:s15], $0x1000  }
0x15b: {  	[sflag:s15] =	ssyncset.done $0x0  }
0x15c: {  	[sflag:s15] =	ssyncadd.s32 $0xFFFFF000  }
0x15d: {  	_ =	swait.ge [sflag:s19], $0x1000  }
0x15e: {  	[sflag:s19] =	ssyncset.done $0x0  }
0x15f: {  	s9 =	simm.s32 $0x4D00;
	[sflag:s19] =	ssyncadd.s32 $0xFFFFF000  }
0x160: {  	[spmem:s2] =	stream.indirect.scatter.add.f32 [tilespmem:s22], [sflag:$0x9], $0x20, s9, s17, $0xb8;
	[tilespmem:$0x11F00] =	vst v63  }
0x161: {  	_ =	swait.ge [sflag:s15], $0x1000  }
0x162: {  	[sflag:s15] =	ssyncset.done $0x0  }
0x163: {  	[sflag:s15] =	ssyncadd.s32 $0xFFFFF000  }
0x164: {  	_ =	swait.ge [sflag:s21], $0x1000  }
0x165: {  	[sflag:s21] =	ssyncset.done $0x0  }
0x166: {  	s8 =	simm.s32 $0x4D80;
	[sflag:s21] =	ssyncadd.s32 $0xFFFFF000  }
0x167: {  	[spmem:s2] =	stream.indirect.scatter.add.f32 [tilespmem:s24], [sflag:$0x9], $0x20, s8, s17, $0xb8;
	[tilespmem:$0x11F00] =	vst v63  }
0x168: {  	_ =	swait.ge [sflag:s15], $0x1000  }
0x169: {  	[sflag:s15] =	ssyncset.done $0x0  }
0x16a: {  	[sflag:s15] =	ssyncadd.s32 $0xFFFFF000  }
0x16b: {  	_ =	swait.ge [sflag:s23], $0x1000  }
0x16c: {  	[sflag:s23] =	ssyncset.done $0x0  }
0x16d: {  	s9 =	simm.s32 $0x4E00;
	[sflag:s23] =	ssyncadd.s32 $0xFFFFF000  }
0x16e: {  	[spmem:s2] =	stream.indirect.scatter.add.f32 [tilespmem:s26], [sflag:$0x9], $0x20, s9, s17, $0xb8;
	[tilespmem:$0x11F00] =	vst v63  }
0x16f: {  	_ =	swait.ge [sflag:s15], $0x1000  }
0x170: {  	[sflag:s15] =	ssyncset.done $0x0  }
0x171: {  	s6 =	simm.s32 @!p0 $0x7;
	[sflag:s15] =	ssyncadd.s32 $0xFFFFF000  }
0x172: {  	_ =	swait.ge @!p0 [sflag:s6], $0x1000  }
0x173: {  	[sflag:s6] =	ssyncset.done @!p0 $0x0  }
0x174: {  	[sflag:s6] =	ssyncadd.s32 @!p0 $0xFFFFF000;
	s6 =	simm.s32 @!p0 $0x4E80  }
0x175: {  	[spmem:s2] =	stream.indirect.scatter.add.f32 @!p0 [tilespmem:s7], [sflag:$0x9], $0x20, s6, s0, $0xb8;
	[tilespmem:$0x11F00] =	vst v63  }
0x176: {  	s0 =	simm.s32 @!p0 $0x9  }
0x177: {  	s3 =	sadd.s32 $0x1, s3;
	_ =	swait.ge @!p0 [sflag:s0], $0x1000  }
0x178: {  	p1 =	sne.s32 s3, s13;
	s8 =	stileid.u32;
	[sflag:s0] =	ssyncset.done @!p0 $0x0  }
0x179: {  	s9 =	sshrl.u32 s5, $0x3;
	[sflag:s0] =	ssyncadd.s32 @!p0 $0xFFFFF000;
	s0 =	sshll.u32 s8, $0x6  }
.Ltmp2:
0x17a: {  	[bflag:$0x0] =	sbarrier.arrive $0xFFFF;
	s0 =	sor.u32 $0x1C09, s0;
	(pc) =	sbr.rel @p1 .LBB2_1-.Ltmp2, $4  }
0x17b: {  	[hbm:s12], [sflag:s0] =	dma.local [spmem:s9], $0xA00  }
0x17c: {  	_ =	swait.ge [sflag:s15], $0xA00  }
0x17d: {  	[sflag:s15] =	ssyncset.done $0x0  }
0x17e: {  	[sflag:s15] =	ssyncadd.s32 $0xFFFFF600  }
0x17f: {  	_ =	sfence.sel $0x180000  }
0x180: {  	[bflag:$0x0] =	sbarrier.arrive $0xFFFF  }
0x181: {  	_ =	strace $0x9000004D  }
0x182: {  	s0 =	stileid.u32;
	[bflag:$0x2] =	sbarrier.arrive $0xFFFF  }
0x183: {  	p0 =	sne.s32 s0, $0x0;
	s0 =	rddreg [dreg:$0x2]  }
0x184: {  	s0 =	sadd.s32 @!p0 $0x100000, s0  }
0x185: {  	[sflag:s0] =	ssyncadd.tile.s32 @!p0 $0x1;
	_ =	shalt  }
.Lfunc_end2:
_tile_overlayer_lowered:
.L_overlay_start_2:
0x186: {  	(tag) =	ssettag $0x2  }
0x187: {  	s0 =	rddreg [dreg:$0x0];
	s2 =	stileid.u32  }
0x188: {  	s1 =	rddreg [dreg:$0x1];
	p0 =	sne.s32 s2, $0x0  }
0x189: {  	s3 =	rddreg [dreg:$0x2];
	[bflag:$0x3] =	sbarrier.arrive $0xFFFF;
	s2 =	simm.s32 @!p0 $0x1C09  }
0x18a: {  	[timem:s3], [sflag:s2] =	dma.local @!p0 [hbm:s0], s1  }
0x18b: {  	s0 =	simm.s32 @!p0 $0x9  }
0x18c: {  	_ =	swait.ge @!p0 [sflag:s0], s1  }
0x18d: {  	s1 =	ssub.s32 @!p0 $0x0, s1;
	[sflag:s0] =	ssyncset.done @!p0 $0x0  }
0x18e: {  	[sflag:s0] =	ssyncadd.s32 @!p0 s1  }
0x18f: {  	[bflag:$0x3] =	sbarrier.arrive $0xFFFF  }
0x190: {  	_ =	shalt  }

// kernel: kernel.8.cloned.1.call-start
scs
__scs_entry_jumppad:
0x0: {  	(pc) =	sbr.rel $0x88, $3  }
0x1: {  	(tag) =	ssettag $0x0;
	lr =	simm.s32 $0x1  }
0x2: {  	[smem:$0x3F96] =	sst lr;
	_ =	strace $0xD0000000  }
0x3: {  	_ = 	snop  }
0x4: {  	_ = 	snop  }
0x5: {  	_ = 	snop  }
0x6: {  	_ = 	snop  }
0x7: {  	_ = 	snop  }
__scs_overlays_trampoline_lowered:
0x8: {  	[smem:$0x3FA5] =	sst s0  }
0x9: {  	[smem:$0x3FA6] =	sst s1  }
0xa: {  	[smem:$0x3FA7] =	sst s2  }
0xb: {  	[smem:$0x3FA8] =	sst s3  }
0xc: {  	[smem:$0x3FA9] =	sst s4  }
0xd: {  	[smem:$0x3FAA] =	sst s5  }
0xe: {  	[smem:$0x3FAB] =	sst s6  }
0xf: {  	[smem:$0x3FAC] =	sst s7  }
0x10: {  	[smem:$0x3FAD] =	sst s8  }
0x11: {  	[smem:$0x3FAE] =	sst s9;
	s0 =	simm.s32 @!p0 $0x0  }
0x12: {  	s1 =	sld [smem:$0x3F94];
	s0 =	simm.s32 @p0 $0x1  }
0x13: {  	[smem:$0x3FAF] =	sst s0;
	s0 =	simm.s32 @!p1 $0x0  }
0x14: {  	s2 =	sld [smem:$0x3F93];
	s0 =	simm.s32 @p1 $0x1  }
0x15: {  	[smem:$0x3FB0] =	sst s0;
	s0 =	simm.s32 @!p2 $0x0  }
0x16: {  	s3 =	sld [smem:$0x3FDB];
	s0 =	simm.s32 @p2 $0x1  }
0x17: {  	s4 =	simm.s32 $0x1BF5;
	[smem:$0x3FB2] =	sst s0  }
0x18: {  	s0 =	sld [smem:$0x3F95];
	_ =	swait.ge [sflag:s4], $0x0  }
0x19: {  	s7 =	sld [smem:$0x3F96]  }
0x1a: {  	s8 =	sadd.s32 $0xFFFFE003, lr  }
0x1b: {  	s9 =	sadd.s32 $0xFFFFFEF7, lr;
	s5 =	simm.s32 $0xFFFFFFFF;
	p2 =	slt.u32 s8, $0xFFFFF086  }
0x1c: {  	p1 =	slt.u32 s9, $0xF7A;
	s5 =	simm.s32 @!p2 $0x0  }
0x1d: {  	s5 =	simm.s32 @p1 $0x1;
	p0 =	seq.s32 s7, s2  }
0x1e: {  	s7 =	smul.u32 @!p0 $0xF7A, s2;
	p2 =	seq.s32 @!p0 s5, $0x0  }
0x1f: {  	s9 =	smul.u32 $0xF7A, s1;
	s8 =	simm.s32 @!p0 $0x1BF5;
	p2 =	por !p2, p0  }
0x20: {  	[sflag:s8] =	ssyncset.s32 @!p0 $0xFFFFF086;
	s6 =	sadd.s32 @!p0 s3, s7;
	s7 =	simm.s32 @!p0 $0x108  }
0x21: {  	s3 =	sadd.s32 s3, s9;
	s6 =	sadd.s32 @!p0 $0x88, s6;
	s7 =	simm.s32 @p2 $0x1082  }
0x22: {  	[simem:s7], [sflag:s8] =	dma.local @!p0 [hbm:s6], $0xF7A  }
0x23: {  	s9 =	sor.u32 $0xD0000000, s2;
	s6 =	simm.s32 $0x108;
	_ =	swait.ge @!p0 [sflag:s8], $0x0  }
0x24: {  	s3 =	sadd.s32 $0x88, s3;
	s6 =	simm.s32 @!p1 $0x1082;
	[sflag:s4] =	ssyncset.s32 $0xFFFFF086  }
0x25: {  	[simem:s6], [sflag:s4] =	dma.local [hbm:s3], $0xF7A  }
0x26: {  	[smem:$0x3F96] =	sst s1;
	(tag) =	ssettag s2;
	_ =	strace s9  }
0x27: {  	s1 =	sld [smem:$0x3FA6]  }
0x28: {  	s2 =	sld [smem:$0x3FA7]  }
0x29: {  	s4 =	sld [smem:$0x3FA9]  }
0x2a: {  	p0 =	seq.s32 s5, $0x0;
	s5 =	sld [smem:$0x3FAA]  }
0x2b: {  	s6 =	sld [smem:$0x3FAB]  }
0x2c: {  	s7 =	sld [smem:$0x3FAC]  }
0x2d: {  	s3 =	simm.s32 $0x108;
	s8 =	sld [smem:$0x3FAD]  }
0x2e: {  	s3 =	simm.s32 @!p0 $0x1082;
	s9 =	sld [smem:$0x3FAE]  }
0x2f: {  	lr =	sadd.s32 s0, s3;
	s0 =	sld [smem:$0x3FA5]  }
0x30: {  	s3 =	sld [smem:$0x3FA8]  }
0x31: {  	[smem:$0x3FB1] =	sst s10  }
0x32: {  	s10 =	sld [smem:$0x3FAF];
	_ =	sdelay $0x3  }
0x33: {  	p0 =	seq.s32 s10, $0x1;
	s10 =	sld [smem:$0x3FB1];
	_ =	sdelay $0x3  }
0x34: {  	[smem:$0x3FB1] =	sst s10  }
0x35: {  	s10 =	sld [smem:$0x3FB0];
	_ =	sdelay $0x3  }
0x36: {  	p1 =	seq.s32 s10, $0x1;
	s10 =	sld [smem:$0x3FB1];
	_ =	sdelay $0x3  }
0x37: {  	[smem:$0x3FB1] =	sst s10  }
0x38: {  	s10 =	sld [smem:$0x3FB2]  }
0x39: {  	_ = 	snop;
	(pc) =	sbr.ind lr, $3  }
0x3a: {  	_ = 	snop  }
0x3b: {  	_ = 	snop  }
0x3c: {  	p2 =	seq.s32 s10, $0x1;
	s10 =	sld [smem:$0x3FB1]  }
0x3d: {  	_ =	shalt  }
0x3e: {  	_ =	shalt  }
0x3f: {  	_ =	shalt  }
0x40: {  	_ =	shalt  }
0x41: {  	_ =	shalt  }
0x42: {  	_ =	shalt  }
0x43: {  	_ =	shalt  }
0x44: {  	_ =	shalt  }
0x45: {  	_ =	shalt  }
0x46: {  	_ =	shalt  }
0x47: {  	_ =	shalt  }
0x48: {  	_ =	shalt  }
0x49: {  	_ =	shalt  }
0x4a: {  	_ =	shalt  }
0x4b: {  	_ =	shalt  }
0x4c: {  	_ =	shalt  }
0x4d: {  	_ =	shalt  }
0x4e: {  	_ =	shalt  }
0x4f: {  	_ =	shalt  }
0x50: {  	_ =	shalt  }
0x51: {  	_ =	shalt  }
0x52: {  	_ =	shalt  }
0x53: {  	_ =	shalt  }
0x54: {  	_ =	shalt  }
0x55: {  	_ =	shalt  }
0x56: {  	_ =	shalt  }
0x57: {  	_ =	shalt  }
0x58: {  	_ =	shalt  }
0x59: {  	_ =	shalt  }
0x5a: {  	_ =	shalt  }
0x5b: {  	_ =	shalt  }
0x5c: {  	_ =	shalt  }
0x5d: {  	_ =	shalt  }
0x5e: {  	_ =	shalt  }
0x5f: {  	_ =	shalt  }
0x60: {  	_ =	shalt  }
0x61: {  	_ =	shalt  }
0x62: {  	_ =	shalt  }
0x63: {  	_ =	shalt  }
0x64: {  	_ =	shalt  }
0x65: {  	_ =	shalt  }
0x66: {  	_ =	shalt  }
0x67: {  	_ =	shalt  }
0x68: {  	_ =	shalt  }
0x69: {  	_ =	shalt  }
0x6a: {  	_ =	shalt  }
0x6b: {  	_ =	shalt  }
0x6c: {  	_ =	shalt  }
0x6d: {  	_ =	shalt  }
0x6e: {  	_ =	shalt  }
0x6f: {  	_ =	shalt  }
0x70: {  	_ =	shalt  }
0x71: {  	_ =	shalt  }
0x72: {  	_ =	shalt  }
0x73: {  	_ =	shalt  }
0x74: {  	_ =	shalt  }
0x75: {  	_ =	shalt  }
0x76: {  	_ =	shalt  }
0x77: {  	_ =	shalt  }
0x78: {  	_ =	shalt  }
0x79: {  	_ =	shalt  }
0x7a: {  	_ =	shalt  }
0x7b: {  	_ =	shalt  }
0x7c: {  	_ =	shalt  }
0x7d: {  	_ =	shalt  }
0x7e: {  	_ =	shalt  }
0x7f: {  	_ =	shalt  }
0x80: {  	_ =	shalt  }
0x81: {  	_ =	shalt  }
0x82: {  	_ =	shalt  }
0x83: {  	_ =	shalt  }
0x84: {  	_ =	shalt  }
0x85: {  	_ =	shalt  }
0x86: {  	_ =	shalt  }
0x87: {  	_ =	shalt  }
.Lfunc_end0:
.L_simem_size_0:
called_computation_lowered:
.L_overlay_start_0:
0x88: {  	s2 =	sld [smem:$0x3FD9]  }
0x89: {  	s3 =	sld [smem:$0x3FFE];
	_ =	sdelay $0x1  }
0x8a: {  	s1 =	srdreg.scid  }
0x8b: {  	s0 =	sand.u32 $0x1, s1  }
0x8c: {  	s16 =	sshll.u32 s0, $0xA;
	s2 =	sadd.s32 s3, s2  }
0x8d: {  	s2 =	sadd.s32 s2, s16  }
0x8e: {  	[smem:$0x3FBD] =	sst s2  }
0x8f: {  	_ = 	snop  }
0x90: {  	(tm) =	ssettm $0x1  }
0x91: {  	s17 =	sld [smem:$0x3FFB];
	_ =	sdelay $0x3  }
0x92: {  	_ =	strace s17  }
0x93: {  	s2 =	sld [smem:$0x3FFC];
	_ =	sdelay $0x3  }
0x94: {  	_ =	strace s2  }
0x95: {  	s2 =	sld [smem:$0x3FFD];
	_ =	sdelay $0x3  }
0x96: {  	_ =	strace s2  }
0x97: {  	_ =	strace $0x8FFFFFFF  }
0x98: {  	s18 =	sld [smem:$0x3FDB];
	_ =	sdelay $0x1  }
0x99: {  	s19 =	simm.s32 $_scs_section_size  }
0x9a: {  	s4 =	simm.s32 $_size__tile_overlayer_lowered;
	s5 =	simm.s32 $_tile_overlayer_lowered  }
0x9b: {  	s22 =	simm.s32 $0x1BFF;
	s21 =	sshll.u32 s5, $0x1;
	s2 =	sadd.s32 s19, s18  }
0x9c: {  	s6 =	simm.s32 $0x0;
	s20 =	sshll.u32 s4, $0x1;
	s4 =	sadd.s32 s21, s2  }
0x9d: {  	[timem:s6], [sflag:s22] =	dma.local [hbm:s4], s20  }
0x9e: {  	_ =	swait.ge [sflag:s22], s20  }
0x9f: {  	s3 =	ssub.s32 $0x0, s20;
	[sflag:s22] =	ssyncset.done $0x0  }
0xa0: {  	[sflag:s22] =	ssyncadd.s32 s3;
	_ =	sdelay $0x1  }
0xa1: {  	s23 =	simm.s32 $0x1B8B  }
0xa2: {  	_ =	swait.ge [sflag:s23], $0x1  }
0xa3: {  	[sflag:s23] =	ssyncset.done $0x0  }
0xa4: {  	s25 =	simm.s32 $0x1B8E;
	s24 =	sld [smem:$0x3FFE];
	[sflag:s23] =	ssyncadd.s32 $0xFFFFFFFF  }
0xa5: {  	s26 =	simm.s32 $execute0_lowered;
	[smem:$0x3FD2] =	sst s25  }
0xa6: {  	s4 =	sshll.u32 s26, $0x1;
	_ =	strace $0x80000046;
	[dreg:$0x1] =	wrdreg $0xFFFFFFFF  }
0xa7: {  	s28 =	simm.s32 $_size_execute0_lowered;
	s2 =	sadd.s32 s2, s4;
	[dreg:$0x0] =	wrdreg $0x0  }
0xa8: {  	s4 =	sshll.u32 s28, $0x1;
	[dreg:$0x2] =	wrdreg s2  }
0xa9: {  	[dreg:$0x3] =	wrdreg s4  }
0xaa: {  	[dreg:$0x4] =	wrdreg $0xC0  }
0xab: {  	_ =	task [dreg:s6], $0x5FFFF  }
0xac: {  	[dreg:$0x1] =	wrdreg $0xFFFFFFFF  }
0xad: {  	[dreg:$0x0] =	wrdreg $0x60  }
0xae: {  	[dreg:$0x2] =	wrdreg s24  }
0xaf: {  	[dreg:$0x3] =	wrdreg $0x9  }
0xb0: {  	_ =	task.clear_ibuf [dreg:s6], $0x4FFFF;
	_ =	strace $0x90000046  }
0xb1: {  	s29 =	simm.s32 $0x9;
	_ =	strace $0x80000048  }
0xb2: {  	_ =	swait.ge [sflag:s29], $0x1  }
0xb3: {  	[sflag:s29] =	ssyncadd.s32 $0xFFFFFFFF  }
0xb4: {  	_ =	strace $0x90000048  }
0xb5: {  	_ =	sfence  }
0xb6: {  	s30 =	sld [smem:$0x0];
	_ =	sdelay $0x2  }
0xb7: {  	s31 =	sshll.u32 s1, $0xD;
	s1 =	sshrl.u32 s1, $0x2  }
0xb8: {  	s3 =	sand.u32 $0x4000, s31;
	s1 =	sadd.s32 s1, s30  }
0xb9: {  	s0 =	sor.u32 s3, s0;
	s1 =	sshll.u32 s1, $0x11  }
0xba: {  	s0 =	sor.u32 s1, s0  }
0xbb: {  	s0 =	sadd.s32 $0x8F2B, s0  }
0xbc: {  	[sflag:s0] =	ssyncadd.remote.s32 $0x1  }
0xbd: {  	_ =	sfence.sel $0xFFFF  }
0xbe: {  	[dreg:$0x0] =	wrdreg $0xFFFFFFFF;
	(pc) =	sbr.abs _section_cstart, $3  }
0xbf: {  	[dreg:$0x1] =	wrdreg $0xFFFFFFFF  }
0xc0: {  	_ =	task.clear_ibuf [dreg:s6], $0x2FFFF;
	_ =	strace $0x9FFFFFFF  }
0xc1: {  	(tm) =	ssettm $0x7FFFFFFF  }
tec
execute0_lowered:
.L_overlay_start_1:
0x0: {  	(tag) =	ssettag $0x1  }
0x1: {  	s0 =	srdreg.scid  }
0x2: {  	s3 =	sand.u32 $0x1, s0  }
0x3: {  	s4 =	rddreg [dreg:$0x0];
	s0 =	stileid.u32;
	s1 =	sshll.u32 s3, $0x4  }
0x4: {  	s2 =	simm.s32 $0x0;
	s8 =	simm.s32 $0x80;
	s5 =	sor.u32 s0, s1  }
0x5: {  	s9 =	simm.s32 $0x400;
	[smem:$0x7FF] =	sst s2;
	s6 =	sshrl.u32 s5, $0x3  }
0x6: {  	s7 =	sshll.u32 s0, $0x7;
	s3 =	ssub.s32 $0x2, s3;
	s6 =	smul.u32 $0x14000, s6  }
0x7: {  	s1 =	rddreg [dreg:$0x1];
	s7 =	sand.u32 $0x380, s7;
	s5 =	smul.u32 $0x4E2, s5  }
0x8: {  	_ =	strace $0x80000047;
	s30 =	sshrl.u32 s3, $0x1;
	s6 =	sor.u32 s7, s6  }
0x9: {  	s31 =	ssub.s32 s3, s30;
	s5 =	sadd.s32 s5, s4;
	s6 =	sshrl.u32 s6, $0x3  }
0xa: {  	s3 =	sadd.s32 $0x3A00, s5;
	s5 =	smax.u32 s31, $0x1;
	s4 =	sadd.s32 s6, s4  }
0xb: {  	v0 =	vimm.f32 $0.0e+00;
	v1 =	vimm.f32 $1.000000000e+00;
	s7 =	simm.s32 $0x2780;
	s6 =	simm.s32 $0x1;
	s4 =	sadd.s32 $0xD800, s4  }
.LBB2_1:
0xc: {  	s10 =	simm.s32 $0x40;
	s11 =	simm.s32 $0x0  }
.LBB2_2:
0xd: {  	p0 =	sne.s32 s10, $0x9FC0;
	[tilespmem:s11+$0x2780] =	vst v0;
	s11 =	smov.u32 s10;
	s10 =	sadd.s32 $0x40, s10  }
.Ltmp0:
0xe: {  	(pc) =	sbr.rel @p0 .LBB2_2-.Ltmp0, $2  }
0xf: {  	_ =	sdelay $0x2  }
0x10: {  	s11 =	sshra.s32 s11, $0x2  }
0x11: {  	[tilespmem:s11+$0x2780] =	vst v0;
	s10 =	simm.s32 $0x0  }
0x12: {  	[tilespmem:s10], [sflag:$0x1] =	stream.linear.gather [hbm4b:s3+s10], $0x2710, $0x38;
	[tilespmem:$0x4F80] =	vst v63  }
0x13: {  	_ =	swait.ge [sflag:s6], $0x2710  }
0x14: {  	[sflag:s6] =	ssyncset.done $0x0  }
0x15: {  	s11 =	simm.s32 $0x0;
	s10 =	simm.s32 $0x40;
	[sflag:s6] =	ssyncadd.s32 $0xFFFFD8F0  }
.LBB2_4:
0x16: {  	p0 =	sne.s32 s10, $0x9C00;
	v2 =	vld [tilespmem:s11+$0x0];
	_ =	sdelay $0x3  }
.Ltmp1:
0x17: {  	(pc) =	sbr.rel @p0 .LBB2_4-.Ltmp1, $2  }
0x18: {  	_ =	sdelay $0x2  }
0x19: {  	s11 =	sshra.s32 s10, $0x2;
	s10 =	sadd.s32 $0x40, s10;
	[tilespmem:v2+s7+$0x0] =	vst.idx.add.f32.msk $0xffff, v1  }
0x1a: {  	v2 =	vld [tilespmem:s11+$0x0];
	_ =	sdelay $0x5  }
0x1b: {  	s2 =	sadd.s32 $0x1, s2  }
0x1c: {  	p0 =	sne.s32 s2, s5  }
.Ltmp2:
0x1d: {  	[tilespmem:v2+s7+$0x0] =	vst.idx.add.f32.msk $0xffff, v1;
	(pc) =	sbr.rel @p0 .LBB2_1-.Ltmp2, $4  }
0x1e: {  	[hbm4b:s4+s8] =	stream.strided.scatter [tilespmem:s7], [sflag:$0x1], $0x2800, s9, s8, $0x38;
	[tilespmem:$0x4F80] =	vst v63  }
0x1f: {  	_ =	swait.ge [sflag:s6], $0x2800  }
0x20: {  	[sflag:s6] =	ssyncset.done $0x0  }
0x21: {  	[sflag:s6] =	ssyncadd.s32 $0xFFFFD800  }
0x22: {  	_ =	sfence.sel $0x180000  }
0x23: {  	[bflag:$0x0] =	sbarrier.arrive $0xFFFF  }
0x24: {  	p0 =	sne.s32 s0, $0x0;
	_ =	strace $0x90000047  }
0x25: {  	s0 =	sadd.s32 @!p0 $0x100000, s1;
	[bflag:$0x2] =	sbarrier.arrive $0xFFFF  }
0x26: {  	[sflag:s0] =	ssyncadd.tile.s32 @!p0 $0x1;
	_ =	shalt  }
.Lfunc_end2:
_tile_overlayer_lowered:
.L_overlay_start_2:
0x27: {  	(tag) =	ssettag $0x2  }
0x28: {  	s0 =	rddreg [dreg:$0x0];
	s2 =	stileid.u32  }
0x29: {  	s1 =	rddreg [dreg:$0x1];
	p0 =	sne.s32 s2, $0x0  }
0x2a: {  	s3 =	rddreg [dreg:$0x2];
	[bflag:$0x3] =	sbarrier.arrive $0xFFFF;
	s2 =	simm.s32 @!p0 $0x1C01  }
0x2b: {  	[timem:s3], [sflag:s2] =	dma.local @!p0 [hbm:s0], s1  }
0x2c: {  	s0 =	simm.s32 @!p0 $0x1  }
0x2d: {  	_ =	swait.ge @!p0 [sflag:s0], s1  }
0x2e: {  	s1 =	ssub.s32 @!p0 $0x0, s1;
	[sflag:s0] =	ssyncset.done @!p0 $0x0  }
0x2f: {  	[sflag:s0] =	ssyncadd.s32 @!p0 s1  }
0x30: {  	[bflag:$0x3] =	sbarrier.arrive $0xFFFF  }
0x31: {  	_ =	shalt  }

</sc_bundles>
